<compile_context>
chip_gen: v7x
topology: tpu7x:2x2x1
jax: 0.10.2.dev20260603
libtpu: 0.0.44.dev20260713+nightly
codegen_flags: <defaults>
</compile_context>

<pallas_src>
import functools

import jax
import jax.numpy as jnp
import numpy as np
from jax import lax
from jax.experimental import pallas as pl
from jax.experimental.pallas import tpu as pltpu
from jax.experimental.pallas import tpu_sc as plsc

N = 10000
E = 320000
D = 128
H1 = 8
C1 = 8
NC = 40

NCORE = 2
NSUB = 16
NW = NCORE * NSUB

CHUNK1 = 32
CHUNK2 = 64
EROWS1 = E // CHUNK1
EROWS2 = E // CHUNK2

SW1 = 128
DW1 = 64
AW1 = 128
SW2 = 96
DW2 = 48
AW2 = 48

RB = 2000
ZR = 208
NPS = 624

_SC_MESH = plsc.VectorSubcoreMesh(
    core_axis_name="c", subcore_axis_name="s",
    num_cores=NCORE, num_subcores=NSUB)
_SC_PARAMS = pltpu.CompilerParams(use_tc_tiling_on_sc=False)



def _prep1_body(x_ref, w_ref, asrc_ref, adst_ref, stab_ref, adtab_ref, m_ref):
    i = pl.program_id(0)
    h = jnp.dot(x_ref[...], w_ref[...], preferred_element_type=jnp.float32)
    a_s = jnp.dot(h, asrc_ref[...], preferred_element_type=jnp.float32)
    a_d = jnp.dot(h, adst_ref[...], preferred_element_type=jnp.float32)
    stab_ref[...] = jnp.concatenate([h, a_s], axis=1)
    adtab_ref[...] = a_d
    bm = jnp.concatenate(
        [jnp.max(a_s, axis=0, keepdims=True),
         jnp.max(a_d, axis=0, keepdims=True)], axis=1)

    @pl.when(i == 0)
    def _():
        m_ref[...] = bm

    @pl.when(i > 0)
    def _():
        m_ref[...] = jnp.maximum(m_ref[...], bm)


def _prep1(x, W1, Asrc_exp, Adst_exp):
    return pl.pallas_call(
        _prep1_body,
        grid=(N // RB,),
        in_specs=[
            pl.BlockSpec((RB, D), lambda i: (i, 0)),
            pl.BlockSpec((D, H1 * C1), lambda i: (0, 0)),
            pl.BlockSpec((H1 * C1, 64), lambda i: (0, 0)),
            pl.BlockSpec((H1 * C1, 64), lambda i: (0, 0)),
        ],
        out_specs=[
            pl.BlockSpec((RB, SW1), lambda i: (i, 0)),
            pl.BlockSpec((RB, DW1), lambda i: (i, 0)),
            pl.BlockSpec((1, 128), lambda i: (0, 0)),
        ],
        out_shape=[
            jax.ShapeDtypeStruct((N, SW1), jnp.float32),
            jax.ShapeDtypeStruct((N, DW1), jnp.float32),
            jax.ShapeDtypeStruct((1, 128), jnp.float32),
        ],
    )(x, W1, Asrc_exp, Adst_exp)



def _zero_acc(zbuf, acc, sid, rw):
    def _zf(r, c):
        for j in range(rw // 16):
            zbuf[r, pl.ds(j * 16, 16)] = jnp.zeros((16,), jnp.float32)
        return c
    lax.fori_loop(0, ZR, _zf, 0)
    nbase = sid * NPS
    for k in range(3):
        pltpu.sync_copy(zbuf, acc.at[pl.ds(nbase + k * ZR, ZR)])

    @pl.when(sid == NSUB - 1)
    def _():
        pltpu.sync_copy(zbuf.at[pl.ds(0, 16)], acc.at[pl.ds(NSUB * NPS, 16)])


def _publish_acc(acc, out, cid, sid):
    nbase = sid * NPS
    pltpu.sync_copy(acc.at[pl.ds(nbase, NPS)], out.at[pl.ds(nbase, NPS)])

    @pl.when(sid == NSUB - 1)
    def _():
        pltpu.sync_copy(acc.at[pl.ds(NSUB * NPS, 16)],
                        out.at[pl.ds(NSUB * NPS, 16)])


def _edge_pass_body(hoff, nj, chunk, npairs, mk_start, tail_cond,
                    stab, adtab, sidx, didx, mexp, out,
                    sidxa, didxa, sidxb, didxb, sra, dra, srb, drb,
                    msga, msgb, mexp_v,
                    zbuf, acc, sas, sad, sbs, sbd, sca, scb):
    cid = lax.axis_index("c")
    sid = lax.axis_index("s")

    @pl.when(cid == 0)
    def _():
        _zero_acc(zbuf, acc, sid, nj * 16)
        pltpu.sync_copy(mexp, mexp_v)
        plsc.subcore_barrier()

        mvs = [mexp_v[pl.ds(j * 16, 16)] for j in range(nj)]
        start = mk_start(sid)

        def _compute(srows, drows, msg):
            def _edge(ee, c2):
                for j in range(nj):
                    a = srows[ee, pl.ds(hoff + j * 16, 16)]
                    b = drows[ee, pl.ds(j * 16, 16)]
                    t = a + b
                    t = jnp.maximum(t, 0.2 * t) - mvs[j]
                    ex = jnp.exp(t)
                    hv = srows[ee, pl.ds(j * 16, 16)]
                    msg[ee, pl.ds(j * 16, 16)] = hv * ex
                    if hoff == 64:
                        msg[ee, pl.ds(64 + j * 16, 16)] = ex
                return c2

            lax.fori_loop(0, chunk, _edge, 0)

        def _pair(g, c):
            row = start + 2 * g

            @pl.when(g > 0)
            def _():
                pltpu.make_async_copy(msga, acc.at[didxa], sca).wait()

            pltpu.sync_copy(sidx.at[row], sidxa)
            pltpu.sync_copy(didx.at[row], didxa)
            ga_s = pltpu.make_async_copy(stab.at[sidxa], sra, sas)
            ga_d = pltpu.make_async_copy(adtab.at[didxa], dra, sad)
            ga_s.start()
            ga_d.start()

            @pl.when(g > 0)
            def _():
                pltpu.make_async_copy(msgb, acc.at[didxb], scb).wait()

            pltpu.sync_copy(sidx.at[row + 1], sidxb)
            pltpu.sync_copy(didx.at[row + 1], didxb)
            gb_s = pltpu.make_async_copy(stab.at[sidxb], srb, sbs)
            gb_d = pltpu.make_async_copy(adtab.at[didxb], drb, sbd)
            gb_s.start()
            gb_d.start()
            ga_s.wait()
            ga_d.wait()
            _compute(sra, dra, msga)
            da = pltpu.make_async_copy(msga, acc.at[didxa], sca)
            da.start(add=True)
            gb_s.wait()
            gb_d.wait()
            _compute(srb, drb, msgb)
            db = pltpu.make_async_copy(msgb, acc.at[didxb], scb)
            db.start(add=True)
            return c

        lax.fori_loop(0, npairs, _pair, 0)
        pltpu.make_async_copy(msga, acc.at[didxa], sca).wait()
        pltpu.make_async_copy(msgb, acc.at[didxb], scb).wait()

        @pl.when(tail_cond(sid))
        def _tail():
            row = start + 2 * npairs
            pltpu.sync_copy(sidx.at[row], sidxa)
            pltpu.sync_copy(didx.at[row], didxa)
            ga_s = pltpu.make_async_copy(stab.at[sidxa], sra, sas)
            ga_d = pltpu.make_async_copy(adtab.at[didxa], dra, sad)
            ga_s.start()
            ga_d.start()
            ga_s.wait()
            ga_d.wait()
            _compute(sra, dra, msga)
            da = pltpu.make_async_copy(msga, acc.at[didxa], sca)
            da.start(add=True)
            da.wait()

        plsc.subcore_barrier()
        _publish_acc(acc, out, cid, sid)


def _make_edge_pass(hoff, nj, chunk, npairs, mk_start, tail_cond, sw, dw, aw):
    body = functools.partial(_edge_pass_body, hoff, nj, chunk, npairs,
                             mk_start, tail_cond)
    return functools.partial(
        pl.kernel,
        out_type=jax.ShapeDtypeStruct((N, aw), jnp.float32),
        mesh=_SC_MESH,
        compiler_params=_SC_PARAMS,
        scratch_types=[
            pltpu.VMEM((chunk,), jnp.int32),
            pltpu.VMEM((chunk,), jnp.int32),
            pltpu.VMEM((chunk,), jnp.int32),
            pltpu.VMEM((chunk,), jnp.int32),
            pltpu.VMEM((chunk, sw), jnp.float32),
            pltpu.VMEM((chunk, dw), jnp.float32),
            pltpu.VMEM((chunk, sw), jnp.float32),
            pltpu.VMEM((chunk, dw), jnp.float32),
            pltpu.VMEM((chunk, aw), jnp.float32),
            pltpu.VMEM((chunk, aw), jnp.float32),
            pltpu.VMEM((nj * 16,), jnp.float32),
            pltpu.VMEM((ZR, aw), jnp.float32),
            pltpu.VMEM_SHARED((N, aw), jnp.float32),
            pltpu.SemaphoreType.DMA,
            pltpu.SemaphoreType.DMA,
            pltpu.SemaphoreType.DMA,
            pltpu.SemaphoreType.DMA,
            pltpu.SemaphoreType.DMA,
            pltpu.SemaphoreType.DMA,
        ],
    )(body)


_sc1 = _make_edge_pass(
    64, 4, CHUNK1, (EROWS1 // NSUB) // 2,
    lambda sid: sid * (EROWS1 // NSUB), lambda sid: sid >= 0,
    SW1, DW1, AW1)
_sc2 = _make_edge_pass(
    48, 3, CHUNK2, 156,
    lambda sid: sid * 313 - jnp.maximum(sid - 8, 0), lambda sid: sid < 8,
    SW2, DW2, AW2)



def _mid_body(acc_ref, stab_ref, adtab_ref, mexp_ref, b1_ref, w2_ref,
              a2s_ref, a2d_ref, stab2_ref, adtab2_ref, m2_ref):
    i = pl.program_id(0)
    acc = acc_ref[...]
    h1 = stab_ref[:, 0:64]
    as_e = stab_ref[:, 64:128]
    ad_e = adtab_ref[...]
    t = as_e + ad_e
    exs = jnp.exp(jnp.maximum(t, 0.2 * t) - mexp_ref[...])
    num = acc[:, 0:64] + exs * h1
    den = acc[:, 64:128] + exs + 1e-16
    o1 = num / den + b1_ref[...]
    hmid = jnp.where(o1 > 0, o1, jnp.exp(jnp.minimum(o1, 0.0)) - 1.0)
    h2 = jnp.dot(hmid, w2_ref[...], preferred_element_type=jnp.float32)
    as2 = jnp.dot(h2, a2s_ref[...], preferred_element_type=jnp.float32)
    ad2 = jnp.dot(h2, a2d_ref[...], preferred_element_type=jnp.float32)
    ones = jnp.ones((RB, 1), jnp.float32)
    stab2_ref[...] = jnp.concatenate(
        [h2, ones, jnp.zeros((RB, 7), jnp.float32),
         jnp.broadcast_to(as2, (RB, 48))], axis=1)
    adtab2_ref[...] = jnp.broadcast_to(ad2, (RB, DW2))
    bm = jnp.concatenate(
        [jnp.max(as2, axis=0, keepdims=True),
         jnp.max(ad2, axis=0, keepdims=True),
         jnp.zeros((1, 14), jnp.float32)], axis=1)

    @pl.when(i == 0)
    def _():
        m2_ref[...] = bm

    @pl.when(i > 0)
    def _():
        m2_ref[...] = jnp.maximum(m2_ref[...], bm)


def _mid(acc1, stab, adtab, mexp1, b1, W2, A2s, A2d):
    return pl.pallas_call(
        _mid_body,
        grid=(N // RB,),
        in_specs=[
            pl.BlockSpec((RB, AW1), lambda i: (i, 0)),
            pl.BlockSpec((RB, SW1), lambda i: (i, 0)),
            pl.BlockSpec((RB, DW1), lambda i: (i, 0)),
            pl.BlockSpec((1, 64), lambda i: (0, 0)),
            pl.BlockSpec((1, 64), lambda i: (0, 0)),
            pl.BlockSpec((64, NC), lambda i: (0, 0)),
            pl.BlockSpec((NC, 1), lambda i: (0, 0)),
            pl.BlockSpec((NC, 1), lambda i: (0, 0)),
        ],
        out_specs=[
            pl.BlockSpec((RB, SW2), lambda i: (i, 0)),
            pl.BlockSpec((RB, DW2), lambda i: (i, 0)),
            pl.BlockSpec((1, 16), lambda i: (0, 0)),
        ],
        out_shape=[
            jax.ShapeDtypeStruct((N, SW2), jnp.float32),
            jax.ShapeDtypeStruct((N, DW2), jnp.float32),
            jax.ShapeDtypeStruct((1, 16), jnp.float32),
        ],
    )(acc1, stab, adtab, mexp1, b1, W2, A2s, A2d)



def _fin_body(acc_ref, stab2_ref, adtab2_ref, m2_ref, b2_ref, out_ref):
    acc = acc_ref[...]
    h2 = stab2_ref[:, 0:40]
    as2 = stab2_ref[:, 48:49]
    ad2 = adtab2_ref[:, 0:1]
    m2 = m2_ref[0, 0] + m2_ref[0, 1]
    m2 = jnp.maximum(m2, 0.2 * m2)
    t = as2 + ad2
    ex = jnp.exp(jnp.maximum(t, 0.2 * t) - m2)
    num = acc[:, 0:40] + ex * h2
    den = acc[:, 40:41] + ex + 1e-16
    o2 = num / den + b2_ref[...]
    mx = jnp.max(o2, axis=1, keepdims=True)
    z = o2 - mx
    lse = jnp.log(jnp.sum(jnp.exp(z), axis=1, keepdims=True))
    out_ref[...] = z - lse


def _fin(acc2, stab2, adtab2, m2, b2):
    return pl.pallas_call(
        _fin_body,
        grid=(N // RB,),
        in_specs=[
            pl.BlockSpec((RB, AW2), lambda i: (i, 0)),
            pl.BlockSpec((RB, SW2), lambda i: (i, 0)),
            pl.BlockSpec((RB, DW2), lambda i: (i, 0)),
            pl.BlockSpec((1, 16), lambda i: (0, 0)),
            pl.BlockSpec((1, NC), lambda i: (0, 0)),
        ],
        out_specs=pl.BlockSpec((RB, NC), lambda i: (i, 0)),
        out_shape=jax.ShapeDtypeStruct((N, NC), jnp.float32),
    )(acc2, stab2, adtab2, m2, b2)



def kernel(x, edge_index, W1, a_src1, a_dst1, b1, W2, a_src2, a_dst2, b2):
    src_i = edge_index[0].astype(jnp.int32)
    dst_i = edge_index[1].astype(jnp.int32)
    sidx1 = src_i.reshape(EROWS1, CHUNK1)
    didx1 = dst_i.reshape(EROWS1, CHUNK1)
    sidx2v = src_i.reshape(EROWS2, CHUNK2)
    didx2v = dst_i.reshape(EROWS2, CHUNK2)

    r8 = np.zeros((H1, H1 * C1), np.float32)
    for hh in range(H1):
        r8[hh, hh * C1:(hh + 1) * C1] = 1.0
    R8 = jnp.asarray(r8)
    Asrc_exp = _expand_a(a_src1, H1, C1) @ R8
    Adst_exp = _expand_a(a_dst1, H1, C1) @ R8

    stab, adtab, m1 = _prep1(x, W1, Asrc_exp, Adst_exp)
    ms = m1[0, 0:64] + m1[0, 64:128]
    mexp1 = jnp.maximum(ms, 0.2 * ms)

    acc1 = _sc1(stab, adtab, sidx1, didx1, mexp1)

    stab2, adtab2, m2 = _mid(acc1, stab, adtab, mexp1.reshape(1, 64),
                             b1.reshape(1, -1), W2,
                             a_src2.reshape(-1, 1), a_dst2.reshape(-1, 1))
    s2 = m2[0, 0] + m2[0, 1]
    M2 = jnp.maximum(s2, 0.2 * s2)
    mexp2 = jnp.full((48,), M2, jnp.float32)

    acc2 = _sc2(stab2, adtab2, sidx2v, didx2v, mexp2)

    return _fin(acc2, stab2, adtab2, m2, b2.reshape(1, -1))


def _expand_a(a, H, C):
    out = jnp.zeros((H * C, H), jnp.float32)
    idx = jnp.arange(H * C)
    return out.at[idx, idx // C].set(a.reshape(-1))

# --- scband reference (transcript-rebuilt; emitter-appended) ---
"""Pipeline reference for scband-gat-3264175145463 (READ-ONLY COPY).

The authoritative reference and input builder live on the scoring server;
editing this copy changes nothing except your own understanding.
"""

import jax, jax.numpy as jnp
import numpy as np

N = 10000
E = 320000
D = 128
H1 = 8
C1 = 8
NC = 40


def _gat_conv(x, src, dst, W, a_src, a_dst, bias, H, C, concat):
    n = x.shape[0]
    h = (x @ W).reshape(n, H, C)
    alpha_src = (h * a_src[None, :, :]).sum(-1)  # [n, H]
    alpha_dst = (h * a_dst[None, :, :]).sum(-1)  # [n, H]
    alpha = alpha_src[src] + alpha_dst[dst]      # [e, H]
    alpha = jax.nn.leaky_relu(alpha, 0.2)
    amax = jax.ops.segment_max(alpha, dst, num_segments=n)
    amax = jax.lax.stop_gradient(amax)
    ex = jnp.exp(alpha - amax[dst])
    denom = jax.ops.segment_sum(ex, dst, num_segments=n)
    att = ex / (denom[dst] + 1e-16)              # softmax over incoming edges
    msg = h[src] * att[:, :, None]               # [e, H, C]
    out = jax.ops.segment_sum(msg, dst, num_segments=n)  # [n, H, C]
    if concat:
        out = out.reshape(n, H * C)
    else:
        out = out.mean(axis=1)
    return out + bias


def setup_inputs(seed: int = 0):
    key = jax.random.key(seed)
    ks = jax.random.split(key, 12)
    x = jax.random.normal(ks[0], (N, D), dtype=jnp.float32)
    edge_index = jax.random.randint(ks[1], (2, E), 0, N)
    W1 = jax.random.normal(ks[2], (D, H1 * C1), dtype=jnp.float32) * (1.0 / np.sqrt(D))
    a_src1 = jax.random.normal(ks[3], (H1, C1), dtype=jnp.float32) * 0.1
    a_dst1 = jax.random.normal(ks[4], (H1, C1), dtype=jnp.float32) * 0.1
    b1 = jnp.zeros((H1 * C1,), dtype=jnp.float32)
    W2 = jax.random.normal(ks[5], (H1 * C1, NC), dtype=jnp.float32) * (1.0 / np.sqrt(H1 * C1))
    a_src2 = jax.random.normal(ks[6], (1, NC), dtype=jnp.float32) * 0.1
    a_dst2 = jax.random.normal(ks[7], (1, NC), dtype=jnp.float32) * 0.1
    b2 = jnp.zeros((NC,), dtype=jnp.float32)
    return {"x": x, "edge_index": edge_index, "W1": W1, "a_src1": a_src1,
            "a_dst1": a_dst1, "b1": b1, "W2": W2, "a_src2": a_src2,
            "a_dst2": a_dst2, "b2": b2}


def reference(x, edge_index, W1, a_src1, a_dst1, b1, W2, a_src2, a_dst2, b2):
    # eval mode: dropout(p=0.6) layers are identity
    n = x.shape[0]
    loop = jnp.arange(n, dtype=edge_index.dtype)
    src = jnp.concatenate([edge_index[0], loop])  # add self-loops (PyG default)
    dst = jnp.concatenate([edge_index[1], loop])
    h = _gat_conv(x, src, dst, W1, a_src1, a_dst1, b1, H1, C1, True)
    h = jax.nn.elu(h)
    out = _gat_conv(h, src, dst, W2, a_src2, a_dst2, b2, 1, NC, False)
    return jax.nn.log_softmax(out, axis=-1)

if __name__ == "__main__":
    import jax
    _d = setup_inputs()
    print(jax.jit(kernel)(*tuple(_d.values())))

</pallas_src>

<mosaic_0001>
#map = affine_map<(d0, d1) -> (0, 0)>
#map1 = affine_map<(d0, d1) -> (0)>
module attributes {stable_mosaic.version = 14 : i64} {
  func.func @_edge_pass_body(%arg0: i32, %arg1: i32, %arg2: memref<10000x128xf32, #tpu.memory_space<hbm>>, %arg3: memref<10000x64xf32, #tpu.memory_space<hbm>>, %arg4: memref<10000x32xi32, #tpu.memory_space<hbm>>, %arg5: memref<10000x32xi32, #tpu.memory_space<hbm>>, %arg6: memref<64xf32, #tpu.memory_space<hbm>>, %arg7: memref<10000x128xf32, #tpu.memory_space<hbm>>, %arg8: memref<32xi32, #tpu.memory_space<vmem>>, %arg9: memref<32xi32, #tpu.memory_space<vmem>>, %arg10: memref<32xi32, #tpu.memory_space<vmem>>, %arg11: memref<32xi32, #tpu.memory_space<vmem>>, %arg12: memref<32x128xf32, #tpu.memory_space<vmem>>, %arg13: memref<32x64xf32, #tpu.memory_space<vmem>>, %arg14: memref<32x128xf32, #tpu.memory_space<vmem>>, %arg15: memref<32x64xf32, #tpu.memory_space<vmem>>, %arg16: memref<32x128xf32, #tpu.memory_space<vmem>>, %arg17: memref<32x128xf32, #tpu.memory_space<vmem>>, %arg18: memref<64xf32, #tpu.memory_space<vmem>>, %arg19: memref<208x128xf32, #tpu.memory_space<vmem>>, %arg20: memref<10000x128xf32, #tpu.memory_space<vmem_shared>>, %arg21: memref<!tpu.dma_semaphore, #tpu.memory_space<semaphore_mem>>, %arg22: memref<!tpu.dma_semaphore, #tpu.memory_space<semaphore_mem>>, %arg23: memref<!tpu.dma_semaphore, #tpu.memory_space<semaphore_mem>>, %arg24: memref<!tpu.dma_semaphore, #tpu.memory_space<semaphore_mem>>, %arg25: memref<!tpu.dma_semaphore, #tpu.memory_space<semaphore_mem>>, %arg26: memref<!tpu.dma_semaphore, #tpu.memory_space<semaphore_mem>>) attributes {dimension_semantics = [#tpu.dimension_semantics<core_parallel>, #tpu.dimension_semantics<subcore_parallel>], iteration_bounds = array<i64: 2, 16>, scalar_prefetch = 0 : i64, scratch_operands = 19 : i64, tpu.core_type = #tpu.core_type<sc_vector_subcore>, window_params = [{transform_indices = #map}, {transform_indices = #map}, {transform_indices = #map}, {transform_indices = #map}, {transform_indices = #map1}, {transform_indices = #map}]} {
    %eq3A = arith.constant 0 : i32
    %eq3A_0 = arith.cmpi eq, %arg0, %eq3A : i32
    %convert_element_type3A = arith.extui %eq3A_0 : i1 to i32
    %cond3A = arith.constant 0 : i32
    %cond3A_1 = arith.cmpi ne, %convert_element_type3A, %cond3A : i32
    scf.if %cond3A_1 {
      %scan3A = arith.constant 0 : i32
      %scan3A_2 = arith.constant 0 : i32
      %scan3A_3 = arith.constant 208 : i32
      %scan3A_4 = arith.addi %scan3A_2, %scan3A_3 : i32
      %scan3A_5 = arith.constant 1 : i32
      scf.for %scan3A_54 = %scan3A_2 to %scan3A_4 step %scan3A_5  : i32 {
        %broadcast_in_dim3A = arith.constant 0.000000e+00 : f32
        %broadcast_in_dim3A_55 = vector.broadcast %broadcast_in_dim3A : f32 to vector<16xf32>
        %swap3A = arith.index_cast %scan3A_54 : i32 to index
        %swap3A_56 = arith.constant 0 : index
        %swap3A_57 = tpu.vector_load %arg19[%swap3A, %swap3A_56] {strides = array<i32>} : memref<208x128xf32, #tpu.memory_space<vmem>>, vector<1x16xf32>,
        %swap3A_58 = vector.shape_cast %swap3A_57 : vector<1x16xf32> to vector<16xf32>
        %swap3A_59 = vector.shape_cast %broadcast_in_dim3A_55 : vector<16xf32> to vector<1x16xf32>
        tpu.vector_store %arg19[%swap3A, %swap3A_56], %swap3A_59 {strides = array<i32>} : memref<208x128xf32, #tpu.memory_space<vmem>>, vector<1x16xf32>,
        %broadcast_in_dim3A_60 = arith.constant 0.000000e+00 : f32
        %broadcast_in_dim3A_61 = vector.broadcast %broadcast_in_dim3A_60 : f32 to vector<16xf32>
        %swap3A_62 = arith.index_cast %scan3A_54 : i32 to index
        %swap3A_63 = arith.constant 16 : index
        %swap3A_64 = tpu.vector_load %arg19[%swap3A_62, %swap3A_63] {strides = array<i32>} : memref<208x128xf32, #tpu.memory_space<vmem>>, vector<1x16xf32>,
        %swap3A_65 = vector.shape_cast %swap3A_64 : vector<1x16xf32> to vector<16xf32>
        %swap3A_66 = vector.shape_cast %broadcast_in_dim3A_61 : vector<16xf32> to vector<1x16xf32>
        tpu.vector_store %arg19[%swap3A_62, %swap3A_63], %swap3A_66 {strides = array<i32>} : memref<208x128xf32, #tpu.memory_space<vmem>>, vector<1x16xf32>,
        %broadcast_in_dim3A_67 = arith.constant 0.000000e+00 : f32
        %broadcast_in_dim3A_68 = vector.broadcast %broadcast_in_dim3A_67 : f32 to vector<16xf32>
        %swap3A_69 = arith.index_cast %scan3A_54 : i32 to index
        %swap3A_70 = arith.constant 32 : index
        %swap3A_71 = tpu.vector_load %arg19[%swap3A_69, %swap3A_70] {strides = array<i32>} : memref<208x128xf32, #tpu.memory_space<vmem>>, vector<1x16xf32>,
        %swap3A_72 = vector.shape_cast %swap3A_71 : vector<1x16xf32> to vector<16xf32>
        %swap3A_73 = vector.shape_cast %broadcast_in_dim3A_68 : vector<16xf32> to vector<1x16xf32>
        tpu.vector_store %arg19[%swap3A_69, %swap3A_70], %swap3A_73 {strides = array<i32>} : memref<208x128xf32, #tpu.memory_space<vmem>>, vector<1x16xf32>,
        %broadcast_in_dim3A_74 = arith.constant 0.000000e+00 : f32
        %broadcast_in_dim3A_75 = vector.broadcast %broadcast_in_dim3A_74 : f32 to vector<16xf32>
        %swap3A_76 = arith.index_cast %scan3A_54 : i32 to index
        %swap3A_77 = arith.constant 48 : index
        %swap3A_78 = tpu.vector_load %arg19[%swap3A_76, %swap3A_77] {strides = array<i32>} : memref<208x128xf32, #tpu.memory_space<vmem>>, vector<1x16xf32>,
        %swap3A_79 = vector.shape_cast %swap3A_78 : vector<1x16xf32> to vector<16xf32>
        %swap3A_80 = vector.shape_cast %broadcast_in_dim3A_75 : vector<16xf32> to vector<1x16xf32>
        tpu.vector_store %arg19[%swap3A_76, %swap3A_77], %swap3A_80 {strides = array<i32>} : memref<208x128xf32, #tpu.memory_space<vmem>>, vector<1x16xf32>,
      }
      %scan3A_6 = arith.constant 208 : i32
      %mul3A = arith.constant 624 : i32
      %mul3A_7 = arith.muli %arg1, %mul3A : i32
      %add3A = arith.constant 0 : i32
      %add3A_8 = arith.addi %mul3A_7, %add3A : i32
      "tpu.region"() ({
        %run_scoped3A = tpu.sem_alloc : memref<!tpu.dma_semaphore, #tpu.memory_space<semaphore_mem>>
        %dma_start3A = arith.constant 0 : i32
        %dma_start3A_54 = tpu.memref_slice %arg20[%add3A_8, %dma_start3A] : memref<10000x128xf32, #tpu.memory_space<vmem_shared>> -> memref<208x128xf32, #tpu.memory_space<vmem_shared>>
        %dma_start3A_55 = arith.constant 0 : i32
        %dma_start3A_56 = tpu.memref_slice %arg20[%add3A_8, %dma_start3A_55] : memref<10000x128xf32, #tpu.memory_space<vmem_shared>> -> memref<208x128xf32, #tpu.memory_space<vmem_shared>>
        tpu.enqueue_dma source(%arg19 : memref<208x128xf32, #tpu.memory_space<vmem>>) target(%dma_start3A_56 : memref<208x128xf32, #tpu.memory_space<vmem_shared>>) target_semaphore(%run_scoped3A : memref<!tpu.dma_semaphore, #tpu.memory_space<semaphore_mem>>)
        %dma_wait3A_57 = arith.constant 0 : i32
        %dma_wait3A_58 = tpu.memref_slice %arg20[%add3A_8, %dma_wait3A_57] : memref<10000x128xf32, #tpu.memory_space<vmem_shared>> -> memref<208x128xf32, #tpu.memory_space<vmem_shared>>
        %dma_wait3A_59 = arith.constant 0 : i32
        %dma_wait3A_60 = tpu.memref_slice %arg20[%add3A_8, %dma_wait3A_59] : memref<10000x128xf32, #tpu.memory_space<vmem_shared>> -> memref<208x128xf32, #tpu.memory_space<vmem_shared>>
        tpu.wait_dma2 semaphore(%run_scoped3A : memref<!tpu.dma_semaphore, #tpu.memory_space<semaphore_mem>>) src(%arg19 : memref<208x128xf32, #tpu.memory_space<vmem>>) dst(%dma_wait3A_60 : memref<208x128xf32, #tpu.memory_space<vmem_shared>>)
        tpu.yield
      }) : () -> ()
      %add3A_9 = arith.constant 208 : i32
      %add3A_10 = arith.addi %mul3A_7, %add3A_9 : i32
      "tpu.region"() ({
        %run_scoped3A = tpu.sem_alloc : memref<!tpu.dma_semaphore, #tpu.memory_space<semaphore_mem>>
        %dma_start3A = arith.constant 0 : i32
        %dma_start3A_54 = tpu.memref_slice %arg20[%add3A_10, %dma_start3A] : memref<10000x128xf32, #tpu.memory_space<vmem_shared>> -> memref<208x128xf32, #tpu.memory_space<vmem_shared>>
        %dma_start3A_55 = arith.constant 0 : i32
        %dma_start3A_56 = tpu.memref_slice %arg20[%add3A_10, %dma_start3A_55] : memref<10000x128xf32, #tpu.memory_space<vmem_shared>> -> memref<208x128xf32, #tpu.memory_space<vmem_shared>>
        tpu.enqueue_dma source(%arg19 : memref<208x128xf32, #tpu.memory_space<vmem>>) target(%dma_start3A_56 : memref<208x128xf32, #tpu.memory_space<vmem_shared>>) target_semaphore(%run_scoped3A : memref<!tpu.dma_semaphore, #tpu.memory_space<semaphore_mem>>)
        %dma_wait3A_57 = arith.constant 0 : i32
        %dma_wait3A_58 = tpu.memref_slice %arg20[%add3A_10, %dma_wait3A_57] : memref<10000x128xf32, #tpu.memory_space<vmem_shared>> -> memref<208x128xf32, #tpu.memory_space<vmem_shared>>
        %dma_wait3A_59 = arith.constant 0 : i32
        %dma_wait3A_60 = tpu.memref_slice %arg20[%add3A_10, %dma_wait3A_59] : memref<10000x128xf32, #tpu.memory_space<vmem_shared>> -> memref<208x128xf32, #tpu.memory_space<vmem_shared>>
        tpu.wait_dma2 semaphore(%run_scoped3A : memref<!tpu.dma_semaphore, #tpu.memory_space<semaphore_mem>>) src(%arg19 : memref<208x128xf32, #tpu.memory_space<vmem>>) dst(%dma_wait3A_60 : memref<208x128xf32, #tpu.memory_space<vmem_shared>>)
        tpu.yield
      }) : () -> ()
      %add3A_11 = arith.constant 416 : i32
      %add3A_12 = arith.addi %mul3A_7, %add3A_11 : i32
      "tpu.region"() ({
        %run_scoped3A = tpu.sem_alloc : memref<!tpu.dma_semaphore, #tpu.memory_space<semaphore_mem>>
        %dma_start3A = arith.constant 0 : i32
        %dma_start3A_54 = tpu.memref_slice %arg20[%add3A_12, %dma_start3A] : memref<10000x128xf32, #tpu.memory_space<vmem_shared>> -> memref<208x128xf32, #tpu.memory_space<vmem_shared>>
        %dma_start3A_55 = arith.constant 0 : i32
        %dma_start3A_56 = tpu.memref_slice %arg20[%add3A_12, %dma_start3A_55] : memref<10000x128xf32, #tpu.memory_space<vmem_shared>> -> memref<208x128xf32, #tpu.memory_space<vmem_shared>>
        tpu.enqueue_dma source(%arg19 : memref<208x128xf32, #tpu.memory_space<vmem>>) target(%dma_start3A_56 : memref<208x128xf32, #tpu.memory_space<vmem_shared>>) target_semaphore(%run_scoped3A : memref<!tpu.dma_semaphore, #tpu.memory_space<semaphore_mem>>)
        %dma_wait3A_57 = arith.constant 0 : i32
        %dma_wait3A_58 = tpu.memref_slice %arg20[%add3A_12, %dma_wait3A_57] : memref<10000x128xf32, #tpu.memory_space<vmem_shared>> -> memref<208x128xf32, #tpu.memory_space<vmem_shared>>
        %dma_wait3A_59 = arith.constant 0 : i32
        %dma_wait3A_60 = tpu.memref_slice %arg20[%add3A_12, %dma_wait3A_59] : memref<10000x128xf32, #tpu.memory_space<vmem_shared>> -> memref<208x128xf32, #tpu.memory_space<vmem_shared>>
        tpu.wait_dma2 semaphore(%run_scoped3A : memref<!tpu.dma_semaphore, #tpu.memory_space<semaphore_mem>>) src(%arg19 : memref<208x128xf32, #tpu.memory_space<vmem>>) dst(%dma_wait3A_60 : memref<208x128xf32, #tpu.memory_space<vmem_shared>>)
        tpu.yield
      }) : () -> ()
      %eq3A_13 = arith.constant 15 : i32
      %eq3A_14 = arith.cmpi eq, %arg1, %eq3A_13 : i32
      %convert_element_type3A_15 = arith.extui %eq3A_14 : i1 to i32
      %cond3A_16 = arith.constant 0 : i32
      %cond3A_17 = arith.cmpi ne, %convert_element_type3A_15, %cond3A_16 : i32
      scf.if %cond3A_17 {
        "tpu.region"() ({
          %run_scoped3A = tpu.sem_alloc : memref<!tpu.dma_semaphore, #tpu.memory_space<semaphore_mem>>
          %dma_start3A = arith.constant 0 : i32
          %dma_start3A_54 = arith.constant 0 : i32
          %dma_start3A_55 = tpu.memref_slice %arg19[%dma_start3A, %dma_start3A_54] : memref<208x128xf32, #tpu.memory_space<vmem>> -> memref<16x128xf32, #tpu.memory_space<vmem>>
          %dma_start3A_56 = arith.constant 9984 : i32
          %dma_start3A_57 = arith.constant 0 : i32
          %dma_start3A_58 = tpu.memref_slice %arg20[%dma_start3A_56, %dma_start3A_57] : memref<10000x128xf32, #tpu.memory_space<vmem_shared>> -> memref<16x128xf32, #tpu.memory_space<vmem_shared>>
          %dma_start3A_59 = arith.constant 9984 : i32
          %dma_start3A_60 = arith.constant 0 : i32
          %dma_start3A_61 = tpu.memref_slice %arg20[%dma_start3A_59, %dma_start3A_60] : memref<10000x128xf32, #tpu.memory_space<vmem_shared>> -> memref<16x128xf32, #tpu.memory_space<vmem_shared>>
          %dma_start3A_62 = arith.constant 0 : i32
          %dma_start3A_63 = arith.constant 0 : i32
          %dma_start3A_64 = tpu.memref_slice %arg19[%dma_start3A_62, %dma_start3A_63] : memref<208x128xf32, #tpu.memory_space<vmem>> -> memref<16x128xf32, #tpu.memory_space<vmem>>
          tpu.enqueue_dma source(%dma_start3A_64 : memref<16x128xf32, #tpu.memory_space<vmem>>) target(%dma_start3A_61 : memref<16x128xf32, #tpu.memory_space<vmem_shared>>) target_semaphore(%run_scoped3A : memref<!tpu.dma_semaphore, #tpu.memory_space<semaphore_mem>>)
          %dma_wait3A_65 = arith.constant 0 : i32
          %dma_wait3A_66 = arith.constant 0 : i32
          %dma_wait3A_67 = tpu.memref_slice %arg19[%dma_wait3A_65, %dma_wait3A_66] : memref<208x128xf32, #tpu.memory_space<vmem>> -> memref<16x128xf32, #tpu.memory_space<vmem>>
          %dma_wait3A_68 = arith.constant 9984 : i32
          %dma_wait3A_69 = arith.constant 0 : i32
          %dma_wait3A_70 = tpu.memref_slice %arg20[%dma_wait3A_68, %dma_wait3A_69] : memref<10000x128xf32, #tpu.memory_space<vmem_shared>> -> memref<16x128xf32, #tpu.memory_space<vmem_shared>>
          %dma_wait3A_71 = arith.constant 9984 : i32
          %dma_wait3A_72 = arith.constant 0 : i32
          %dma_wait3A_73 = tpu.memref_slice %arg20[%dma_wait3A_71, %dma_wait3A_72] : memref<10000x128xf32, #tpu.memory_space<vmem_shared>> -> memref<16x128xf32, #tpu.memory_space<vmem_shared>>
          %dma_wait3A_74 = arith.constant 0 : i32
          %dma_wait3A_75 = arith.constant 0 : i32
          %dma_wait3A_76 = tpu.memref_slice %arg19[%dma_wait3A_74, %dma_wait3A_75] : memref<208x128xf32, #tpu.memory_space<vmem>> -> memref<16x128xf32, #tpu.memory_space<vmem>>
          tpu.wait_dma2 semaphore(%run_scoped3A : memref<!tpu.dma_semaphore, #tpu.memory_space<semaphore_mem>>) src(%dma_wait3A_76 : memref<16x128xf32, #tpu.memory_space<vmem>>) dst(%dma_wait3A_73 : memref<16x128xf32, #tpu.memory_space<vmem_shared>>)
          tpu.yield
        }) : () -> ()
      } else {
      }
      "tpu.region"() ({
        %run_scoped3A = tpu.sem_alloc : memref<!tpu.dma_semaphore, #tpu.memory_space<semaphore_mem>>
        tpu.enqueue_dma source(%arg6 : memref<64xf32, #tpu.memory_space<hbm>>) target(%arg18 : memref<64xf32, #tpu.memory_space<vmem>>) target_semaphore(%run_scoped3A : memref<!tpu.dma_semaphore, #tpu.memory_space<semaphore_mem>>)
        tpu.wait_dma2 semaphore(%run_scoped3A : memref<!tpu.dma_semaphore, #tpu.memory_space<semaphore_mem>>) src(%arg6 : memref<64xf32, #tpu.memory_space<hbm>>) dst(%arg18 : memref<64xf32, #tpu.memory_space<vmem>>)
        tpu.yield
      }) : () -> ()
      %barrier3A = arith.constant 0 : index
      tpu.barrier barrier_id(%barrier3A)
      %get3A = arith.constant 0 : index
      %get3A_18 = tpu.vector_load %arg18[%get3A] {strides = array<i32>} : memref<64xf32, #tpu.memory_space<vmem>>, vector<16xf32>,
      %get3A_19 = vector.shape_cast %get3A_18 : vector<16xf32> to vector<16xf32>
      %get3A_20 = arith.constant 16 : index
      %get3A_21 = tpu.vector_load %arg18[%get3A_20] {strides = array<i32>} : memref<64xf32, #tpu.memory_space<vmem>>, vector<16xf32>,
      %get3A_22 = vector.shape_cast %get3A_21 : vector<16xf32> to vector<16xf32>
      %get3A_23 = arith.constant 32 : index
      %get3A_24 = tpu.vector_load %arg18[%get3A_23] {strides = array<i32>} : memref<64xf32, #tpu.memory_space<vmem>>, vector<16xf32>,
      %get3A_25 = vector.shape_cast %get3A_24 : vector<16xf32> to vector<16xf32>
      %get3A_26 = arith.constant 48 : index
      %get3A_27 = tpu.vector_load %arg18[%get3A_26] {strides = array<i32>} : memref<64xf32, #tpu.memory_space<vmem>>, vector<16xf32>,
      %get3A_28 = vector.shape_cast %get3A_27 : vector<16xf32> to vector<16xf32>
      %mul3A_29 = arith.constant 625 : i32
      %mul3A_30 = arith.muli %arg1, %mul3A_29 : i32
      %scan3A_31 = arith.constant 0 : i32
      %scan3A_32 = arith.constant 0 : i32
      %scan3A_33 = arith.constant 312 : i32
      %scan3A_34 = arith.addi %scan3A_32, %scan3A_33 : i32
      %scan3A_35 = arith.constant 1 : i32
      scf.for %scan3A_54 = %scan3A_32 to %scan3A_34 step %scan3A_35  : i32 {
        %mul3A_55 = arith.constant 2 : i32
        %mul3A_56 = arith.muli %mul3A_55, %scan3A_54 : i32
        %add3A_57 = arith.addi %mul3A_30, %mul3A_56 : i32
        %gt3A = arith.constant 0 : i32
        %gt3A_58 = arith.cmpi sgt, %scan3A_54, %gt3A : i32
        %convert_element_type3A_59 = arith.extui %gt3A_58 : i1 to i32
        %cond3A_60 = arith.constant 0 : i32
        %cond3A_61 = arith.cmpi ne, %convert_element_type3A_59, %cond3A_60 : i32
        scf.if %cond3A_61 {
          %dma_wait3A_112 = arith.constant 0 : i32
          %dma_wait3A_113 = arith.constant 0 : i32
          %dma_wait3A_114 = tpu.memref_slice %arg20[%dma_wait3A_112, %dma_wait3A_113] : memref<10000x128xf32, #tpu.memory_space<vmem_shared>> -> memref<10000x128xf32, #tpu.memory_space<vmem_shared>>
          tpu.wait_indirect_dma semaphore(%arg25 : memref<!tpu.dma_semaphore, #tpu.memory_space<semaphore_mem>>) src(%arg16 : memref<32x128xf32, #tpu.memory_space<vmem>>) dst(%dma_wait3A_114 : memref<10000x128xf32, #tpu.memory_space<vmem_shared>>)
        } else {
        }
        "tpu.region"() ({
          %run_scoped3A = tpu.sem_alloc : memref<!tpu.dma_semaphore, #tpu.memory_space<semaphore_mem>>
          %dma_start3A_112 = arith.constant 0 : i32
          %dma_start3A_113 = tpu.memref_slice %arg4[%add3A_57, %dma_start3A_112] : memref<10000x32xi32, #tpu.memory_space<hbm>> -> memref<1x32xi32, #tpu.memory_space<hbm>>
          %dma_start3A_114 = tpu.memref_squeeze %dma_start3A_113 : memref<1x32xi32, #tpu.memory_space<hbm>> -> memref<32xi32, #tpu.memory_space<hbm>>
          %dma_start3A_115 = arith.constant 0 : i32
          %dma_start3A_116 = tpu.memref_slice %arg4[%add3A_57, %dma_start3A_115] : memref<10000x32xi32, #tpu.memory_space<hbm>> -> memref<1x32xi32, #tpu.memory_space<hbm>>
          %dma_start3A_117 = tpu.memref_squeeze %dma_start3A_116 : memref<1x32xi32, #tpu.memory_space<hbm>> -> memref<32xi32, #tpu.memory_space<hbm>>
          tpu.enqueue_dma source(%dma_start3A_117 : memref<32xi32, #tpu.memory_space<hbm>>) target(%arg8 : memref<32xi32, #tpu.memory_space<vmem>>) target_semaphore(%run_scoped3A : memref<!tpu.dma_semaphore, #tpu.memory_space<semaphore_mem>>)
          %dma_wait3A_118 = arith.constant 0 : i32
          %dma_wait3A_119 = tpu.memref_slice %arg4[%add3A_57, %dma_wait3A_118] : memref<10000x32xi32, #tpu.memory_space<hbm>> -> memref<1x32xi32, #tpu.memory_space<hbm>>
          %dma_wait3A_120 = tpu.memref_squeeze %dma_wait3A_119 : memref<1x32xi32, #tpu.memory_space<hbm>> -> memref<32xi32, #tpu.memory_space<hbm>>
          %dma_wait3A_121 = arith.constant 0 : i32
          %dma_wait3A_122 = tpu.memref_slice %arg4[%add3A_57, %dma_wait3A_121] : memref<10000x32xi32, #tpu.memory_space<hbm>> -> memref<1x32xi32, #tpu.memory_space<hbm>>
          %dma_wait3A_123 = tpu.memref_squeeze %dma_wait3A_122 : memref<1x32xi32, #tpu.memory_space<hbm>> -> memref<32xi32, #tpu.memory_space<hbm>>
          tpu.wait_dma2 semaphore(%run_scoped3A : memref<!tpu.dma_semaphore, #tpu.memory_space<semaphore_mem>>) src(%dma_wait3A_123 : memref<32xi32, #tpu.memory_space<hbm>>) dst(%arg8 : memref<32xi32, #tpu.memory_space<vmem>>)
          tpu.yield
        }) : () -> ()
        "tpu.region"() ({
          %run_scoped3A = tpu.sem_alloc : memref<!tpu.dma_semaphore, #tpu.memory_space<semaphore_mem>>
          %dma_start3A_112 = arith.constant 0 : i32
          %dma_start3A_113 = tpu.memref_slice %arg5[%add3A_57, %dma_start3A_112] : memref<10000x32xi32, #tpu.memory_space<hbm>> -> memref<1x32xi32, #tpu.memory_space<hbm>>
          %dma_start3A_114 = tpu.memref_squeeze %dma_start3A_113 : memref<1x32xi32, #tpu.memory_space<hbm>> -> memref<32xi32, #tpu.memory_space<hbm>>
          %dma_start3A_115 = arith.constant 0 : i32
          %dma_start3A_116 = tpu.memref_slice %arg5[%add3A_57, %dma_start3A_115] : memref<10000x32xi32, #tpu.memory_space<hbm>> -> memref<1x32xi32, #tpu.memory_space<hbm>>
          %dma_start3A_117 = tpu.memref_squeeze %dma_start3A_116 : memref<1x32xi32, #tpu.memory_space<hbm>> -> memref<32xi32, #tpu.memory_space<hbm>>
          tpu.enqueue_dma source(%dma_start3A_117 : memref<32xi32, #tpu.memory_space<hbm>>) target(%arg9 : memref<32xi32, #tpu.memory_space<vmem>>) target_semaphore(%run_scoped3A : memref<!tpu.dma_semaphore, #tpu.memory_space<semaphore_mem>>)
          %dma_wait3A_118 = arith.constant 0 : i32
          %dma_wait3A_119 = tpu.memref_slice %arg5[%add3A_57, %dma_wait3A_118] : memref<10000x32xi32, #tpu.memory_space<hbm>> -> memref<1x32xi32, #tpu.memory_space<hbm>>
          %dma_wait3A_120 = tpu.memref_squeeze %dma_wait3A_119 : memref<1x32xi32, #tpu.memory_space<hbm>> -> memref<32xi32, #tpu.memory_space<hbm>>
          %dma_wait3A_121 = arith.constant 0 : i32
          %dma_wait3A_122 = tpu.memref_slice %arg5[%add3A_57, %dma_wait3A_121] : memref<10000x32xi32, #tpu.memory_space<hbm>> -> memref<1x32xi32, #tpu.memory_space<hbm>>
          %dma_wait3A_123 = tpu.memref_squeeze %dma_wait3A_122 : memref<1x32xi32, #tpu.memory_space<hbm>> -> memref<32xi32, #tpu.memory_space<hbm>>
          tpu.wait_dma2 semaphore(%run_scoped3A : memref<!tpu.dma_semaphore, #tpu.memory_space<semaphore_mem>>) src(%dma_wait3A_123 : memref<32xi32, #tpu.memory_space<hbm>>) dst(%arg9 : memref<32xi32, #tpu.memory_space<vmem>>)
          tpu.yield
        }) : () -> ()
        %dma_start3A = arith.constant 0 : i32
        %dma_start3A_62 = arith.constant 0 : i32
        %dma_start3A_63 = tpu.memref_slice %arg2[%dma_start3A, %dma_start3A_62] : memref<10000x128xf32, #tpu.memory_space<hbm>> -> memref<10000x128xf32, #tpu.memory_space<hbm>>
        tpu.enqueue_indirect_dma source(%dma_start3A_63 : memref<10000x128xf32, #tpu.memory_space<hbm>>) target(%arg12 : memref<32x128xf32, #tpu.memory_space<vmem>>) offsets(%arg8 : memref<32xi32, #tpu.memory_space<vmem>>) semaphore(%arg21 : memref<!tpu.dma_semaphore, #tpu.memory_space<semaphore_mem>>)
        %dma_start3A_64 = arith.constant 0 : i32
        %dma_start3A_65 = arith.constant 0 : i32
        %dma_start3A_66 = tpu.memref_slice %arg3[%dma_start3A_64, %dma_start3A_65] : memref<10000x64xf32, #tpu.memory_space<hbm>> -> memref<10000x64xf32, #tpu.memory_space<hbm>>
        tpu.enqueue_indirect_dma source(%dma_start3A_66 : memref<10000x64xf32, #tpu.memory_space<hbm>>) target(%arg13 : memref<32x64xf32, #tpu.memory_space<vmem>>) offsets(%arg9 : memref<32xi32, #tpu.memory_space<vmem>>) semaphore(%arg22 : memref<!tpu.dma_semaphore, #tpu.memory_space<semaphore_mem>>)
        %gt3A_67 = arith.constant 0 : i32
        %gt3A_68 = arith.cmpi sgt, %scan3A_54, %gt3A_67 : i32
        %convert_element_type3A_69 = arith.extui %gt3A_68 : i1 to i32
        %cond3A_70 = arith.constant 0 : i32
        %cond3A_71 = arith.cmpi ne, %convert_element_type3A_69, %cond3A_70 : i32
        scf.if %cond3A_71 {
          %dma_wait3A_112 = arith.constant 0 : i32
          %dma_wait3A_113 = arith.constant 0 : i32
          %dma_wait3A_114 = tpu.memref_slice %arg20[%dma_wait3A_112, %dma_wait3A_113] : memref<10000x128xf32, #tpu.memory_space<vmem_shared>> -> memref<10000x128xf32, #tpu.memory_space<vmem_shared>>
          tpu.wait_indirect_dma semaphore(%arg26 : memref<!tpu.dma_semaphore, #tpu.memory_space<semaphore_mem>>) src(%arg17 : memref<32x128xf32, #tpu.memory_space<vmem>>) dst(%dma_wait3A_114 : memref<10000x128xf32, #tpu.memory_space<vmem_shared>>)
        } else {
        }
        %add3A_72 = arith.constant 1 : i32
        %add3A_73 = arith.addi %add3A_57, %add3A_72 : i32
        "tpu.region"() ({
          %run_scoped3A = tpu.sem_alloc : memref<!tpu.dma_semaphore, #tpu.memory_space<semaphore_mem>>
          %dma_start3A_112 = arith.constant 0 : i32
          %dma_start3A_113 = tpu.memref_slice %arg4[%add3A_73, %dma_start3A_112] : memref<10000x32xi32, #tpu.memory_space<hbm>> -> memref<1x32xi32, #tpu.memory_space<hbm>>
          %dma_start3A_114 = tpu.memref_squeeze %dma_start3A_113 : memref<1x32xi32, #tpu.memory_space<hbm>> -> memref<32xi32, #tpu.memory_space<hbm>>
          %dma_start3A_115 = arith.constant 0 : i32
          %dma_start3A_116 = tpu.memref_slice %arg4[%add3A_73, %dma_start3A_115] : memref<10000x32xi32, #tpu.memory_space<hbm>> -> memref<1x32xi32, #tpu.memory_space<hbm>>
          %dma_start3A_117 = tpu.memref_squeeze %dma_start3A_116 : memref<1x32xi32, #tpu.memory_space<hbm>> -> memref<32xi32, #tpu.memory_space<hbm>>
          tpu.enqueue_dma source(%dma_start3A_117 : memref<32xi32, #tpu.memory_space<hbm>>) target(%arg10 : memref<32xi32, #tpu.memory_space<vmem>>) target_semaphore(%run_scoped3A : memref<!tpu.dma_semaphore, #tpu.memory_space<semaphore_mem>>)
          %dma_wait3A_118 = arith.constant 0 : i32
          %dma_wait3A_119 = tpu.memref_slice %arg4[%add3A_73, %dma_wait3A_118] : memref<10000x32xi32, #tpu.memory_space<hbm>> -> memref<1x32xi32, #tpu.memory_space<hbm>>
          %dma_wait3A_120 = tpu.memref_squeeze %dma_wait3A_119 : memref<1x32xi32, #tpu.memory_space<hbm>> -> memref<32xi32, #tpu.memory_space<hbm>>
          %dma_wait3A_121 = arith.constant 0 : i32
          %dma_wait3A_122 = tpu.memref_slice %arg4[%add3A_73, %dma_wait3A_121] : memref<10000x32xi32, #tpu.memory_space<hbm>> -> memref<1x32xi32, #tpu.memory_space<hbm>>
          %dma_wait3A_123 = tpu.memref_squeeze %dma_wait3A_122 : memref<1x32xi32, #tpu.memory_space<hbm>> -> memref<32xi32, #tpu.memory_space<hbm>>
          tpu.wait_dma2 semaphore(%run_scoped3A : memref<!tpu.dma_semaphore, #tpu.memory_space<semaphore_mem>>) src(%dma_wait3A_123 : memref<32xi32, #tpu.memory_space<hbm>>) dst(%arg10 : memref<32xi32, #tpu.memory_space<vmem>>)
          tpu.yield
        }) : () -> ()
        %add3A_74 = arith.constant 1 : i32
        %add3A_75 = arith.addi %add3A_57, %add3A_74 : i32
        "tpu.region"() ({
          %run_scoped3A = tpu.sem_alloc : memref<!tpu.dma_semaphore, #tpu.memory_space<semaphore_mem>>
          %dma_start3A_112 = arith.constant 0 : i32
          %dma_start3A_113 = tpu.memref_slice %arg5[%add3A_75, %dma_start3A_112] : memref<10000x32xi32, #tpu.memory_space<hbm>> -> memref<1x32xi32, #tpu.memory_space<hbm>>
          %dma_start3A_114 = tpu.memref_squeeze %dma_start3A_113 : memref<1x32xi32, #tpu.memory_space<hbm>> -> memref<32xi32, #tpu.memory_space<hbm>>
          %dma_start3A_115 = arith.constant 0 : i32
          %dma_start3A_116 = tpu.memref_slice %arg5[%add3A_75, %dma_start3A_115] : memref<10000x32xi32, #tpu.memory_space<hbm>> -> memref<1x32xi32, #tpu.memory_space<hbm>>
          %dma_start3A_117 = tpu.memref_squeeze %dma_start3A_116 : memref<1x32xi32, #tpu.memory_space<hbm>> -> memref<32xi32, #tpu.memory_space<hbm>>
          tpu.enqueue_dma source(%dma_start3A_117 : memref<32xi32, #tpu.memory_space<hbm>>) target(%arg11 : memref<32xi32, #tpu.memory_space<vmem>>) target_semaphore(%run_scoped3A : memref<!tpu.dma_semaphore, #tpu.memory_space<semaphore_mem>>)
          %dma_wait3A_118 = arith.constant 0 : i32
          %dma_wait3A_119 = tpu.memref_slice %arg5[%add3A_75, %dma_wait3A_118] : memref<10000x32xi32, #tpu.memory_space<hbm>> -> memref<1x32xi32, #tpu.memory_space<hbm>>
          %dma_wait3A_120 = tpu.memref_squeeze %dma_wait3A_119 : memref<1x32xi32, #tpu.memory_space<hbm>> -> memref<32xi32, #tpu.memory_space<hbm>>
          %dma_wait3A_121 = arith.constant 0 : i32
          %dma_wait3A_122 = tpu.memref_slice %arg5[%add3A_75, %dma_wait3A_121] : memref<10000x32xi32, #tpu.memory_space<hbm>> -> memref<1x32xi32, #tpu.memory_space<hbm>>
          %dma_wait3A_123 = tpu.memref_squeeze %dma_wait3A_122 : memref<1x32xi32, #tpu.memory_space<hbm>> -> memref<32xi32, #tpu.memory_space<hbm>>
          tpu.wait_dma2 semaphore(%run_scoped3A : memref<!tpu.dma_semaphore, #tpu.memory_space<semaphore_mem>>) src(%dma_wait3A_123 : memref<32xi32, #tpu.memory_space<hbm>>) dst(%arg11 : memref<32xi32, #tpu.memory_space<vmem>>)
          tpu.yield
        }) : () -> ()
        %dma_start3A_76 = arith.constant 0 : i32
        %dma_start3A_77 = arith.constant 0 : i32
        %dma_start3A_78 = tpu.memref_slice %arg2[%dma_start3A_76, %dma_start3A_77] : memref<10000x128xf32, #tpu.memory_space<hbm>> -> memref<10000x128xf32, #tpu.memory_space<hbm>>
        tpu.enqueue_indirect_dma source(%dma_start3A_78 : memref<10000x128xf32, #tpu.memory_space<hbm>>) target(%arg14 : memref<32x128xf32, #tpu.memory_space<vmem>>) offsets(%arg10 : memref<32xi32, #tpu.memory_space<vmem>>) semaphore(%arg23 : memref<!tpu.dma_semaphore, #tpu.memory_space<semaphore_mem>>)
        %dma_start3A_79 = arith.constant 0 : i32
        %dma_start3A_80 = arith.constant 0 : i32
        %dma_start3A_81 = tpu.memref_slice %arg3[%dma_start3A_79, %dma_start3A_80] : memref<10000x64xf32, #tpu.memory_space<hbm>> -> memref<10000x64xf32, #tpu.memory_space<hbm>>
        tpu.enqueue_indirect_dma source(%dma_start3A_81 : memref<10000x64xf32, #tpu.memory_space<hbm>>) target(%arg15 : memref<32x64xf32, #tpu.memory_space<vmem>>) offsets(%arg11 : memref<32xi32, #tpu.memory_space<vmem>>) semaphore(%arg24 : memref<!tpu.dma_semaphore, #tpu.memory_space<semaphore_mem>>)
        %dma_wait3A_82 = arith.constant 0 : i32
        %dma_wait3A_83 = arith.constant 0 : i32
        %dma_wait3A_84 = tpu.memref_slice %arg2[%dma_wait3A_82, %dma_wait3A_83] : memref<10000x128xf32, #tpu.memory_space<hbm>> -> memref<10000x128xf32, #tpu.memory_space<hbm>>
        tpu.wait_indirect_dma semaphore(%arg21 : memref<!tpu.dma_semaphore, #tpu.memory_space<semaphore_mem>>) src(%dma_wait3A_84 : memref<10000x128xf32, #tpu.memory_space<hbm>>) dst(%arg12 : memref<32x128xf32, #tpu.memory_space<vmem>>)
        %dma_wait3A_85 = arith.constant 0 : i32
        %dma_wait3A_86 = arith.constant 0 : i32
        %dma_wait3A_87 = tpu.memref_slice %arg3[%dma_wait3A_85, %dma_wait3A_86] : memref<10000x64xf32, #tpu.memory_space<hbm>> -> memref<10000x64xf32, #tpu.memory_space<hbm>>
        tpu.wait_indirect_dma semaphore(%arg22 : memref<!tpu.dma_semaphore, #tpu.memory_space<semaphore_mem>>) src(%dma_wait3A_87 : memref<10000x64xf32, #tpu.memory_space<hbm>>) dst(%arg13 : memref<32x64xf32, #tpu.memory_space<vmem>>)
        %scan3A_88 = arith.constant 0 : i32
        %scan3A_89 = arith.constant 0 : i32
        %scan3A_90 = arith.constant 32 : i32
        %scan3A_91 = arith.addi %scan3A_89, %scan3A_90 : i32
        %scan3A_92 = arith.constant 1 : i32
        scf.for %scan3A_112 = %scan3A_89 to %scan3A_91 step %scan3A_92  : i32 {
          %get3A_113 = arith.index_cast %scan3A_112 : i32 to index
          %get3A_114 = arith.constant 64 : index
          %get3A_115 = tpu.vector_load %arg12[%get3A_113, %get3A_114] {strides = array<i32>} : memref<32x128xf32, #tpu.memory_space<vmem>>, vector<1x16xf32>,
          %get3A_116 = vector.shape_cast %get3A_115 : vector<1x16xf32> to vector<16xf32>
          %get3A_117 = arith.index_cast %scan3A_112 : i32 to index
          %get3A_118 = arith.constant 0 : index
          %get3A_119 = tpu.vector_load %arg13[%get3A_117, %get3A_118] {strides = array<i32>} : memref<32x64xf32, #tpu.memory_space<vmem>>, vector<1x16xf32>,
          %get3A_120 = vector.shape_cast %get3A_119 : vector<1x16xf32> to vector<16xf32>
          %add3A_121 = arith.addf %get3A_116, %get3A_120 : vector<16xf32>
          %mul3A_122 = arith.constant 2.000000e-01 : f32
          %mul3A_123 = vector.broadcast %mul3A_122 : f32 to vector<16xf32>
          %mul3A_124 = arith.mulf %mul3A_123, %add3A_121 : vector<16xf32>
          %max3A = arith.maximumf %add3A_121, %mul3A_124 : vector<16xf32>
          %sub3A = arith.subf %max3A, %get3A_19 : vector<16xf32>
          %exp3A = math.exp %sub3A : vector<16xf32>
          %get3A_125 = arith.index_cast %scan3A_112 : i32 to index
          %get3A_126 = arith.constant 0 : index
          %get3A_127 = tpu.vector_load %arg12[%get3A_125, %get3A_126] {strides = array<i32>} : memref<32x128xf32, #tpu.memory_space<vmem>>, vector<1x16xf32>,
          %get3A_128 = vector.shape_cast %get3A_127 : vector<1x16xf32> to vector<16xf32>
          %mul3A_129 = arith.mulf %get3A_128, %exp3A : vector<16xf32>
          %swap3A = arith.index_cast %scan3A_112 : i32 to index
          %swap3A_130 = arith.constant 0 : index
          %swap3A_131 = tpu.vector_load %arg16[%swap3A, %swap3A_130] {strides = array<i32>} : memref<32x128xf32, #tpu.memory_space<vmem>>, vector<1x16xf32>,
          %swap3A_132 = vector.shape_cast %swap3A_131 : vector<1x16xf32> to vector<16xf32>
          %swap3A_133 = vector.shape_cast %mul3A_129 : vector<16xf32> to vector<1x16xf32>
          tpu.vector_store %arg16[%swap3A, %swap3A_130], %swap3A_133 {strides = array<i32>} : memref<32x128xf32, #tpu.memory_space<vmem>>, vector<1x16xf32>,
          %swap3A_134 = arith.index_cast %scan3A_112 : i32 to index
          %swap3A_135 = arith.constant 64 : index
          %swap3A_136 = tpu.vector_load %arg16[%swap3A_134, %swap3A_135] {strides = array<i32>} : memref<32x128xf32, #tpu.memory_space<vmem>>, vector<1x16xf32>,
          %swap3A_137 = vector.shape_cast %swap3A_136 : vector<1x16xf32> to vector<16xf32>
          %swap3A_138 = vector.shape_cast %exp3A : vector<16xf32> to vector<1x16xf32>
          tpu.vector_store %arg16[%swap3A_134, %swap3A_135], %swap3A_138 {strides = array<i32>} : memref<32x128xf32, #tpu.memory_space<vmem>>, vector<1x16xf32>,
          %get3A_139 = arith.index_cast %scan3A_112 : i32 to index
          %get3A_140 = arith.constant 80 : index
          %get3A_141 = tpu.vector_load %arg12[%get3A_139, %get3A_140] {strides = array<i32>} : memref<32x128xf32, #tpu.memory_space<vmem>>, vector<1x16xf32>,
          %get3A_142 = vector.shape_cast %get3A_141 : vector<1x16xf32> to vector<16xf32>
          %get3A_143 = arith.index_cast %scan3A_112 : i32 to index
          %get3A_144 = arith.constant 16 : index
          %get3A_145 = tpu.vector_load %arg13[%get3A_143, %get3A_144] {strides = array<i32>} : memref<32x64xf32, #tpu.memory_space<vmem>>, vector<1x16xf32>,
          %get3A_146 = vector.shape_cast %get3A_145 : vector<1x16xf32> to vector<16xf32>
          %add3A_147 = arith.addf %get3A_142, %get3A_146 : vector<16xf32>
          %mul3A_148 = arith.constant 2.000000e-01 : f32
          %mul3A_149 = vector.broadcast %mul3A_148 : f32 to vector<16xf32>
          %mul3A_150 = arith.mulf %mul3A_149, %add3A_147 : vector<16xf32>
          %max3A_151 = arith.maximumf %add3A_147, %mul3A_150 : vector<16xf32>
          %sub3A_152 = arith.subf %max3A_151, %get3A_22 : vector<16xf32>
          %exp3A_153 = math.exp %sub3A_152 : vector<16xf32>
          %get3A_154 = arith.index_cast %scan3A_112 : i32 to index
          %get3A_155 = arith.constant 16 : index
          %get3A_156 = tpu.vector_load %arg12[%get3A_154, %get3A_155] {strides = array<i32>} : memref<32x128xf32, #tpu.memory_space<vmem>>, vector<1x16xf32>,
          %get3A_157 = vector.shape_cast %get3A_156 : vector<1x16xf32> to vector<16xf32>
          %mul3A_158 = arith.mulf %get3A_157, %exp3A_153 : vector<16xf32>
          %swap3A_159 = arith.index_cast %scan3A_112 : i32 to index
          %swap3A_160 = arith.constant 16 : index
          %swap3A_161 = tpu.vector_load %arg16[%swap3A_159, %swap3A_160] {strides = array<i32>} : memref<32x128xf32, #tpu.memory_space<vmem>>, vector<1x16xf32>,
          %swap3A_162 = vector.shape_cast %swap3A_161 : vector<1x16xf32> to vector<16xf32>
          %swap3A_163 = vector.shape_cast %mul3A_158 : vector<16xf32> to vector<1x16xf32>
          tpu.vector_store %arg16[%swap3A_159, %swap3A_160], %swap3A_163 {strides = array<i32>} : memref<32x128xf32, #tpu.memory_space<vmem>>, vector<1x16xf32>,
          %swap3A_164 = arith.index_cast %scan3A_112 : i32 to index
          %swap3A_165 = arith.constant 80 : index
          %swap3A_166 = tpu.vector_load %arg16[%swap3A_164, %swap3A_165] {strides = array<i32>} : memref<32x128xf32, #tpu.memory_space<vmem>>, vector<1x16xf32>,
          %swap3A_167 = vector.shape_cast %swap3A_166 : vector<1x16xf32> to vector<16xf32>
          %swap3A_168 = vector.shape_cast %exp3A_153 : vector<16xf32> to vector<1x16xf32>
          tpu.vector_store %arg16[%swap3A_164, %swap3A_165], %swap3A_168 {strides = array<i32>} : memref<32x128xf32, #tpu.memory_space<vmem>>, vector<1x16xf32>,
          %get3A_169 = arith.index_cast %scan3A_112 : i32 to index
          %get3A_170 = arith.constant 96 : index
          %get3A_171 = tpu.vector_load %arg12[%get3A_169, %get3A_170] {strides = array<i32>} : memref<32x128xf32, #tpu.memory_space<vmem>>, vector<1x16xf32>,
          %get3A_172 = vector.shape_cast %get3A_171 : vector<1x16xf32> to vector<16xf32>
          %get3A_173 = arith.index_cast %scan3A_112 : i32 to index
          %get3A_174 = arith.constant 32 : index
          %get3A_175 = tpu.vector_load %arg13[%get3A_173, %get3A_174] {strides = array<i32>} : memref<32x64xf32, #tpu.memory_space<vmem>>, vector<1x16xf32>,
          %get3A_176 = vector.shape_cast %get3A_175 : vector<1x16xf32> to vector<16xf32>
          %add3A_177 = arith.addf %get3A_172, %get3A_176 : vector<16xf32>
          %mul3A_178 = arith.constant 2.000000e-01 : f32
          %mul3A_179 = vector.broadcast %mul3A_178 : f32 to vector<16xf32>
          %mul3A_180 = arith.mulf %mul3A_179, %add3A_177 : vector<16xf32>
          %max3A_181 = arith.maximumf %add3A_177, %mul3A_180 : vector<16xf32>
          %sub3A_182 = arith.subf %max3A_181, %get3A_25 : vector<16xf32>
          %exp3A_183 = math.exp %sub3A_182 : vector<16xf32>
          %get3A_184 = arith.index_cast %scan3A_112 : i32 to index
          %get3A_185 = arith.constant 32 : index
          %get3A_186 = tpu.vector_load %arg12[%get3A_184, %get3A_185] {strides = array<i32>} : memref<32x128xf32, #tpu.memory_space<vmem>>, vector<1x16xf32>,
          %get3A_187 = vector.shape_cast %get3A_186 : vector<1x16xf32> to vector<16xf32>
          %mul3A_188 = arith.mulf %get3A_187, %exp3A_183 : vector<16xf32>
          %swap3A_189 = arith.index_cast %scan3A_112 : i32 to index
          %swap3A_190 = arith.constant 32 : index
          %swap3A_191 = tpu.vector_load %arg16[%swap3A_189, %swap3A_190] {strides = array<i32>} : memref<32x128xf32, #tpu.memory_space<vmem>>, vector<1x16xf32>,
          %swap3A_192 = vector.shape_cast %swap3A_191 : vector<1x16xf32> to vector<16xf32>
          %swap3A_193 = vector.shape_cast %mul3A_188 : vector<16xf32> to vector<1x16xf32>
          tpu.vector_store %arg16[%swap3A_189, %swap3A_190], %swap3A_193 {strides = array<i32>} : memref<32x128xf32, #tpu.memory_space<vmem>>, vector<1x16xf32>,
          %swap3A_194 = arith.index_cast %scan3A_112 : i32 to index
          %swap3A_195 = arith.constant 96 : index
          %swap3A_196 = tpu.vector_load %arg16[%swap3A_194, %swap3A_195] {strides = array<i32>} : memref<32x128xf32, #tpu.memory_space<vmem>>, vector<1x16xf32>,
          %swap3A_197 = vector.shape_cast %swap3A_196 : vector<1x16xf32> to vector<16xf32>
          %swap3A_198 = vector.shape_cast %exp3A_183 : vector<16xf32> to vector<1x16xf32>
          tpu.vector_store %arg16[%swap3A_194, %swap3A_195], %swap3A_198 {strides = array<i32>} : memref<32x128xf32, #tpu.memory_space<vmem>>, vector<1x16xf32>,
          %get3A_199 = arith.index_cast %scan3A_112 : i32 to index
          %get3A_200 = arith.constant 112 : index
          %get3A_201 = tpu.vector_load %arg12[%get3A_199, %get3A_200] {strides = array<i32>} : memref<32x128xf32, #tpu.memory_space<vmem>>, vector<1x16xf32>,
          %get3A_202 = vector.shape_cast %get3A_201 : vector<1x16xf32> to vector<16xf32>
          %get3A_203 = arith.index_cast %scan3A_112 : i32 to index
          %get3A_204 = arith.constant 48 : index
          %get3A_205 = tpu.vector_load %arg13[%get3A_203, %get3A_204] {strides = array<i32>} : memref<32x64xf32, #tpu.memory_space<vmem>>, vector<1x16xf32>,
          %get3A_206 = vector.shape_cast %get3A_205 : vector<1x16xf32> to vector<16xf32>
          %add3A_207 = arith.addf %get3A_202, %get3A_206 : vector<16xf32>
          %mul3A_208 = arith.constant 2.000000e-01 : f32
          %mul3A_209 = vector.broadcast %mul3A_208 : f32 to vector<16xf32>
          %mul3A_210 = arith.mulf %mul3A_209, %add3A_207 : vector<16xf32>
          %max3A_211 = arith.maximumf %add3A_207, %mul3A_210 : vector<16xf32>
          %sub3A_212 = arith.subf %max3A_211, %get3A_28 : vector<16xf32>
          %exp3A_213 = math.exp %sub3A_212 : vector<16xf32>
          %get3A_214 = arith.index_cast %scan3A_112 : i32 to index
          %get3A_215 = arith.constant 48 : index
          %get3A_216 = tpu.vector_load %arg12[%get3A_214, %get3A_215] {strides = array<i32>} : memref<32x128xf32, #tpu.memory_space<vmem>>, vector<1x16xf32>,
          %get3A_217 = vector.shape_cast %get3A_216 : vector<1x16xf32> to vector<16xf32>
          %mul3A_218 = arith.mulf %get3A_217, %exp3A_213 : vector<16xf32>
          %swap3A_219 = arith.index_cast %scan3A_112 : i32 to index
          %swap3A_220 = arith.constant 48 : index
          %swap3A_221 = tpu.vector_load %arg16[%swap3A_219, %swap3A_220] {strides = array<i32>} : memref<32x128xf32, #tpu.memory_space<vmem>>, vector<1x16xf32>,
          %swap3A_222 = vector.shape_cast %swap3A_221 : vector<1x16xf32> to vector<16xf32>
          %swap3A_223 = vector.shape_cast %mul3A_218 : vector<16xf32> to vector<1x16xf32>
          tpu.vector_store %arg16[%swap3A_219, %swap3A_220], %swap3A_223 {strides = array<i32>} : memref<32x128xf32, #tpu.memory_space<vmem>>, vector<1x16xf32>,
          %swap3A_224 = arith.index_cast %scan3A_112 : i32 to index
          %swap3A_225 = arith.constant 112 : index
          %swap3A_226 = tpu.vector_load %arg16[%swap3A_224, %swap3A_225] {strides = array<i32>} : memref<32x128xf32, #tpu.memory_space<vmem>>, vector<1x16xf32>,
          %swap3A_227 = vector.shape_cast %swap3A_226 : vector<1x16xf32> to vector<16xf32>
          %swap3A_228 = vector.shape_cast %exp3A_213 : vector<16xf32> to vector<1x16xf32>
          tpu.vector_store %arg16[%swap3A_224, %swap3A_225], %swap3A_228 {strides = array<i32>} : memref<32x128xf32, #tpu.memory_space<vmem>>, vector<1x16xf32>,
        }
        %scan3A_93 = arith.constant 32 : i32
        %dma_start3A_94 = arith.constant 0 : i32
        %dma_start3A_95 = arith.constant 0 : i32
        %dma_start3A_96 = tpu.memref_slice %arg20[%dma_start3A_94, %dma_start3A_95] : memref<10000x128xf32, #tpu.memory_space<vmem_shared>> -> memref<10000x128xf32, #tpu.memory_space<vmem_shared>>
        tpu.enqueue_indirect_dma source(%arg16 : memref<32x128xf32, #tpu.memory_space<vmem>>) target(%dma_start3A_96 : memref<10000x128xf32, #tpu.memory_space<vmem_shared>>) offsets(%arg9 : memref<32xi32, #tpu.memory_space<vmem>>) semaphore(%arg25 : memref<!tpu.dma_semaphore, #tpu.memory_space<semaphore_mem>>) {add = true}
        %dma_wait3A_97 = arith.constant 0 : i32
        %dma_wait3A_98 = arith.constant 0 : i32
        %dma_wait3A_99 = tpu.memref_slice %arg2[%dma_wait3A_97, %dma_wait3A_98] : memref<10000x128xf32, #tpu.memory_space<hbm>> -> memref<10000x128xf32, #tpu.memory_space<hbm>>
        tpu.wait_indirect_dma semaphore(%arg23 : memref<!tpu.dma_semaphore, #tpu.memory_space<semaphore_mem>>) src(%dma_wait3A_99 : memref<10000x128xf32, #tpu.memory_space<hbm>>) dst(%arg14 : memref<32x128xf32, #tpu.memory_space<vmem>>)
        %dma_wait3A_100 = arith.constant 0 : i32
        %dma_wait3A_101 = arith.constant 0 : i32
        %dma_wait3A_102 = tpu.memref_slice %arg3[%dma_wait3A_100, %dma_wait3A_101] : memref<10000x64xf32, #tpu.memory_space<hbm>> -> memref<10000x64xf32, #tpu.memory_space<hbm>>
        tpu.wait_indirect_dma semaphore(%arg24 : memref<!tpu.dma_semaphore, #tpu.memory_space<semaphore_mem>>) src(%dma_wait3A_102 : memref<10000x64xf32, #tpu.memory_space<hbm>>) dst(%arg15 : memref<32x64xf32, #tpu.memory_space<vmem>>)
        %scan3A_103 = arith.constant 0 : i32
        %scan3A_104 = arith.constant 0 : i32
        %scan3A_105 = arith.constant 32 : i32
        %scan3A_106 = arith.addi %scan3A_104, %scan3A_105 : i32
        %scan3A_107 = arith.constant 1 : i32
        scf.for %scan3A_112 = %scan3A_104 to %scan3A_106 step %scan3A_107  : i32 {
          %get3A_113 = arith.index_cast %scan3A_112 : i32 to index
          %get3A_114 = arith.constant 64 : index
          %get3A_115 = tpu.vector_load %arg14[%get3A_113, %get3A_114] {strides = array<i32>} : memref<32x128xf32, #tpu.memory_space<vmem>>, vector<1x16xf32>,
          %get3A_116 = vector.shape_cast %get3A_115 : vector<1x16xf32> to vector<16xf32>
          %get3A_117 = arith.index_cast %scan3A_112 : i32 to index
          %get3A_118 = arith.constant 0 : index
          %get3A_119 = tpu.vector_load %arg15[%get3A_117, %get3A_118] {strides = array<i32>} : memref<32x64xf32, #tpu.memory_space<vmem>>, vector<1x16xf32>,
          %get3A_120 = vector.shape_cast %get3A_119 : vector<1x16xf32> to vector<16xf32>
          %add3A_121 = arith.addf %get3A_116, %get3A_120 : vector<16xf32>
          %mul3A_122 = arith.constant 2.000000e-01 : f32
          %mul3A_123 = vector.broadcast %mul3A_122 : f32 to vector<16xf32>
          %mul3A_124 = arith.mulf %mul3A_123, %add3A_121 : vector<16xf32>
          %max3A = arith.maximumf %add3A_121, %mul3A_124 : vector<16xf32>
          %sub3A = arith.subf %max3A, %get3A_19 : vector<16xf32>
          %exp3A = math.exp %sub3A : vector<16xf32>
          %get3A_125 = arith.index_cast %scan3A_112 : i32 to index
          %get3A_126 = arith.constant 0 : index
          %get3A_127 = tpu.vector_load %arg14[%get3A_125, %get3A_126] {strides = array<i32>} : memref<32x128xf32, #tpu.memory_space<vmem>>, vector<1x16xf32>,
          %get3A_128 = vector.shape_cast %get3A_127 : vector<1x16xf32> to vector<16xf32>
          %mul3A_129 = arith.mulf %get3A_128, %exp3A : vector<16xf32>
          %swap3A = arith.index_cast %scan3A_112 : i32 to index
          %swap3A_130 = arith.constant 0 : index
          %swap3A_131 = tpu.vector_load %arg17[%swap3A, %swap3A_130] {strides = array<i32>} : memref<32x128xf32, #tpu.memory_space<vmem>>, vector<1x16xf32>,
          %swap3A_132 = vector.shape_cast %swap3A_131 : vector<1x16xf32> to vector<16xf32>
          %swap3A_133 = vector.shape_cast %mul3A_129 : vector<16xf32> to vector<1x16xf32>
          tpu.vector_store %arg17[%swap3A, %swap3A_130], %swap3A_133 {strides = array<i32>} : memref<32x128xf32, #tpu.memory_space<vmem>>, vector<1x16xf32>,
          %swap3A_134 = arith.index_cast %scan3A_112 : i32 to index
          %swap3A_135 = arith.constant 64 : index
          %swap3A_136 = tpu.vector_load %arg17[%swap3A_134, %swap3A_135] {strides = array<i32>} : memref<32x128xf32, #tpu.memory_space<vmem>>, vector<1x16xf32>,
          %swap3A_137 = vector.shape_cast %swap3A_136 : vector<1x16xf32> to vector<16xf32>
          %swap3A_138 = vector.shape_cast %exp3A : vector<16xf32> to vector<1x16xf32>
          tpu.vector_store %arg17[%swap3A_134, %swap3A_135], %swap3A_138 {strides = array<i32>} : memref<32x128xf32, #tpu.memory_space<vmem>>, vector<1x16xf32>,
          %get3A_139 = arith.index_cast %scan3A_112 : i32 to index
          %get3A_140 = arith.constant 80 : index
          %get3A_141 = tpu.vector_load %arg14[%get3A_139, %get3A_140] {strides = array<i32>} : memref<32x128xf32, #tpu.memory_space<vmem>>, vector<1x16xf32>,
          %get3A_142 = vector.shape_cast %get3A_141 : vector<1x16xf32> to vector<16xf32>
          %get3A_143 = arith.index_cast %scan3A_112 : i32 to index
          %get3A_144 = arith.constant 16 : index
          %get3A_145 = tpu.vector_load %arg15[%get3A_143, %get3A_144] {strides = array<i32>} : memref<32x64xf32, #tpu.memory_space<vmem>>, vector<1x16xf32>,
          %get3A_146 = vector.shape_cast %get3A_145 : vector<1x16xf32> to vector<16xf32>
          %add3A_147 = arith.addf %get3A_142, %get3A_146 : vector<16xf32>
          %mul3A_148 = arith.constant 2.000000e-01 : f32
          %mul3A_149 = vector.broadcast %mul3A_148 : f32 to vector<16xf32>
          %mul3A_150 = arith.mulf %mul3A_149, %add3A_147 : vector<16xf32>
          %max3A_151 = arith.maximumf %add3A_147, %mul3A_150 : vector<16xf32>
          %sub3A_152 = arith.subf %max3A_151, %get3A_22 : vector<16xf32>
          %exp3A_153 = math.exp %sub3A_152 : vector<16xf32>
          %get3A_154 = arith.index_cast %scan3A_112 : i32 to index
          %get3A_155 = arith.constant 16 : index
          %get3A_156 = tpu.vector_load %arg14[%get3A_154, %get3A_155] {strides = array<i32>} : memref<32x128xf32, #tpu.memory_space<vmem>>, vector<1x16xf32>,
          %get3A_157 = vector.shape_cast %get3A_156 : vector<1x16xf32> to vector<16xf32>
          %mul3A_158 = arith.mulf %get3A_157, %exp3A_153 : vector<16xf32>
          %swap3A_159 = arith.index_cast %scan3A_112 : i32 to index
          %swap3A_160 = arith.constant 16 : index
          %swap3A_161 = tpu.vector_load %arg17[%swap3A_159, %swap3A_160] {strides = array<i32>} : memref<32x128xf32, #tpu.memory_space<vmem>>, vector<1x16xf32>,
          %swap3A_162 = vector.shape_cast %swap3A_161 : vector<1x16xf32> to vector<16xf32>
          %swap3A_163 = vector.shape_cast %mul3A_158 : vector<16xf32> to vector<1x16xf32>
          tpu.vector_store %arg17[%swap3A_159, %swap3A_160], %swap3A_163 {strides = array<i32>} : memref<32x128xf32, #tpu.memory_space<vmem>>, vector<1x16xf32>,
          %swap3A_164 = arith.index_cast %scan3A_112 : i32 to index
          %swap3A_165 = arith.constant 80 : index
          %swap3A_166 = tpu.vector_load %arg17[%swap3A_164, %swap3A_165] {strides = array<i32>} : memref<32x128xf32, #tpu.memory_space<vmem>>, vector<1x16xf32>,
          %swap3A_167 = vector.shape_cast %swap3A_166 : vector<1x16xf32> to vector<16xf32>
          %swap3A_168 = vector.shape_cast %exp3A_153 : vector<16xf32> to vector<1x16xf32>
          tpu.vector_store %arg17[%swap3A_164, %swap3A_165], %swap3A_168 {strides = array<i32>} : memref<32x128xf32, #tpu.memory_space<vmem>>, vector<1x16xf32>,
          %get3A_169 = arith.index_cast %scan3A_112 : i32 to index
          %get3A_170 = arith.constant 96 : index
          %get3A_171 = tpu.vector_load %arg14[%get3A_169, %get3A_170] {strides = array<i32>} : memref<32x128xf32, #tpu.memory_space<vmem>>, vector<1x16xf32>,
          %get3A_172 = vector.shape_cast %get3A_171 : vector<1x16xf32> to vector<16xf32>
          %get3A_173 = arith.index_cast %scan3A_112 : i32 to index
          %get3A_174 = arith.constant 32 : index
          %get3A_175 = tpu.vector_load %arg15[%get3A_173, %get3A_174] {strides = array<i32>} : memref<32x64xf32, #tpu.memory_space<vmem>>, vector<1x16xf32>,
          %get3A_176 = vector.shape_cast %get3A_175 : vector<1x16xf32> to vector<16xf32>
          %add3A_177 = arith.addf %get3A_172, %get3A_176 : vector<16xf32>
          %mul3A_178 = arith.constant 2.000000e-01 : f32
          %mul3A_179 = vector.broadcast %mul3A_178 : f32 to vector<16xf32>
          %mul3A_180 = arith.mulf %mul3A_179, %add3A_177 : vector<16xf32>
          %max3A_181 = arith.maximumf %add3A_177, %mul3A_180 : vector<16xf32>
          %sub3A_182 = arith.subf %max3A_181, %get3A_25 : vector<16xf32>
          %exp3A_183 = math.exp %sub3A_182 : vector<16xf32>
          %get3A_184 = arith.index_cast %scan3A_112 : i32 to index
          %get3A_185 = arith.constant 32 : index
          %get3A_186 = tpu.vector_load %arg14[%get3A_184, %get3A_185] {strides = array<i32>} : memref<32x128xf32, #tpu.memory_space<vmem>>, vector<1x16xf32>,
          %get3A_187 = vector.shape_cast %get3A_186 : vector<1x16xf32> to vector<16xf32>
          %mul3A_188 = arith.mulf %get3A_187, %exp3A_183 : vector<16xf32>
          %swap3A_189 = arith.index_cast %scan3A_112 : i32 to index
          %swap3A_190 = arith.constant 32 : index
          %swap3A_191 = tpu.vector_load %arg17[%swap3A_189, %swap3A_190] {strides = array<i32>} : memref<32x128xf32, #tpu.memory_space<vmem>>, vector<1x16xf32>,
          %swap3A_192 = vector.shape_cast %swap3A_191 : vector<1x16xf32> to vector<16xf32>
          %swap3A_193 = vector.shape_cast %mul3A_188 : vector<16xf32> to vector<1x16xf32>
          tpu.vector_store %arg17[%swap3A_189, %swap3A_190], %swap3A_193 {strides = array<i32>} : memref<32x128xf32, #tpu.memory_space<vmem>>, vector<1x16xf32>,
          %swap3A_194 = arith.index_cast %scan3A_112 : i32 to index
          %swap3A_195 = arith.constant 96 : index
          %swap3A_196 = tpu.vector_load %arg17[%swap3A_194, %swap3A_195] {strides = array<i32>} : memref<32x128xf32, #tpu.memory_space<vmem>>, vector<1x16xf32>,
          %swap3A_197 = vector.shape_cast %swap3A_196 : vector<1x16xf32> to vector<16xf32>
          %swap3A_198 = vector.shape_cast %exp3A_183 : vector<16xf32> to vector<1x16xf32>
          tpu.vector_store %arg17[%swap3A_194, %swap3A_195], %swap3A_198 {strides = array<i32>} : memref<32x128xf32, #tpu.memory_space<vmem>>, vector<1x16xf32>,
          %get3A_199 = arith.index_cast %scan3A_112 : i32 to index
          %get3A_200 = arith.constant 112 : index
          %get3A_201 = tpu.vector_load %arg14[%get3A_199, %get3A_200] {strides = array<i32>} : memref<32x128xf32, #tpu.memory_space<vmem>>, vector<1x16xf32>,
          %get3A_202 = vector.shape_cast %get3A_201 : vector<1x16xf32> to vector<16xf32>
          %get3A_203 = arith.index_cast %scan3A_112 : i32 to index
          %get3A_204 = arith.constant 48 : index
          %get3A_205 = tpu.vector_load %arg15[%get3A_203, %get3A_204] {strides = array<i32>} : memref<32x64xf32, #tpu.memory_space<vmem>>, vector<1x16xf32>,
          %get3A_206 = vector.shape_cast %get3A_205 : vector<1x16xf32> to vector<16xf32>
          %add3A_207 = arith.addf %get3A_202, %get3A_206 : vector<16xf32>
          %mul3A_208 = arith.constant 2.000000e-01 : f32
          %mul3A_209 = vector.broadcast %mul3A_208 : f32 to vector<16xf32>
          %mul3A_210 = arith.mulf %mul3A_209, %add3A_207 : vector<16xf32>
          %max3A_211 = arith.maximumf %add3A_207, %mul3A_210 : vector<16xf32>
          %sub3A_212 = arith.subf %max3A_211, %get3A_28 : vector<16xf32>
          %exp3A_213 = math.exp %sub3A_212 : vector<16xf32>
          %get3A_214 = arith.index_cast %scan3A_112 : i32 to index
          %get3A_215 = arith.constant 48 : index
          %get3A_216 = tpu.vector_load %arg14[%get3A_214, %get3A_215] {strides = array<i32>} : memref<32x128xf32, #tpu.memory_space<vmem>>, vector<1x16xf32>,
          %get3A_217 = vector.shape_cast %get3A_216 : vector<1x16xf32> to vector<16xf32>
          %mul3A_218 = arith.mulf %get3A_217, %exp3A_213 : vector<16xf32>
          %swap3A_219 = arith.index_cast %scan3A_112 : i32 to index
          %swap3A_220 = arith.constant 48 : index
          %swap3A_221 = tpu.vector_load %arg17[%swap3A_219, %swap3A_220] {strides = array<i32>} : memref<32x128xf32, #tpu.memory_space<vmem>>, vector<1x16xf32>,
          %swap3A_222 = vector.shape_cast %swap3A_221 : vector<1x16xf32> to vector<16xf32>
          %swap3A_223 = vector.shape_cast %mul3A_218 : vector<16xf32> to vector<1x16xf32>
          tpu.vector_store %arg17[%swap3A_219, %swap3A_220], %swap3A_223 {strides = array<i32>} : memref<32x128xf32, #tpu.memory_space<vmem>>, vector<1x16xf32>,
          %swap3A_224 = arith.index_cast %scan3A_112 : i32 to index
          %swap3A_225 = arith.constant 112 : index
          %swap3A_226 = tpu.vector_load %arg17[%swap3A_224, %swap3A_225] {strides = array<i32>} : memref<32x128xf32, #tpu.memory_space<vmem>>, vector<1x16xf32>,
          %swap3A_227 = vector.shape_cast %swap3A_226 : vector<1x16xf32> to vector<16xf32>
          %swap3A_228 = vector.shape_cast %exp3A_213 : vector<16xf32> to vector<1x16xf32>
          tpu.vector_store %arg17[%swap3A_224, %swap3A_225], %swap3A_228 {strides = array<i32>} : memref<32x128xf32, #tpu.memory_space<vmem>>, vector<1x16xf32>,
        }
        %scan3A_108 = arith.constant 32 : i32
        %dma_start3A_109 = arith.constant 0 : i32
        %dma_start3A_110 = arith.constant 0 : i32
        %dma_start3A_111 = tpu.memref_slice %arg20[%dma_start3A_109, %dma_start3A_110] : memref<10000x128xf32, #tpu.memory_space<vmem_shared>> -> memref<10000x128xf32, #tpu.memory_space<vmem_shared>>
        tpu.enqueue_indirect_dma source(%arg17 : memref<32x128xf32, #tpu.memory_space<vmem>>) target(%dma_start3A_111 : memref<10000x128xf32, #tpu.memory_space<vmem_shared>>) offsets(%arg11 : memref<32xi32, #tpu.memory_space<vmem>>) semaphore(%arg26 : memref<!tpu.dma_semaphore, #tpu.memory_space<semaphore_mem>>) {add = true}
      }
      %scan3A_36 = arith.constant 312 : i32
      %dma_wait3A = arith.constant 0 : i32
      %dma_wait3A_37 = arith.constant 0 : i32
      %dma_wait3A_38 = tpu.memref_slice %arg20[%dma_wait3A, %dma_wait3A_37] : memref<10000x128xf32, #tpu.memory_space<vmem_shared>> -> memref<10000x128xf32, #tpu.memory_space<vmem_shared>>
      tpu.wait_indirect_dma semaphore(%arg25 : memref<!tpu.dma_semaphore, #tpu.memory_space<semaphore_mem>>) src(%arg16 : memref<32x128xf32, #tpu.memory_space<vmem>>) dst(%dma_wait3A_38 : memref<10000x128xf32, #tpu.memory_space<vmem_shared>>)
      %dma_wait3A_39 = arith.constant 0 : i32
      %dma_wait3A_40 = arith.constant 0 : i32
      %dma_wait3A_41 = tpu.memref_slice %arg20[%dma_wait3A_39, %dma_wait3A_40] : memref<10000x128xf32, #tpu.memory_space<vmem_shared>> -> memref<10000x128xf32, #tpu.memory_space<vmem_shared>>
      tpu.wait_indirect_dma semaphore(%arg26 : memref<!tpu.dma_semaphore, #tpu.memory_space<semaphore_mem>>) src(%arg17 : memref<32x128xf32, #tpu.memory_space<vmem>>) dst(%dma_wait3A_41 : memref<10000x128xf32, #tpu.memory_space<vmem_shared>>)
      %ge3A = arith.constant 0 : i32
      %ge3A_42 = arith.cmpi sge, %arg1, %ge3A : i32
      %convert_element_type3A_43 = arith.extui %ge3A_42 : i1 to i32
      %cond3A_44 = arith.constant 0 : i32
      %cond3A_45 = arith.cmpi ne, %convert_element_type3A_43, %cond3A_44 : i32
      scf.if %cond3A_45 {
        %add3A_54 = arith.constant 624 : i32
        %add3A_55 = arith.addi %mul3A_30, %add3A_54 : i32
        "tpu.region"() ({
          %run_scoped3A = tpu.sem_alloc : memref<!tpu.dma_semaphore, #tpu.memory_space<semaphore_mem>>
          %dma_start3A_79 = arith.constant 0 : i32
          %dma_start3A_80 = tpu.memref_slice %arg4[%add3A_55, %dma_start3A_79] : memref<10000x32xi32, #tpu.memory_space<hbm>> -> memref<1x32xi32, #tpu.memory_space<hbm>>
          %dma_start3A_81 = tpu.memref_squeeze %dma_start3A_80 : memref<1x32xi32, #tpu.memory_space<hbm>> -> memref<32xi32, #tpu.memory_space<hbm>>
          %dma_start3A_82 = arith.constant 0 : i32
          %dma_start3A_83 = tpu.memref_slice %arg4[%add3A_55, %dma_start3A_82] : memref<10000x32xi32, #tpu.memory_space<hbm>> -> memref<1x32xi32, #tpu.memory_space<hbm>>
          %dma_start3A_84 = tpu.memref_squeeze %dma_start3A_83 : memref<1x32xi32, #tpu.memory_space<hbm>> -> memref<32xi32, #tpu.memory_space<hbm>>
          tpu.enqueue_dma source(%dma_start3A_84 : memref<32xi32, #tpu.memory_space<hbm>>) target(%arg8 : memref<32xi32, #tpu.memory_space<vmem>>) target_semaphore(%run_scoped3A : memref<!tpu.dma_semaphore, #tpu.memory_space<semaphore_mem>>)
          %dma_wait3A_85 = arith.constant 0 : i32
          %dma_wait3A_86 = tpu.memref_slice %arg4[%add3A_55, %dma_wait3A_85] : memref<10000x32xi32, #tpu.memory_space<hbm>> -> memref<1x32xi32, #tpu.memory_space<hbm>>
          %dma_wait3A_87 = tpu.memref_squeeze %dma_wait3A_86 : memref<1x32xi32, #tpu.memory_space<hbm>> -> memref<32xi32, #tpu.memory_space<hbm>>
          %dma_wait3A_88 = arith.constant 0 : i32
          %dma_wait3A_89 = tpu.memref_slice %arg4[%add3A_55, %dma_wait3A_88] : memref<10000x32xi32, #tpu.memory_space<hbm>> -> memref<1x32xi32, #tpu.memory_space<hbm>>
          %dma_wait3A_90 = tpu.memref_squeeze %dma_wait3A_89 : memref<1x32xi32, #tpu.memory_space<hbm>> -> memref<32xi32, #tpu.memory_space<hbm>>
          tpu.wait_dma2 semaphore(%run_scoped3A : memref<!tpu.dma_semaphore, #tpu.memory_space<semaphore_mem>>) src(%dma_wait3A_90 : memref<32xi32, #tpu.memory_space<hbm>>) dst(%arg8 : memref<32xi32, #tpu.memory_space<vmem>>)
          tpu.yield
        }) : () -> ()
        "tpu.region"() ({
          %run_scoped3A = tpu.sem_alloc : memref<!tpu.dma_semaphore, #tpu.memory_space<semaphore_mem>>
          %dma_start3A_79 = arith.constant 0 : i32
          %dma_start3A_80 = tpu.memref_slice %arg5[%add3A_55, %dma_start3A_79] : memref<10000x32xi32, #tpu.memory_space<hbm>> -> memref<1x32xi32, #tpu.memory_space<hbm>>
          %dma_start3A_81 = tpu.memref_squeeze %dma_start3A_80 : memref<1x32xi32, #tpu.memory_space<hbm>> -> memref<32xi32, #tpu.memory_space<hbm>>
          %dma_start3A_82 = arith.constant 0 : i32
          %dma_start3A_83 = tpu.memref_slice %arg5[%add3A_55, %dma_start3A_82] : memref<10000x32xi32, #tpu.memory_space<hbm>> -> memref<1x32xi32, #tpu.memory_space<hbm>>
          %dma_start3A_84 = tpu.memref_squeeze %dma_start3A_83 : memref<1x32xi32, #tpu.memory_space<hbm>> -> memref<32xi32, #tpu.memory_space<hbm>>
          tpu.enqueue_dma source(%dma_start3A_84 : memref<32xi32, #tpu.memory_space<hbm>>) target(%arg9 : memref<32xi32, #tpu.memory_space<vmem>>) target_semaphore(%run_scoped3A : memref<!tpu.dma_semaphore, #tpu.memory_space<semaphore_mem>>)
          %dma_wait3A_85 = arith.constant 0 : i32
          %dma_wait3A_86 = tpu.memref_slice %arg5[%add3A_55, %dma_wait3A_85] : memref<10000x32xi32, #tpu.memory_space<hbm>> -> memref<1x32xi32, #tpu.memory_space<hbm>>
          %dma_wait3A_87 = tpu.memref_squeeze %dma_wait3A_86 : memref<1x32xi32, #tpu.memory_space<hbm>> -> memref<32xi32, #tpu.memory_space<hbm>>
          %dma_wait3A_88 = arith.constant 0 : i32
          %dma_wait3A_89 = tpu.memref_slice %arg5[%add3A_55, %dma_wait3A_88] : memref<10000x32xi32, #tpu.memory_space<hbm>> -> memref<1x32xi32, #tpu.memory_space<hbm>>
          %dma_wait3A_90 = tpu.memref_squeeze %dma_wait3A_89 : memref<1x32xi32, #tpu.memory_space<hbm>> -> memref<32xi32, #tpu.memory_space<hbm>>
          tpu.wait_dma2 semaphore(%run_scoped3A : memref<!tpu.dma_semaphore, #tpu.memory_space<semaphore_mem>>) src(%dma_wait3A_90 : memref<32xi32, #tpu.memory_space<hbm>>) dst(%arg9 : memref<32xi32, #tpu.memory_space<vmem>>)
          tpu.yield
        }) : () -> ()
        %dma_start3A = arith.constant 0 : i32
        %dma_start3A_56 = arith.constant 0 : i32
        %dma_start3A_57 = tpu.memref_slice %arg2[%dma_start3A, %dma_start3A_56] : memref<10000x128xf32, #tpu.memory_space<hbm>> -> memref<10000x128xf32, #tpu.memory_space<hbm>>
        tpu.enqueue_indirect_dma source(%dma_start3A_57 : memref<10000x128xf32, #tpu.memory_space<hbm>>) target(%arg12 : memref<32x128xf32, #tpu.memory_space<vmem>>) offsets(%arg8 : memref<32xi32, #tpu.memory_space<vmem>>) semaphore(%arg21 : memref<!tpu.dma_semaphore, #tpu.memory_space<semaphore_mem>>)
        %dma_start3A_58 = arith.constant 0 : i32
        %dma_start3A_59 = arith.constant 0 : i32
        %dma_start3A_60 = tpu.memref_slice %arg3[%dma_start3A_58, %dma_start3A_59] : memref<10000x64xf32, #tpu.memory_space<hbm>> -> memref<10000x64xf32, #tpu.memory_space<hbm>>
        tpu.enqueue_indirect_dma source(%dma_start3A_60 : memref<10000x64xf32, #tpu.memory_space<hbm>>) target(%arg13 : memref<32x64xf32, #tpu.memory_space<vmem>>) offsets(%arg9 : memref<32xi32, #tpu.memory_space<vmem>>) semaphore(%arg22 : memref<!tpu.dma_semaphore, #tpu.memory_space<semaphore_mem>>)
        %dma_wait3A_61 = arith.constant 0 : i32
        %dma_wait3A_62 = arith.constant 0 : i32
        %dma_wait3A_63 = tpu.memref_slice %arg2[%dma_wait3A_61, %dma_wait3A_62] : memref<10000x128xf32, #tpu.memory_space<hbm>> -> memref<10000x128xf32, #tpu.memory_space<hbm>>
        tpu.wait_indirect_dma semaphore(%arg21 : memref<!tpu.dma_semaphore, #tpu.memory_space<semaphore_mem>>) src(%dma_wait3A_63 : memref<10000x128xf32, #tpu.memory_space<hbm>>) dst(%arg12 : memref<32x128xf32, #tpu.memory_space<vmem>>)
        %dma_wait3A_64 = arith.constant 0 : i32
        %dma_wait3A_65 = arith.constant 0 : i32
        %dma_wait3A_66 = tpu.memref_slice %arg3[%dma_wait3A_64, %dma_wait3A_65] : memref<10000x64xf32, #tpu.memory_space<hbm>> -> memref<10000x64xf32, #tpu.memory_space<hbm>>
        tpu.wait_indirect_dma semaphore(%arg22 : memref<!tpu.dma_semaphore, #tpu.memory_space<semaphore_mem>>) src(%dma_wait3A_66 : memref<10000x64xf32, #tpu.memory_space<hbm>>) dst(%arg13 : memref<32x64xf32, #tpu.memory_space<vmem>>)
        %scan3A_67 = arith.constant 0 : i32
        %scan3A_68 = arith.constant 0 : i32
        %scan3A_69 = arith.constant 32 : i32
        %scan3A_70 = arith.addi %scan3A_68, %scan3A_69 : i32
        %scan3A_71 = arith.constant 1 : i32
        scf.for %scan3A_79 = %scan3A_68 to %scan3A_70 step %scan3A_71  : i32 {
          %get3A_80 = arith.index_cast %scan3A_79 : i32 to index
          %get3A_81 = arith.constant 64 : index
          %get3A_82 = tpu.vector_load %arg12[%get3A_80, %get3A_81] {strides = array<i32>} : memref<32x128xf32, #tpu.memory_space<vmem>>, vector<1x16xf32>,
          %get3A_83 = vector.shape_cast %get3A_82 : vector<1x16xf32> to vector<16xf32>
          %get3A_84 = arith.index_cast %scan3A_79 : i32 to index
          %get3A_85 = arith.constant 0 : index
          %get3A_86 = tpu.vector_load %arg13[%get3A_84, %get3A_85] {strides = array<i32>} : memref<32x64xf32, #tpu.memory_space<vmem>>, vector<1x16xf32>,
          %get3A_87 = vector.shape_cast %get3A_86 : vector<1x16xf32> to vector<16xf32>
          %add3A_88 = arith.addf %get3A_83, %get3A_87 : vector<16xf32>
          %mul3A_89 = arith.constant 2.000000e-01 : f32
          %mul3A_90 = vector.broadcast %mul3A_89 : f32 to vector<16xf32>
          %mul3A_91 = arith.mulf %mul3A_90, %add3A_88 : vector<16xf32>
          %max3A = arith.maximumf %add3A_88, %mul3A_91 : vector<16xf32>
          %sub3A = arith.subf %max3A, %get3A_19 : vector<16xf32>
          %exp3A = math.exp %sub3A : vector<16xf32>
          %get3A_92 = arith.index_cast %scan3A_79 : i32 to index
          %get3A_93 = arith.constant 0 : index
          %get3A_94 = tpu.vector_load %arg12[%get3A_92, %get3A_93] {strides = array<i32>} : memref<32x128xf32, #tpu.memory_space<vmem>>, vector<1x16xf32>,
          %get3A_95 = vector.shape_cast %get3A_94 : vector<1x16xf32> to vector<16xf32>
          %mul3A_96 = arith.mulf %get3A_95, %exp3A : vector<16xf32>
          %swap3A = arith.index_cast %scan3A_79 : i32 to index
          %swap3A_97 = arith.constant 0 : index
          %swap3A_98 = tpu.vector_load %arg16[%swap3A, %swap3A_97] {strides = array<i32>} : memref<32x128xf32, #tpu.memory_space<vmem>>, vector<1x16xf32>,
          %swap3A_99 = vector.shape_cast %swap3A_98 : vector<1x16xf32> to vector<16xf32>
          %swap3A_100 = vector.shape_cast %mul3A_96 : vector<16xf32> to vector<1x16xf32>
          tpu.vector_store %arg16[%swap3A, %swap3A_97], %swap3A_100 {strides = array<i32>} : memref<32x128xf32, #tpu.memory_space<vmem>>, vector<1x16xf32>,
          %swap3A_101 = arith.index_cast %scan3A_79 : i32 to index
          %swap3A_102 = arith.constant 64 : index
          %swap3A_103 = tpu.vector_load %arg16[%swap3A_101, %swap3A_102] {strides = array<i32>} : memref<32x128xf32, #tpu.memory_space<vmem>>, vector<1x16xf32>,
          %swap3A_104 = vector.shape_cast %swap3A_103 : vector<1x16xf32> to vector<16xf32>
          %swap3A_105 = vector.shape_cast %exp3A : vector<16xf32> to vector<1x16xf32>
          tpu.vector_store %arg16[%swap3A_101, %swap3A_102], %swap3A_105 {strides = array<i32>} : memref<32x128xf32, #tpu.memory_space<vmem>>, vector<1x16xf32>,
          %get3A_106 = arith.index_cast %scan3A_79 : i32 to index
          %get3A_107 = arith.constant 80 : index
          %get3A_108 = tpu.vector_load %arg12[%get3A_106, %get3A_107] {strides = array<i32>} : memref<32x128xf32, #tpu.memory_space<vmem>>, vector<1x16xf32>,
          %get3A_109 = vector.shape_cast %get3A_108 : vector<1x16xf32> to vector<16xf32>
          %get3A_110 = arith.index_cast %scan3A_79 : i32 to index
          %get3A_111 = arith.constant 16 : index
          %get3A_112 = tpu.vector_load %arg13[%get3A_110, %get3A_111] {strides = array<i32>} : memref<32x64xf32, #tpu.memory_space<vmem>>, vector<1x16xf32>,
          %get3A_113 = vector.shape_cast %get3A_112 : vector<1x16xf32> to vector<16xf32>
          %add3A_114 = arith.addf %get3A_109, %get3A_113 : vector<16xf32>
          %mul3A_115 = arith.constant 2.000000e-01 : f32
          %mul3A_116 = vector.broadcast %mul3A_115 : f32 to vector<16xf32>
          %mul3A_117 = arith.mulf %mul3A_116, %add3A_114 : vector<16xf32>
          %max3A_118 = arith.maximumf %add3A_114, %mul3A_117 : vector<16xf32>
          %sub3A_119 = arith.subf %max3A_118, %get3A_22 : vector<16xf32>
          %exp3A_120 = math.exp %sub3A_119 : vector<16xf32>
          %get3A_121 = arith.index_cast %scan3A_79 : i32 to index
          %get3A_122 = arith.constant 16 : index
          %get3A_123 = tpu.vector_load %arg12[%get3A_121, %get3A_122] {strides = array<i32>} : memref<32x128xf32, #tpu.memory_space<vmem>>, vector<1x16xf32>,
          %get3A_124 = vector.shape_cast %get3A_123 : vector<1x16xf32> to vector<16xf32>
          %mul3A_125 = arith.mulf %get3A_124, %exp3A_120 : vector<16xf32>
          %swap3A_126 = arith.index_cast %scan3A_79 : i32 to index
          %swap3A_127 = arith.constant 16 : index
          %swap3A_128 = tpu.vector_load %arg16[%swap3A_126, %swap3A_127] {strides = array<i32>} : memref<32x128xf32, #tpu.memory_space<vmem>>, vector<1x16xf32>,
          %swap3A_129 = vector.shape_cast %swap3A_128 : vector<1x16xf32> to vector<16xf32>
          %swap3A_130 = vector.shape_cast %mul3A_125 : vector<16xf32> to vector<1x16xf32>
          tpu.vector_store %arg16[%swap3A_126, %swap3A_127], %swap3A_130 {strides = array<i32>} : memref<32x128xf32, #tpu.memory_space<vmem>>, vector<1x16xf32>,
          %swap3A_131 = arith.index_cast %scan3A_79 : i32 to index
          %swap3A_132 = arith.constant 80 : index
          %swap3A_133 = tpu.vector_load %arg16[%swap3A_131, %swap3A_132] {strides = array<i32>} : memref<32x128xf32, #tpu.memory_space<vmem>>, vector<1x16xf32>,
          %swap3A_134 = vector.shape_cast %swap3A_133 : vector<1x16xf32> to vector<16xf32>
          %swap3A_135 = vector.shape_cast %exp3A_120 : vector<16xf32> to vector<1x16xf32>
          tpu.vector_store %arg16[%swap3A_131, %swap3A_132], %swap3A_135 {strides = array<i32>} : memref<32x128xf32, #tpu.memory_space<vmem>>, vector<1x16xf32>,
          %get3A_136 = arith.index_cast %scan3A_79 : i32 to index
          %get3A_137 = arith.constant 96 : index
          %get3A_138 = tpu.vector_load %arg12[%get3A_136, %get3A_137] {strides = array<i32>} : memref<32x128xf32, #tpu.memory_space<vmem>>, vector<1x16xf32>,
          %get3A_139 = vector.shape_cast %get3A_138 : vector<1x16xf32> to vector<16xf32>
          %get3A_140 = arith.index_cast %scan3A_79 : i32 to index
          %get3A_141 = arith.constant 32 : index
          %get3A_142 = tpu.vector_load %arg13[%get3A_140, %get3A_141] {strides = array<i32>} : memref<32x64xf32, #tpu.memory_space<vmem>>, vector<1x16xf32>,
          %get3A_143 = vector.shape_cast %get3A_142 : vector<1x16xf32> to vector<16xf32>
          %add3A_144 = arith.addf %get3A_139, %get3A_143 : vector<16xf32>
          %mul3A_145 = arith.constant 2.000000e-01 : f32
          %mul3A_146 = vector.broadcast %mul3A_145 : f32 to vector<16xf32>
          %mul3A_147 = arith.mulf %mul3A_146, %add3A_144 : vector<16xf32>
          %max3A_148 = arith.maximumf %add3A_144, %mul3A_147 : vector<16xf32>
          %sub3A_149 = arith.subf %max3A_148, %get3A_25 : vector<16xf32>
          %exp3A_150 = math.exp %sub3A_149 : vector<16xf32>
          %get3A_151 = arith.index_cast %scan3A_79 : i32 to index
          %get3A_152 = arith.constant 32 : index
          %get3A_153 = tpu.vector_load %arg12[%get3A_151, %get3A_152] {strides = array<i32>} : memref<32x128xf32, #tpu.memory_space<vmem>>, vector<1x16xf32>,
          %get3A_154 = vector.shape_cast %get3A_153 : vector<1x16xf32> to vector<16xf32>
          %mul3A_155 = arith.mulf %get3A_154, %exp3A_150 : vector<16xf32>
          %swap3A_156 = arith.index_cast %scan3A_79 : i32 to index
          %swap3A_157 = arith.constant 32 : index
          %swap3A_158 = tpu.vector_load %arg16[%swap3A_156, %swap3A_157] {strides = array<i32>} : memref<32x128xf32, #tpu.memory_space<vmem>>, vector<1x16xf32>,
          %swap3A_159 = vector.shape_cast %swap3A_158 : vector<1x16xf32> to vector<16xf32>
          %swap3A_160 = vector.shape_cast %mul3A_155 : vector<16xf32> to vector<1x16xf32>
          tpu.vector_store %arg16[%swap3A_156, %swap3A_157], %swap3A_160 {strides = array<i32>} : memref<32x128xf32, #tpu.memory_space<vmem>>, vector<1x16xf32>,
          %swap3A_161 = arith.index_cast %scan3A_79 : i32 to index
          %swap3A_162 = arith.constant 96 : index
          %swap3A_163 = tpu.vector_load %arg16[%swap3A_161, %swap3A_162] {strides = array<i32>} : memref<32x128xf32, #tpu.memory_space<vmem>>, vector<1x16xf32>,
          %swap3A_164 = vector.shape_cast %swap3A_163 : vector<1x16xf32> to vector<16xf32>
          %swap3A_165 = vector.shape_cast %exp3A_150 : vector<16xf32> to vector<1x16xf32>
          tpu.vector_store %arg16[%swap3A_161, %swap3A_162], %swap3A_165 {strides = array<i32>} : memref<32x128xf32, #tpu.memory_space<vmem>>, vector<1x16xf32>,
          %get3A_166 = arith.index_cast %scan3A_79 : i32 to index
          %get3A_167 = arith.constant 112 : index
          %get3A_168 = tpu.vector_load %arg12[%get3A_166, %get3A_167] {strides = array<i32>} : memref<32x128xf32, #tpu.memory_space<vmem>>, vector<1x16xf32>,
          %get3A_169 = vector.shape_cast %get3A_168 : vector<1x16xf32> to vector<16xf32>
          %get3A_170 = arith.index_cast %scan3A_79 : i32 to index
          %get3A_171 = arith.constant 48 : index
          %get3A_172 = tpu.vector_load %arg13[%get3A_170, %get3A_171] {strides = array<i32>} : memref<32x64xf32, #tpu.memory_space<vmem>>, vector<1x16xf32>,
          %get3A_173 = vector.shape_cast %get3A_172 : vector<1x16xf32> to vector<16xf32>
          %add3A_174 = arith.addf %get3A_169, %get3A_173 : vector<16xf32>
          %mul3A_175 = arith.constant 2.000000e-01 : f32
          %mul3A_176 = vector.broadcast %mul3A_175 : f32 to vector<16xf32>
          %mul3A_177 = arith.mulf %mul3A_176, %add3A_174 : vector<16xf32>
          %max3A_178 = arith.maximumf %add3A_174, %mul3A_177 : vector<16xf32>
          %sub3A_179 = arith.subf %max3A_178, %get3A_28 : vector<16xf32>
          %exp3A_180 = math.exp %sub3A_179 : vector<16xf32>
          %get3A_181 = arith.index_cast %scan3A_79 : i32 to index
          %get3A_182 = arith.constant 48 : index
          %get3A_183 = tpu.vector_load %arg12[%get3A_181, %get3A_182] {strides = array<i32>} : memref<32x128xf32, #tpu.memory_space<vmem>>, vector<1x16xf32>,
          %get3A_184 = vector.shape_cast %get3A_183 : vector<1x16xf32> to vector<16xf32>
          %mul3A_185 = arith.mulf %get3A_184, %exp3A_180 : vector<16xf32>
          %swap3A_186 = arith.index_cast %scan3A_79 : i32 to index
          %swap3A_187 = arith.constant 48 : index
          %swap3A_188 = tpu.vector_load %arg16[%swap3A_186, %swap3A_187] {strides = array<i32>} : memref<32x128xf32, #tpu.memory_space<vmem>>, vector<1x16xf32>,
          %swap3A_189 = vector.shape_cast %swap3A_188 : vector<1x16xf32> to vector<16xf32>
          %swap3A_190 = vector.shape_cast %mul3A_185 : vector<16xf32> to vector<1x16xf32>
          tpu.vector_store %arg16[%swap3A_186, %swap3A_187], %swap3A_190 {strides = array<i32>} : memref<32x128xf32, #tpu.memory_space<vmem>>, vector<1x16xf32>,
          %swap3A_191 = arith.index_cast %scan3A_79 : i32 to index
          %swap3A_192 = arith.constant 112 : index
          %swap3A_193 = tpu.vector_load %arg16[%swap3A_191, %swap3A_192] {strides = array<i32>} : memref<32x128xf32, #tpu.memory_space<vmem>>, vector<1x16xf32>,
          %swap3A_194 = vector.shape_cast %swap3A_193 : vector<1x16xf32> to vector<16xf32>
          %swap3A_195 = vector.shape_cast %exp3A_180 : vector<16xf32> to vector<1x16xf32>
          tpu.vector_store %arg16[%swap3A_191, %swap3A_192], %swap3A_195 {strides = array<i32>} : memref<32x128xf32, #tpu.memory_space<vmem>>, vector<1x16xf32>,
        }
        %scan3A_72 = arith.constant 32 : i32
        %dma_start3A_73 = arith.constant 0 : i32
        %dma_start3A_74 = arith.constant 0 : i32
        %dma_start3A_75 = tpu.memref_slice %arg20[%dma_start3A_73, %dma_start3A_74] : memref<10000x128xf32, #tpu.memory_space<vmem_shared>> -> memref<10000x128xf32, #tpu.memory_space<vmem_shared>>
        tpu.enqueue_indirect_dma source(%arg16 : memref<32x128xf32, #tpu.memory_space<vmem>>) target(%dma_start3A_75 : memref<10000x128xf32, #tpu.memory_space<vmem_shared>>) offsets(%arg9 : memref<32xi32, #tpu.memory_space<vmem>>) semaphore(%arg25 : memref<!tpu.dma_semaphore, #tpu.memory_space<semaphore_mem>>) {add = true}
        %dma_wait3A_76 = arith.constant 0 : i32
        %dma_wait3A_77 = arith.constant 0 : i32
        %dma_wait3A_78 = tpu.memref_slice %arg20[%dma_wait3A_76, %dma_wait3A_77] : memref<10000x128xf32, #tpu.memory_space<vmem_shared>> -> memref<10000x128xf32, #tpu.memory_space<vmem_shared>>
        tpu.wait_indirect_dma semaphore(%arg25 : memref<!tpu.dma_semaphore, #tpu.memory_space<semaphore_mem>>) src(%arg16 : memref<32x128xf32, #tpu.memory_space<vmem>>) dst(%dma_wait3A_78 : memref<10000x128xf32, #tpu.memory_space<vmem_shared>>)
      } else {
      }
      %barrier3A_46 = arith.constant 0 : index
      tpu.barrier barrier_id(%barrier3A_46)
      %mul3A_47 = arith.constant 624 : i32
      %mul3A_48 = arith.muli %arg1, %mul3A_47 : i32
      "tpu.region"() ({
        %run_scoped3A = tpu.sem_alloc : memref<!tpu.dma_semaphore, #tpu.memory_space<semaphore_mem>>
        %dma_start3A = arith.constant 0 : i32
        %dma_start3A_54 = tpu.memref_slice %arg7[%mul3A_48, %dma_start3A] : memref<10000x128xf32, #tpu.memory_space<hbm>> -> memref<624x128xf32, #tpu.memory_space<hbm>>
        %dma_start3A_55 = arith.constant 0 : i32
        %dma_start3A_56 = tpu.memref_slice %arg20[%mul3A_48, %dma_start3A_55] : memref<10000x128xf32, #tpu.memory_space<vmem_shared>> -> memref<624x128xf32, #tpu.memory_space<vmem_shared>>
        tpu.enqueue_dma source(%dma_start3A_56 : memref<624x128xf32, #tpu.memory_space<vmem_shared>>) target(%dma_start3A_54 : memref<624x128xf32, #tpu.memory_space<hbm>>) target_semaphore(%run_scoped3A : memref<!tpu.dma_semaphore, #tpu.memory_space<semaphore_mem>>)
        %dma_wait3A_57 = arith.constant 0 : i32
        %dma_wait3A_58 = tpu.memref_slice %arg7[%mul3A_48, %dma_wait3A_57] : memref<10000x128xf32, #tpu.memory_space<hbm>> -> memref<624x128xf32, #tpu.memory_space<hbm>>
        %dma_wait3A_59 = arith.constant 0 : i32
        %dma_wait3A_60 = tpu.memref_slice %arg20[%mul3A_48, %dma_wait3A_59] : memref<10000x128xf32, #tpu.memory_space<vmem_shared>> -> memref<624x128xf32, #tpu.memory_space<vmem_shared>>
        tpu.wait_dma2 semaphore(%run_scoped3A : memref<!tpu.dma_semaphore, #tpu.memory_space<semaphore_mem>>) src(%dma_wait3A_60 : memref<624x128xf32, #tpu.memory_space<vmem_shared>>) dst(%dma_wait3A_58 : memref<624x128xf32, #tpu.memory_space<hbm>>)
        tpu.yield
      }) : () -> ()
      %eq3A_49 = arith.constant 15 : i32
      %eq3A_50 = arith.cmpi eq, %arg1, %eq3A_49 : i32
      %convert_element_type3A_51 = arith.extui %eq3A_50 : i1 to i32
      %cond3A_52 = arith.constant 0 : i32
      %cond3A_53 = arith.cmpi ne, %convert_element_type3A_51, %cond3A_52 : i32
      scf.if %cond3A_53 {
        "tpu.region"() ({
          %run_scoped3A = tpu.sem_alloc : memref<!tpu.dma_semaphore, #tpu.memory_space<semaphore_mem>>
          %dma_start3A = arith.constant 9984 : i32
          %dma_start3A_54 = arith.constant 0 : i32
          %dma_start3A_55 = tpu.memref_slice %arg7[%dma_start3A, %dma_start3A_54] : memref<10000x128xf32, #tpu.memory_space<hbm>> -> memref<16x128xf32, #tpu.memory_space<hbm>>
          %dma_start3A_56 = arith.constant 9984 : i32
          %dma_start3A_57 = arith.constant 0 : i32
          %dma_start3A_58 = tpu.memref_slice %arg20[%dma_start3A_56, %dma_start3A_57] : memref<10000x128xf32, #tpu.memory_space<vmem_shared>> -> memref<16x128xf32, #tpu.memory_space<vmem_shared>>
          tpu.enqueue_dma source(%dma_start3A_58 : memref<16x128xf32, #tpu.memory_space<vmem_shared>>) target(%dma_start3A_55 : memref<16x128xf32, #tpu.memory_space<hbm>>) target_semaphore(%run_scoped3A : memref<!tpu.dma_semaphore, #tpu.memory_space<semaphore_mem>>)
          %dma_wait3A_59 = arith.constant 9984 : i32
          %dma_wait3A_60 = arith.constant 0 : i32
          %dma_wait3A_61 = tpu.memref_slice %arg7[%dma_wait3A_59, %dma_wait3A_60] : memref<10000x128xf32, #tpu.memory_space<hbm>> -> memref<16x128xf32, #tpu.memory_space<hbm>>
          %dma_wait3A_62 = arith.constant 9984 : i32
          %dma_wait3A_63 = arith.constant 0 : i32
          %dma_wait3A_64 = tpu.memref_slice %arg20[%dma_wait3A_62, %dma_wait3A_63] : memref<10000x128xf32, #tpu.memory_space<vmem_shared>> -> memref<16x128xf32, #tpu.memory_space<vmem_shared>>
          tpu.wait_dma2 semaphore(%run_scoped3A : memref<!tpu.dma_semaphore, #tpu.memory_space<semaphore_mem>>) src(%dma_wait3A_64 : memref<16x128xf32, #tpu.memory_space<vmem_shared>>) dst(%dma_wait3A_61 : memref<16x128xf32, #tpu.memory_space<hbm>>)
          tpu.yield
        }) : () -> ()
      } else {
      }
    } else {
    }
    return
  }
}

#map = affine_map<(d0, d1) -> (0, 0)>
#map1 = affine_map<(d0, d1) -> (0)>
module attributes {stable_mosaic.version = 14 : i64} {
  func.func @_edge_pass_body(%arg0: i32, %arg1: i32, %arg2: memref<10000x96xf32, #tpu.memory_space<hbm>>, %arg3: memref<10000x48xf32, #tpu.memory_space<hbm>>, %arg4: memref<5000x64xi32, #tpu.memory_space<hbm>>, %arg5: memref<5000x64xi32, #tpu.memory_space<hbm>>, %arg6: memref<48xf32, #tpu.memory_space<hbm>>, %arg7: memref<10000x48xf32, #tpu.memory_space<hbm>>, %arg8: memref<64xi32, #tpu.memory_space<vmem>>, %arg9: memref<64xi32, #tpu.memory_space<vmem>>, %arg10: memref<64xi32, #tpu.memory_space<vmem>>, %arg11: memref<64xi32, #tpu.memory_space<vmem>>, %arg12: memref<64x96xf32, #tpu.memory_space<vmem>>, %arg13: memref<64x48xf32, #tpu.memory_space<vmem>>, %arg14: memref<64x96xf32, #tpu.memory_space<vmem>>, %arg15: memref<64x48xf32, #tpu.memory_space<vmem>>, %arg16: memref<64x48xf32, #tpu.memory_space<vmem>>, %arg17: memref<64x48xf32, #tpu.memory_space<vmem>>, %arg18: memref<48xf32, #tpu.memory_space<vmem>>, %arg19: memref<208x48xf32, #tpu.memory_space<vmem>>, %arg20: memref<10000x48xf32, #tpu.memory_space<vmem_shared>>, %arg21: memref<!tpu.dma_semaphore, #tpu.memory_space<semaphore_mem>>, %arg22: memref<!tpu.dma_semaphore, #tpu.memory_space<semaphore_mem>>, %arg23: memref<!tpu.dma_semaphore, #tpu.memory_space<semaphore_mem>>, %arg24: memref<!tpu.dma_semaphore, #tpu.memory_space<semaphore_mem>>, %arg25: memref<!tpu.dma_semaphore, #tpu.memory_space<semaphore_mem>>, %arg26: memref<!tpu.dma_semaphore, #tpu.memory_space<semaphore_mem>>) attributes {dimension_semantics = [#tpu.dimension_semantics<core_parallel>, #tpu.dimension_semantics<subcore_parallel>], iteration_bounds = array<i64: 2, 16>, scalar_prefetch = 0 : i64, scratch_operands = 19 : i64, tpu.core_type = #tpu.core_type<sc_vector_subcore>, window_params = [{transform_indices = #map}, {transform_indices = #map}, {transform_indices = #map}, {transform_indices = #map}, {transform_indices = #map1}, {transform_indices = #map}]} {
    %eq3A = arith.constant 0 : i32
    %eq3A_0 = arith.cmpi eq, %arg0, %eq3A : i32
    %convert_element_type3A = arith.extui %eq3A_0 : i1 to i32
    %cond3A = arith.constant 0 : i32
    %cond3A_1 = arith.cmpi ne, %convert_element_type3A, %cond3A : i32
    scf.if %cond3A_1 {
      %scan3A = arith.constant 0 : i32
      %scan3A_2 = arith.constant 0 : i32
      %scan3A_3 = arith.constant 208 : i32
      %scan3A_4 = arith.addi %scan3A_2, %scan3A_3 : i32
      %scan3A_5 = arith.constant 1 : i32
      scf.for %scan3A_54 = %scan3A_2 to %scan3A_4 step %scan3A_5  : i32 {
        %broadcast_in_dim3A = arith.constant 0.000000e+00 : f32
        %broadcast_in_dim3A_55 = vector.broadcast %broadcast_in_dim3A : f32 to vector<16xf32>
        %swap3A = arith.index_cast %scan3A_54 : i32 to index
        %swap3A_56 = arith.constant 0 : index
        %swap3A_57 = tpu.vector_load %arg19[%swap3A, %swap3A_56] {strides = array<i32>} : memref<208x48xf32, #tpu.memory_space<vmem>>, vector<1x16xf32>,
        %swap3A_58 = vector.shape_cast %swap3A_57 : vector<1x16xf32> to vector<16xf32>
        %swap3A_59 = vector.shape_cast %broadcast_in_dim3A_55 : vector<16xf32> to vector<1x16xf32>
        tpu.vector_store %arg19[%swap3A, %swap3A_56], %swap3A_59 {strides = array<i32>} : memref<208x48xf32, #tpu.memory_space<vmem>>, vector<1x16xf32>,
        %broadcast_in_dim3A_60 = arith.constant 0.000000e+00 : f32
        %broadcast_in_dim3A_61 = vector.broadcast %broadcast_in_dim3A_60 : f32 to vector<16xf32>
        %swap3A_62 = arith.index_cast %scan3A_54 : i32 to index
        %swap3A_63 = arith.constant 16 : index
        %swap3A_64 = tpu.vector_load %arg19[%swap3A_62, %swap3A_63] {strides = array<i32>} : memref<208x48xf32, #tpu.memory_space<vmem>>, vector<1x16xf32>,
        %swap3A_65 = vector.shape_cast %swap3A_64 : vector<1x16xf32> to vector<16xf32>
        %swap3A_66 = vector.shape_cast %broadcast_in_dim3A_61 : vector<16xf32> to vector<1x16xf32>
        tpu.vector_store %arg19[%swap3A_62, %swap3A_63], %swap3A_66 {strides = array<i32>} : memref<208x48xf32, #tpu.memory_space<vmem>>, vector<1x16xf32>,
        %broadcast_in_dim3A_67 = arith.constant 0.000000e+00 : f32
        %broadcast_in_dim3A_68 = vector.broadcast %broadcast_in_dim3A_67 : f32 to vector<16xf32>
        %swap3A_69 = arith.index_cast %scan3A_54 : i32 to index
        %swap3A_70 = arith.constant 32 : index
        %swap3A_71 = tpu.vector_load %arg19[%swap3A_69, %swap3A_70] {strides = array<i32>} : memref<208x48xf32, #tpu.memory_space<vmem>>, vector<1x16xf32>,
        %swap3A_72 = vector.shape_cast %swap3A_71 : vector<1x16xf32> to vector<16xf32>
        %swap3A_73 = vector.shape_cast %broadcast_in_dim3A_68 : vector<16xf32> to vector<1x16xf32>
        tpu.vector_store %arg19[%swap3A_69, %swap3A_70], %swap3A_73 {strides = array<i32>} : memref<208x48xf32, #tpu.memory_space<vmem>>, vector<1x16xf32>,
      }
      %scan3A_6 = arith.constant 208 : i32
      %mul3A = arith.constant 624 : i32
      %mul3A_7 = arith.muli %arg1, %mul3A : i32
      %add3A = arith.constant 0 : i32
      %add3A_8 = arith.addi %mul3A_7, %add3A : i32
      "tpu.region"() ({
        %run_scoped3A = tpu.sem_alloc : memref<!tpu.dma_semaphore, #tpu.memory_space<semaphore_mem>>
        %dma_start3A = arith.constant 0 : i32
        %dma_start3A_54 = tpu.memref_slice %arg20[%add3A_8, %dma_start3A] : memref<10000x48xf32, #tpu.memory_space<vmem_shared>> -> memref<208x48xf32, #tpu.memory_space<vmem_shared>>
        %dma_start3A_55 = arith.constant 0 : i32
        %dma_start3A_56 = tpu.memref_slice %arg20[%add3A_8, %dma_start3A_55] : memref<10000x48xf32, #tpu.memory_space<vmem_shared>> -> memref<208x48xf32, #tpu.memory_space<vmem_shared>>
        tpu.enqueue_dma source(%arg19 : memref<208x48xf32, #tpu.memory_space<vmem>>) target(%dma_start3A_56 : memref<208x48xf32, #tpu.memory_space<vmem_shared>>) target_semaphore(%run_scoped3A : memref<!tpu.dma_semaphore, #tpu.memory_space<semaphore_mem>>)
        %dma_wait3A_57 = arith.constant 0 : i32
        %dma_wait3A_58 = tpu.memref_slice %arg20[%add3A_8, %dma_wait3A_57] : memref<10000x48xf32, #tpu.memory_space<vmem_shared>> -> memref<208x48xf32, #tpu.memory_space<vmem_shared>>
        %dma_wait3A_59 = arith.constant 0 : i32
        %dma_wait3A_60 = tpu.memref_slice %arg20[%add3A_8, %dma_wait3A_59] : memref<10000x48xf32, #tpu.memory_space<vmem_shared>> -> memref<208x48xf32, #tpu.memory_space<vmem_shared>>
        tpu.wait_dma2 semaphore(%run_scoped3A : memref<!tpu.dma_semaphore, #tpu.memory_space<semaphore_mem>>) src(%arg19 : memref<208x48xf32, #tpu.memory_space<vmem>>) dst(%dma_wait3A_60 : memref<208x48xf32, #tpu.memory_space<vmem_shared>>)
        tpu.yield
      }) : () -> ()
      %add3A_9 = arith.constant 208 : i32
      %add3A_10 = arith.addi %mul3A_7, %add3A_9 : i32
      "tpu.region"() ({
        %run_scoped3A = tpu.sem_alloc : memref<!tpu.dma_semaphore, #tpu.memory_space<semaphore_mem>>
        %dma_start3A = arith.constant 0 : i32
        %dma_start3A_54 = tpu.memref_slice %arg20[%add3A_10, %dma_start3A] : memref<10000x48xf32, #tpu.memory_space<vmem_shared>> -> memref<208x48xf32, #tpu.memory_space<vmem_shared>>
        %dma_start3A_55 = arith.constant 0 : i32
        %dma_start3A_56 = tpu.memref_slice %arg20[%add3A_10, %dma_start3A_55] : memref<10000x48xf32, #tpu.memory_space<vmem_shared>> -> memref<208x48xf32, #tpu.memory_space<vmem_shared>>
        tpu.enqueue_dma source(%arg19 : memref<208x48xf32, #tpu.memory_space<vmem>>) target(%dma_start3A_56 : memref<208x48xf32, #tpu.memory_space<vmem_shared>>) target_semaphore(%run_scoped3A : memref<!tpu.dma_semaphore, #tpu.memory_space<semaphore_mem>>)
        %dma_wait3A_57 = arith.constant 0 : i32
        %dma_wait3A_58 = tpu.memref_slice %arg20[%add3A_10, %dma_wait3A_57] : memref<10000x48xf32, #tpu.memory_space<vmem_shared>> -> memref<208x48xf32, #tpu.memory_space<vmem_shared>>
        %dma_wait3A_59 = arith.constant 0 : i32
        %dma_wait3A_60 = tpu.memref_slice %arg20[%add3A_10, %dma_wait3A_59] : memref<10000x48xf32, #tpu.memory_space<vmem_shared>> -> memref<208x48xf32, #tpu.memory_space<vmem_shared>>
        tpu.wait_dma2 semaphore(%run_scoped3A : memref<!tpu.dma_semaphore, #tpu.memory_space<semaphore_mem>>) src(%arg19 : memref<208x48xf32, #tpu.memory_space<vmem>>) dst(%dma_wait3A_60 : memref<208x48xf32, #tpu.memory_space<vmem_shared>>)
        tpu.yield
      }) : () -> ()
      %add3A_11 = arith.constant 416 : i32
      %add3A_12 = arith.addi %mul3A_7, %add3A_11 : i32
      "tpu.region"() ({
        %run_scoped3A = tpu.sem_alloc : memref<!tpu.dma_semaphore, #tpu.memory_space<semaphore_mem>>
        %dma_start3A = arith.constant 0 : i32
        %dma_start3A_54 = tpu.memref_slice %arg20[%add3A_12, %dma_start3A] : memref<10000x48xf32, #tpu.memory_space<vmem_shared>> -> memref<208x48xf32, #tpu.memory_space<vmem_shared>>
        %dma_start3A_55 = arith.constant 0 : i32
        %dma_start3A_56 = tpu.memref_slice %arg20[%add3A_12, %dma_start3A_55] : memref<10000x48xf32, #tpu.memory_space<vmem_shared>> -> memref<208x48xf32, #tpu.memory_space<vmem_shared>>
        tpu.enqueue_dma source(%arg19 : memref<208x48xf32, #tpu.memory_space<vmem>>) target(%dma_start3A_56 : memref<208x48xf32, #tpu.memory_space<vmem_shared>>) target_semaphore(%run_scoped3A : memref<!tpu.dma_semaphore, #tpu.memory_space<semaphore_mem>>)
        %dma_wait3A_57 = arith.constant 0 : i32
        %dma_wait3A_58 = tpu.memref_slice %arg20[%add3A_12, %dma_wait3A_57] : memref<10000x48xf32, #tpu.memory_space<vmem_shared>> -> memref<208x48xf32, #tpu.memory_space<vmem_shared>>
        %dma_wait3A_59 = arith.constant 0 : i32
        %dma_wait3A_60 = tpu.memref_slice %arg20[%add3A_12, %dma_wait3A_59] : memref<10000x48xf32, #tpu.memory_space<vmem_shared>> -> memref<208x48xf32, #tpu.memory_space<vmem_shared>>
        tpu.wait_dma2 semaphore(%run_scoped3A : memref<!tpu.dma_semaphore, #tpu.memory_space<semaphore_mem>>) src(%arg19 : memref<208x48xf32, #tpu.memory_space<vmem>>) dst(%dma_wait3A_60 : memref<208x48xf32, #tpu.memory_space<vmem_shared>>)
        tpu.yield
      }) : () -> ()
      %eq3A_13 = arith.constant 15 : i32
      %eq3A_14 = arith.cmpi eq, %arg1, %eq3A_13 : i32
      %convert_element_type3A_15 = arith.extui %eq3A_14 : i1 to i32
      %cond3A_16 = arith.constant 0 : i32
      %cond3A_17 = arith.cmpi ne, %convert_element_type3A_15, %cond3A_16 : i32
      scf.if %cond3A_17 {
        "tpu.region"() ({
          %run_scoped3A = tpu.sem_alloc : memref<!tpu.dma_semaphore, #tpu.memory_space<semaphore_mem>>
          %dma_start3A = arith.constant 0 : i32
          %dma_start3A_54 = arith.constant 0 : i32
          %dma_start3A_55 = tpu.memref_slice %arg19[%dma_start3A, %dma_start3A_54] : memref<208x48xf32, #tpu.memory_space<vmem>> -> memref<16x48xf32, #tpu.memory_space<vmem>>
          %dma_start3A_56 = arith.constant 9984 : i32
          %dma_start3A_57 = arith.constant 0 : i32
          %dma_start3A_58 = tpu.memref_slice %arg20[%dma_start3A_56, %dma_start3A_57] : memref<10000x48xf32, #tpu.memory_space<vmem_shared>> -> memref<16x48xf32, #tpu.memory_space<vmem_shared>>
          %dma_start3A_59 = arith.constant 9984 : i32
          %dma_start3A_60 = arith.constant 0 : i32
          %dma_start3A_61 = tpu.memref_slice %arg20[%dma_start3A_59, %dma_start3A_60] : memref<10000x48xf32, #tpu.memory_space<vmem_shared>> -> memref<16x48xf32, #tpu.memory_space<vmem_shared>>
          %dma_start3A_62 = arith.constant 0 : i32
          %dma_start3A_63 = arith.constant 0 : i32
          %dma_start3A_64 = tpu.memref_slice %arg19[%dma_start3A_62, %dma_start3A_63] : memref<208x48xf32, #tpu.memory_space<vmem>> -> memref<16x48xf32, #tpu.memory_space<vmem>>
          tpu.enqueue_dma source(%dma_start3A_64 : memref<16x48xf32, #tpu.memory_space<vmem>>) target(%dma_start3A_61 : memref<16x48xf32, #tpu.memory_space<vmem_shared>>) target_semaphore(%run_scoped3A : memref<!tpu.dma_semaphore, #tpu.memory_space<semaphore_mem>>)
          %dma_wait3A_65 = arith.constant 0 : i32
          %dma_wait3A_66 = arith.constant 0 : i32
          %dma_wait3A_67 = tpu.memref_slice %arg19[%dma_wait3A_65, %dma_wait3A_66] : memref<208x48xf32, #tpu.memory_space<vmem>> -> memref<16x48xf32, #tpu.memory_space<vmem>>
          %dma_wait3A_68 = arith.constant 9984 : i32
          %dma_wait3A_69 = arith.constant 0 : i32
          %dma_wait3A_70 = tpu.memref_slice %arg20[%dma_wait3A_68, %dma_wait3A_69] : memref<10000x48xf32, #tpu.memory_space<vmem_shared>> -> memref<16x48xf32, #tpu.memory_space<vmem_shared>>
          %dma_wait3A_71 = arith.constant 9984 : i32
          %dma_wait3A_72 = arith.constant 0 : i32
          %dma_wait3A_73 = tpu.memref_slice %arg20[%dma_wait3A_71, %dma_wait3A_72] : memref<10000x48xf32, #tpu.memory_space<vmem_shared>> -> memref<16x48xf32, #tpu.memory_space<vmem_shared>>
          %dma_wait3A_74 = arith.constant 0 : i32
          %dma_wait3A_75 = arith.constant 0 : i32
          %dma_wait3A_76 = tpu.memref_slice %arg19[%dma_wait3A_74, %dma_wait3A_75] : memref<208x48xf32, #tpu.memory_space<vmem>> -> memref<16x48xf32, #tpu.memory_space<vmem>>
          tpu.wait_dma2 semaphore(%run_scoped3A : memref<!tpu.dma_semaphore, #tpu.memory_space<semaphore_mem>>) src(%dma_wait3A_76 : memref<16x48xf32, #tpu.memory_space<vmem>>) dst(%dma_wait3A_73 : memref<16x48xf32, #tpu.memory_space<vmem_shared>>)
          tpu.yield
        }) : () -> ()
      } else {
      }
      "tpu.region"() ({
        %run_scoped3A = tpu.sem_alloc : memref<!tpu.dma_semaphore, #tpu.memory_space<semaphore_mem>>
        tpu.enqueue_dma source(%arg6 : memref<48xf32, #tpu.memory_space<hbm>>) target(%arg18 : memref<48xf32, #tpu.memory_space<vmem>>) target_semaphore(%run_scoped3A : memref<!tpu.dma_semaphore, #tpu.memory_space<semaphore_mem>>)
        tpu.wait_dma2 semaphore(%run_scoped3A : memref<!tpu.dma_semaphore, #tpu.memory_space<semaphore_mem>>) src(%arg6 : memref<48xf32, #tpu.memory_space<hbm>>) dst(%arg18 : memref<48xf32, #tpu.memory_space<vmem>>)
        tpu.yield
      }) : () -> ()
      %barrier3A = arith.constant 0 : index
      tpu.barrier barrier_id(%barrier3A)
      %get3A = arith.constant 0 : index
      %get3A_18 = tpu.vector_load %arg18[%get3A] {strides = array<i32>} : memref<48xf32, #tpu.memory_space<vmem>>, vector<16xf32>,
      %get3A_19 = vector.shape_cast %get3A_18 : vector<16xf32> to vector<16xf32>
      %get3A_20 = arith.constant 16 : index
      %get3A_21 = tpu.vector_load %arg18[%get3A_20] {strides = array<i32>} : memref<48xf32, #tpu.memory_space<vmem>>, vector<16xf32>,
      %get3A_22 = vector.shape_cast %get3A_21 : vector<16xf32> to vector<16xf32>
      %get3A_23 = arith.constant 32 : index
      %get3A_24 = tpu.vector_load %arg18[%get3A_23] {strides = array<i32>} : memref<48xf32, #tpu.memory_space<vmem>>, vector<16xf32>,
      %get3A_25 = vector.shape_cast %get3A_24 : vector<16xf32> to vector<16xf32>
      %mul3A_26 = arith.constant 313 : i32
      %mul3A_27 = arith.muli %arg1, %mul3A_26 : i32
      %sub3A = arith.constant 8 : i32
      %sub3A_28 = arith.subi %arg1, %sub3A : i32
      %max3A = arith.constant 0 : i32
      %max3A_29 = arith.maxsi %sub3A_28, %max3A : i32
      %sub3A_30 = arith.subi %mul3A_27, %max3A_29 : i32
      %scan3A_31 = arith.constant 0 : i32
      %scan3A_32 = arith.constant 0 : i32
      %scan3A_33 = arith.constant 156 : i32
      %scan3A_34 = arith.addi %scan3A_32, %scan3A_33 : i32
      %scan3A_35 = arith.constant 1 : i32
      scf.for %scan3A_54 = %scan3A_32 to %scan3A_34 step %scan3A_35  : i32 {
        %mul3A_55 = arith.constant 2 : i32
        %mul3A_56 = arith.muli %mul3A_55, %scan3A_54 : i32
        %add3A_57 = arith.addi %sub3A_30, %mul3A_56 : i32
        %gt3A = arith.constant 0 : i32
        %gt3A_58 = arith.cmpi sgt, %scan3A_54, %gt3A : i32
        %convert_element_type3A_59 = arith.extui %gt3A_58 : i1 to i32
        %cond3A_60 = arith.constant 0 : i32
        %cond3A_61 = arith.cmpi ne, %convert_element_type3A_59, %cond3A_60 : i32
        scf.if %cond3A_61 {
          %dma_wait3A_112 = arith.constant 0 : i32
          %dma_wait3A_113 = arith.constant 0 : i32
          %dma_wait3A_114 = tpu.memref_slice %arg20[%dma_wait3A_112, %dma_wait3A_113] : memref<10000x48xf32, #tpu.memory_space<vmem_shared>> -> memref<10000x48xf32, #tpu.memory_space<vmem_shared>>
          tpu.wait_indirect_dma semaphore(%arg25 : memref<!tpu.dma_semaphore, #tpu.memory_space<semaphore_mem>>) src(%arg16 : memref<64x48xf32, #tpu.memory_space<vmem>>) dst(%dma_wait3A_114 : memref<10000x48xf32, #tpu.memory_space<vmem_shared>>)
        } else {
        }
        "tpu.region"() ({
          %run_scoped3A = tpu.sem_alloc : memref<!tpu.dma_semaphore, #tpu.memory_space<semaphore_mem>>
          %dma_start3A_112 = arith.constant 0 : i32
          %dma_start3A_113 = tpu.memref_slice %arg4[%add3A_57, %dma_start3A_112] : memref<5000x64xi32, #tpu.memory_space<hbm>> -> memref<1x64xi32, #tpu.memory_space<hbm>>
          %dma_start3A_114 = tpu.memref_squeeze %dma_start3A_113 : memref<1x64xi32, #tpu.memory_space<hbm>> -> memref<64xi32, #tpu.memory_space<hbm>>
          %dma_start3A_115 = arith.constant 0 : i32
          %dma_start3A_116 = tpu.memref_slice %arg4[%add3A_57, %dma_start3A_115] : memref<5000x64xi32, #tpu.memory_space<hbm>> -> memref<1x64xi32, #tpu.memory_space<hbm>>
          %dma_start3A_117 = tpu.memref_squeeze %dma_start3A_116 : memref<1x64xi32, #tpu.memory_space<hbm>> -> memref<64xi32, #tpu.memory_space<hbm>>
          tpu.enqueue_dma source(%dma_start3A_117 : memref<64xi32, #tpu.memory_space<hbm>>) target(%arg8 : memref<64xi32, #tpu.memory_space<vmem>>) target_semaphore(%run_scoped3A : memref<!tpu.dma_semaphore, #tpu.memory_space<semaphore_mem>>)
          %dma_wait3A_118 = arith.constant 0 : i32
          %dma_wait3A_119 = tpu.memref_slice %arg4[%add3A_57, %dma_wait3A_118] : memref<5000x64xi32, #tpu.memory_space<hbm>> -> memref<1x64xi32, #tpu.memory_space<hbm>>
          %dma_wait3A_120 = tpu.memref_squeeze %dma_wait3A_119 : memref<1x64xi32, #tpu.memory_space<hbm>> -> memref<64xi32, #tpu.memory_space<hbm>>
          %dma_wait3A_121 = arith.constant 0 : i32
          %dma_wait3A_122 = tpu.memref_slice %arg4[%add3A_57, %dma_wait3A_121] : memref<5000x64xi32, #tpu.memory_space<hbm>> -> memref<1x64xi32, #tpu.memory_space<hbm>>
          %dma_wait3A_123 = tpu.memref_squeeze %dma_wait3A_122 : memref<1x64xi32, #tpu.memory_space<hbm>> -> memref<64xi32, #tpu.memory_space<hbm>>
          tpu.wait_dma2 semaphore(%run_scoped3A : memref<!tpu.dma_semaphore, #tpu.memory_space<semaphore_mem>>) src(%dma_wait3A_123 : memref<64xi32, #tpu.memory_space<hbm>>) dst(%arg8 : memref<64xi32, #tpu.memory_space<vmem>>)
          tpu.yield
        }) : () -> ()
        "tpu.region"() ({
          %run_scoped3A = tpu.sem_alloc : memref<!tpu.dma_semaphore, #tpu.memory_space<semaphore_mem>>
          %dma_start3A_112 = arith.constant 0 : i32
          %dma_start3A_113 = tpu.memref_slice %arg5[%add3A_57, %dma_start3A_112] : memref<5000x64xi32, #tpu.memory_space<hbm>> -> memref<1x64xi32, #tpu.memory_space<hbm>>
          %dma_start3A_114 = tpu.memref_squeeze %dma_start3A_113 : memref<1x64xi32, #tpu.memory_space<hbm>> -> memref<64xi32, #tpu.memory_space<hbm>>
          %dma_start3A_115 = arith.constant 0 : i32
          %dma_start3A_116 = tpu.memref_slice %arg5[%add3A_57, %dma_start3A_115] : memref<5000x64xi32, #tpu.memory_space<hbm>> -> memref<1x64xi32, #tpu.memory_space<hbm>>
          %dma_start3A_117 = tpu.memref_squeeze %dma_start3A_116 : memref<1x64xi32, #tpu.memory_space<hbm>> -> memref<64xi32, #tpu.memory_space<hbm>>
          tpu.enqueue_dma source(%dma_start3A_117 : memref<64xi32, #tpu.memory_space<hbm>>) target(%arg9 : memref<64xi32, #tpu.memory_space<vmem>>) target_semaphore(%run_scoped3A : memref<!tpu.dma_semaphore, #tpu.memory_space<semaphore_mem>>)
          %dma_wait3A_118 = arith.constant 0 : i32
          %dma_wait3A_119 = tpu.memref_slice %arg5[%add3A_57, %dma_wait3A_118] : memref<5000x64xi32, #tpu.memory_space<hbm>> -> memref<1x64xi32, #tpu.memory_space<hbm>>
          %dma_wait3A_120 = tpu.memref_squeeze %dma_wait3A_119 : memref<1x64xi32, #tpu.memory_space<hbm>> -> memref<64xi32, #tpu.memory_space<hbm>>
          %dma_wait3A_121 = arith.constant 0 : i32
          %dma_wait3A_122 = tpu.memref_slice %arg5[%add3A_57, %dma_wait3A_121] : memref<5000x64xi32, #tpu.memory_space<hbm>> -> memref<1x64xi32, #tpu.memory_space<hbm>>
          %dma_wait3A_123 = tpu.memref_squeeze %dma_wait3A_122 : memref<1x64xi32, #tpu.memory_space<hbm>> -> memref<64xi32, #tpu.memory_space<hbm>>
          tpu.wait_dma2 semaphore(%run_scoped3A : memref<!tpu.dma_semaphore, #tpu.memory_space<semaphore_mem>>) src(%dma_wait3A_123 : memref<64xi32, #tpu.memory_space<hbm>>) dst(%arg9 : memref<64xi32, #tpu.memory_space<vmem>>)
          tpu.yield
        }) : () -> ()
        %dma_start3A = arith.constant 0 : i32
        %dma_start3A_62 = arith.constant 0 : i32
        %dma_start3A_63 = tpu.memref_slice %arg2[%dma_start3A, %dma_start3A_62] : memref<10000x96xf32, #tpu.memory_space<hbm>> -> memref<10000x96xf32, #tpu.memory_space<hbm>>
        tpu.enqueue_indirect_dma source(%dma_start3A_63 : memref<10000x96xf32, #tpu.memory_space<hbm>>) target(%arg12 : memref<64x96xf32, #tpu.memory_space<vmem>>) offsets(%arg8 : memref<64xi32, #tpu.memory_space<vmem>>) semaphore(%arg21 : memref<!tpu.dma_semaphore, #tpu.memory_space<semaphore_mem>>)
        %dma_start3A_64 = arith.constant 0 : i32
        %dma_start3A_65 = arith.constant 0 : i32
        %dma_start3A_66 = tpu.memref_slice %arg3[%dma_start3A_64, %dma_start3A_65] : memref<10000x48xf32, #tpu.memory_space<hbm>> -> memref<10000x48xf32, #tpu.memory_space<hbm>>
        tpu.enqueue_indirect_dma source(%dma_start3A_66 : memref<10000x48xf32, #tpu.memory_space<hbm>>) target(%arg13 : memref<64x48xf32, #tpu.memory_space<vmem>>) offsets(%arg9 : memref<64xi32, #tpu.memory_space<vmem>>) semaphore(%arg22 : memref<!tpu.dma_semaphore, #tpu.memory_space<semaphore_mem>>)
        %gt3A_67 = arith.constant 0 : i32
        %gt3A_68 = arith.cmpi sgt, %scan3A_54, %gt3A_67 : i32
        %convert_element_type3A_69 = arith.extui %gt3A_68 : i1 to i32
        %cond3A_70 = arith.constant 0 : i32
        %cond3A_71 = arith.cmpi ne, %convert_element_type3A_69, %cond3A_70 : i32
        scf.if %cond3A_71 {
          %dma_wait3A_112 = arith.constant 0 : i32
          %dma_wait3A_113 = arith.constant 0 : i32
          %dma_wait3A_114 = tpu.memref_slice %arg20[%dma_wait3A_112, %dma_wait3A_113] : memref<10000x48xf32, #tpu.memory_space<vmem_shared>> -> memref<10000x48xf32, #tpu.memory_space<vmem_shared>>
          tpu.wait_indirect_dma semaphore(%arg26 : memref<!tpu.dma_semaphore, #tpu.memory_space<semaphore_mem>>) src(%arg17 : memref<64x48xf32, #tpu.memory_space<vmem>>) dst(%dma_wait3A_114 : memref<10000x48xf32, #tpu.memory_space<vmem_shared>>)
        } else {
        }
        %add3A_72 = arith.constant 1 : i32
        %add3A_73 = arith.addi %add3A_57, %add3A_72 : i32
        "tpu.region"() ({
          %run_scoped3A = tpu.sem_alloc : memref<!tpu.dma_semaphore, #tpu.memory_space<semaphore_mem>>
          %dma_start3A_112 = arith.constant 0 : i32
          %dma_start3A_113 = tpu.memref_slice %arg4[%add3A_73, %dma_start3A_112] : memref<5000x64xi32, #tpu.memory_space<hbm>> -> memref<1x64xi32, #tpu.memory_space<hbm>>
          %dma_start3A_114 = tpu.memref_squeeze %dma_start3A_113 : memref<1x64xi32, #tpu.memory_space<hbm>> -> memref<64xi32, #tpu.memory_space<hbm>>
          %dma_start3A_115 = arith.constant 0 : i32
          %dma_start3A_116 = tpu.memref_slice %arg4[%add3A_73, %dma_start3A_115] : memref<5000x64xi32, #tpu.memory_space<hbm>> -> memref<1x64xi32, #tpu.memory_space<hbm>>
          %dma_start3A_117 = tpu.memref_squeeze %dma_start3A_116 : memref<1x64xi32, #tpu.memory_space<hbm>> -> memref<64xi32, #tpu.memory_space<hbm>>
          tpu.enqueue_dma source(%dma_start3A_117 : memref<64xi32, #tpu.memory_space<hbm>>) target(%arg10 : memref<64xi32, #tpu.memory_space<vmem>>) target_semaphore(%run_scoped3A : memref<!tpu.dma_semaphore, #tpu.memory_space<semaphore_mem>>)
          %dma_wait3A_118 = arith.constant 0 : i32
          %dma_wait3A_119 = tpu.memref_slice %arg4[%add3A_73, %dma_wait3A_118] : memref<5000x64xi32, #tpu.memory_space<hbm>> -> memref<1x64xi32, #tpu.memory_space<hbm>>
          %dma_wait3A_120 = tpu.memref_squeeze %dma_wait3A_119 : memref<1x64xi32, #tpu.memory_space<hbm>> -> memref<64xi32, #tpu.memory_space<hbm>>
          %dma_wait3A_121 = arith.constant 0 : i32
          %dma_wait3A_122 = tpu.memref_slice %arg4[%add3A_73, %dma_wait3A_121] : memref<5000x64xi32, #tpu.memory_space<hbm>> -> memref<1x64xi32, #tpu.memory_space<hbm>>
          %dma_wait3A_123 = tpu.memref_squeeze %dma_wait3A_122 : memref<1x64xi32, #tpu.memory_space<hbm>> -> memref<64xi32, #tpu.memory_space<hbm>>
          tpu.wait_dma2 semaphore(%run_scoped3A : memref<!tpu.dma_semaphore, #tpu.memory_space<semaphore_mem>>) src(%dma_wait3A_123 : memref<64xi32, #tpu.memory_space<hbm>>) dst(%arg10 : memref<64xi32, #tpu.memory_space<vmem>>)
          tpu.yield
        }) : () -> ()
        %add3A_74 = arith.constant 1 : i32
        %add3A_75 = arith.addi %add3A_57, %add3A_74 : i32
        "tpu.region"() ({
          %run_scoped3A = tpu.sem_alloc : memref<!tpu.dma_semaphore, #tpu.memory_space<semaphore_mem>>
          %dma_start3A_112 = arith.constant 0 : i32
          %dma_start3A_113 = tpu.memref_slice %arg5[%add3A_75, %dma_start3A_112] : memref<5000x64xi32, #tpu.memory_space<hbm>> -> memref<1x64xi32, #tpu.memory_space<hbm>>
          %dma_start3A_114 = tpu.memref_squeeze %dma_start3A_113 : memref<1x64xi32, #tpu.memory_space<hbm>> -> memref<64xi32, #tpu.memory_space<hbm>>
          %dma_start3A_115 = arith.constant 0 : i32
          %dma_start3A_116 = tpu.memref_slice %arg5[%add3A_75, %dma_start3A_115] : memref<5000x64xi32, #tpu.memory_space<hbm>> -> memref<1x64xi32, #tpu.memory_space<hbm>>
          %dma_start3A_117 = tpu.memref_squeeze %dma_start3A_116 : memref<1x64xi32, #tpu.memory_space<hbm>> -> memref<64xi32, #tpu.memory_space<hbm>>
          tpu.enqueue_dma source(%dma_start3A_117 : memref<64xi32, #tpu.memory_space<hbm>>) target(%arg11 : memref<64xi32, #tpu.memory_space<vmem>>) target_semaphore(%run_scoped3A : memref<!tpu.dma_semaphore, #tpu.memory_space<semaphore_mem>>)
          %dma_wait3A_118 = arith.constant 0 : i32
          %dma_wait3A_119 = tpu.memref_slice %arg5[%add3A_75, %dma_wait3A_118] : memref<5000x64xi32, #tpu.memory_space<hbm>> -> memref<1x64xi32, #tpu.memory_space<hbm>>
          %dma_wait3A_120 = tpu.memref_squeeze %dma_wait3A_119 : memref<1x64xi32, #tpu.memory_space<hbm>> -> memref<64xi32, #tpu.memory_space<hbm>>
          %dma_wait3A_121 = arith.constant 0 : i32
          %dma_wait3A_122 = tpu.memref_slice %arg5[%add3A_75, %dma_wait3A_121] : memref<5000x64xi32, #tpu.memory_space<hbm>> -> memref<1x64xi32, #tpu.memory_space<hbm>>
          %dma_wait3A_123 = tpu.memref_squeeze %dma_wait3A_122 : memref<1x64xi32, #tpu.memory_space<hbm>> -> memref<64xi32, #tpu.memory_space<hbm>>
          tpu.wait_dma2 semaphore(%run_scoped3A : memref<!tpu.dma_semaphore, #tpu.memory_space<semaphore_mem>>) src(%dma_wait3A_123 : memref<64xi32, #tpu.memory_space<hbm>>) dst(%arg11 : memref<64xi32, #tpu.memory_space<vmem>>)
          tpu.yield
        }) : () -> ()
        %dma_start3A_76 = arith.constant 0 : i32
        %dma_start3A_77 = arith.constant 0 : i32
        %dma_start3A_78 = tpu.memref_slice %arg2[%dma_start3A_76, %dma_start3A_77] : memref<10000x96xf32, #tpu.memory_space<hbm>> -> memref<10000x96xf32, #tpu.memory_space<hbm>>
        tpu.enqueue_indirect_dma source(%dma_start3A_78 : memref<10000x96xf32, #tpu.memory_space<hbm>>) target(%arg14 : memref<64x96xf32, #tpu.memory_space<vmem>>) offsets(%arg10 : memref<64xi32, #tpu.memory_space<vmem>>) semaphore(%arg23 : memref<!tpu.dma_semaphore, #tpu.memory_space<semaphore_mem>>)
        %dma_start3A_79 = arith.constant 0 : i32
        %dma_start3A_80 = arith.constant 0 : i32
        %dma_start3A_81 = tpu.memref_slice %arg3[%dma_start3A_79, %dma_start3A_80] : memref<10000x48xf32, #tpu.memory_space<hbm>> -> memref<10000x48xf32, #tpu.memory_space<hbm>>
        tpu.enqueue_indirect_dma source(%dma_start3A_81 : memref<10000x48xf32, #tpu.memory_space<hbm>>) target(%arg15 : memref<64x48xf32, #tpu.memory_space<vmem>>) offsets(%arg11 : memref<64xi32, #tpu.memory_space<vmem>>) semaphore(%arg24 : memref<!tpu.dma_semaphore, #tpu.memory_space<semaphore_mem>>)
        %dma_wait3A_82 = arith.constant 0 : i32
        %dma_wait3A_83 = arith.constant 0 : i32
        %dma_wait3A_84 = tpu.memref_slice %arg2[%dma_wait3A_82, %dma_wait3A_83] : memref<10000x96xf32, #tpu.memory_space<hbm>> -> memref<10000x96xf32, #tpu.memory_space<hbm>>
        tpu.wait_indirect_dma semaphore(%arg21 : memref<!tpu.dma_semaphore, #tpu.memory_space<semaphore_mem>>) src(%dma_wait3A_84 : memref<10000x96xf32, #tpu.memory_space<hbm>>) dst(%arg12 : memref<64x96xf32, #tpu.memory_space<vmem>>)
        %dma_wait3A_85 = arith.constant 0 : i32
        %dma_wait3A_86 = arith.constant 0 : i32
        %dma_wait3A_87 = tpu.memref_slice %arg3[%dma_wait3A_85, %dma_wait3A_86] : memref<10000x48xf32, #tpu.memory_space<hbm>> -> memref<10000x48xf32, #tpu.memory_space<hbm>>
        tpu.wait_indirect_dma semaphore(%arg22 : memref<!tpu.dma_semaphore, #tpu.memory_space<semaphore_mem>>) src(%dma_wait3A_87 : memref<10000x48xf32, #tpu.memory_space<hbm>>) dst(%arg13 : memref<64x48xf32, #tpu.memory_space<vmem>>)
        %scan3A_88 = arith.constant 0 : i32
        %scan3A_89 = arith.constant 0 : i32
        %scan3A_90 = arith.constant 64 : i32
        %scan3A_91 = arith.addi %scan3A_89, %scan3A_90 : i32
        %scan3A_92 = arith.constant 1 : i32
        scf.for %scan3A_112 = %scan3A_89 to %scan3A_91 step %scan3A_92  : i32 {
          %get3A_113 = arith.index_cast %scan3A_112 : i32 to index
          %get3A_114 = arith.constant 48 : index
          %get3A_115 = tpu.vector_load %arg12[%get3A_113, %get3A_114] {strides = array<i32>} : memref<64x96xf32, #tpu.memory_space<vmem>>, vector<1x16xf32>,
          %get3A_116 = vector.shape_cast %get3A_115 : vector<1x16xf32> to vector<16xf32>
          %get3A_117 = arith.index_cast %scan3A_112 : i32 to index
          %get3A_118 = arith.constant 0 : index
          %get3A_119 = tpu.vector_load %arg13[%get3A_117, %get3A_118] {strides = array<i32>} : memref<64x48xf32, #tpu.memory_space<vmem>>, vector<1x16xf32>,
          %get3A_120 = vector.shape_cast %get3A_119 : vector<1x16xf32> to vector<16xf32>
          %add3A_121 = arith.addf %get3A_116, %get3A_120 : vector<16xf32>
          %mul3A_122 = arith.constant 2.000000e-01 : f32
          %mul3A_123 = vector.broadcast %mul3A_122 : f32 to vector<16xf32>
          %mul3A_124 = arith.mulf %mul3A_123, %add3A_121 : vector<16xf32>
          %max3A_125 = arith.maximumf %add3A_121, %mul3A_124 : vector<16xf32>
          %sub3A_126 = arith.subf %max3A_125, %get3A_19 : vector<16xf32>
          %exp3A = math.exp %sub3A_126 : vector<16xf32>
          %get3A_127 = arith.index_cast %scan3A_112 : i32 to index
          %get3A_128 = arith.constant 0 : index
          %get3A_129 = tpu.vector_load %arg12[%get3A_127, %get3A_128] {strides = array<i32>} : memref<64x96xf32, #tpu.memory_space<vmem>>, vector<1x16xf32>,
          %get3A_130 = vector.shape_cast %get3A_129 : vector<1x16xf32> to vector<16xf32>
          %mul3A_131 = arith.mulf %get3A_130, %exp3A : vector<16xf32>
          %swap3A = arith.index_cast %scan3A_112 : i32 to index
          %swap3A_132 = arith.constant 0 : index
          %swap3A_133 = tpu.vector_load %arg16[%swap3A, %swap3A_132] {strides = array<i32>} : memref<64x48xf32, #tpu.memory_space<vmem>>, vector<1x16xf32>,
          %swap3A_134 = vector.shape_cast %swap3A_133 : vector<1x16xf32> to vector<16xf32>
          %swap3A_135 = vector.shape_cast %mul3A_131 : vector<16xf32> to vector<1x16xf32>
          tpu.vector_store %arg16[%swap3A, %swap3A_132], %swap3A_135 {strides = array<i32>} : memref<64x48xf32, #tpu.memory_space<vmem>>, vector<1x16xf32>,
          %get3A_136 = arith.index_cast %scan3A_112 : i32 to index
          %get3A_137 = arith.constant 64 : index
          %get3A_138 = tpu.vector_load %arg12[%get3A_136, %get3A_137] {strides = array<i32>} : memref<64x96xf32, #tpu.memory_space<vmem>>, vector<1x16xf32>,
          %get3A_139 = vector.shape_cast %get3A_138 : vector<1x16xf32> to vector<16xf32>
          %get3A_140 = arith.index_cast %scan3A_112 : i32 to index
          %get3A_141 = arith.constant 16 : index
          %get3A_142 = tpu.vector_load %arg13[%get3A_140, %get3A_141] {strides = array<i32>} : memref<64x48xf32, #tpu.memory_space<vmem>>, vector<1x16xf32>,
          %get3A_143 = vector.shape_cast %get3A_142 : vector<1x16xf32> to vector<16xf32>
          %add3A_144 = arith.addf %get3A_139, %get3A_143 : vector<16xf32>
          %mul3A_145 = arith.constant 2.000000e-01 : f32
          %mul3A_146 = vector.broadcast %mul3A_145 : f32 to vector<16xf32>
          %mul3A_147 = arith.mulf %mul3A_146, %add3A_144 : vector<16xf32>
          %max3A_148 = arith.maximumf %add3A_144, %mul3A_147 : vector<16xf32>
          %sub3A_149 = arith.subf %max3A_148, %get3A_22 : vector<16xf32>
          %exp3A_150 = math.exp %sub3A_149 : vector<16xf32>
          %get3A_151 = arith.index_cast %scan3A_112 : i32 to index
          %get3A_152 = arith.constant 16 : index
          %get3A_153 = tpu.vector_load %arg12[%get3A_151, %get3A_152] {strides = array<i32>} : memref<64x96xf32, #tpu.memory_space<vmem>>, vector<1x16xf32>,
          %get3A_154 = vector.shape_cast %get3A_153 : vector<1x16xf32> to vector<16xf32>
          %mul3A_155 = arith.mulf %get3A_154, %exp3A_150 : vector<16xf32>
          %swap3A_156 = arith.index_cast %scan3A_112 : i32 to index
          %swap3A_157 = arith.constant 16 : index
          %swap3A_158 = tpu.vector_load %arg16[%swap3A_156, %swap3A_157] {strides = array<i32>} : memref<64x48xf32, #tpu.memory_space<vmem>>, vector<1x16xf32>,
          %swap3A_159 = vector.shape_cast %swap3A_158 : vector<1x16xf32> to vector<16xf32>
          %swap3A_160 = vector.shape_cast %mul3A_155 : vector<16xf32> to vector<1x16xf32>
          tpu.vector_store %arg16[%swap3A_156, %swap3A_157], %swap3A_160 {strides = array<i32>} : memref<64x48xf32, #tpu.memory_space<vmem>>, vector<1x16xf32>,
          %get3A_161 = arith.index_cast %scan3A_112 : i32 to index
          %get3A_162 = arith.constant 80 : index
          %get3A_163 = tpu.vector_load %arg12[%get3A_161, %get3A_162] {strides = array<i32>} : memref<64x96xf32, #tpu.memory_space<vmem>>, vector<1x16xf32>,
          %get3A_164 = vector.shape_cast %get3A_163 : vector<1x16xf32> to vector<16xf32>
          %get3A_165 = arith.index_cast %scan3A_112 : i32 to index
          %get3A_166 = arith.constant 32 : index
          %get3A_167 = tpu.vector_load %arg13[%get3A_165, %get3A_166] {strides = array<i32>} : memref<64x48xf32, #tpu.memory_space<vmem>>, vector<1x16xf32>,
          %get3A_168 = vector.shape_cast %get3A_167 : vector<1x16xf32> to vector<16xf32>
          %add3A_169 = arith.addf %get3A_164, %get3A_168 : vector<16xf32>
          %mul3A_170 = arith.constant 2.000000e-01 : f32
          %mul3A_171 = vector.broadcast %mul3A_170 : f32 to vector<16xf32>
          %mul3A_172 = arith.mulf %mul3A_171, %add3A_169 : vector<16xf32>
          %max3A_173 = arith.maximumf %add3A_169, %mul3A_172 : vector<16xf32>
          %sub3A_174 = arith.subf %max3A_173, %get3A_25 : vector<16xf32>
          %exp3A_175 = math.exp %sub3A_174 : vector<16xf32>
          %get3A_176 = arith.index_cast %scan3A_112 : i32 to index
          %get3A_177 = arith.constant 32 : index
          %get3A_178 = tpu.vector_load %arg12[%get3A_176, %get3A_177] {strides = array<i32>} : memref<64x96xf32, #tpu.memory_space<vmem>>, vector<1x16xf32>,
          %get3A_179 = vector.shape_cast %get3A_178 : vector<1x16xf32> to vector<16xf32>
          %mul3A_180 = arith.mulf %get3A_179, %exp3A_175 : vector<16xf32>
          %swap3A_181 = arith.index_cast %scan3A_112 : i32 to index
          %swap3A_182 = arith.constant 32 : index
          %swap3A_183 = tpu.vector_load %arg16[%swap3A_181, %swap3A_182] {strides = array<i32>} : memref<64x48xf32, #tpu.memory_space<vmem>>, vector<1x16xf32>,
          %swap3A_184 = vector.shape_cast %swap3A_183 : vector<1x16xf32> to vector<16xf32>
          %swap3A_185 = vector.shape_cast %mul3A_180 : vector<16xf32> to vector<1x16xf32>
          tpu.vector_store %arg16[%swap3A_181, %swap3A_182], %swap3A_185 {strides = array<i32>} : memref<64x48xf32, #tpu.memory_space<vmem>>, vector<1x16xf32>,
        }
        %scan3A_93 = arith.constant 64 : i32
        %dma_start3A_94 = arith.constant 0 : i32
        %dma_start3A_95 = arith.constant 0 : i32
        %dma_start3A_96 = tpu.memref_slice %arg20[%dma_start3A_94, %dma_start3A_95] : memref<10000x48xf32, #tpu.memory_space<vmem_shared>> -> memref<10000x48xf32, #tpu.memory_space<vmem_shared>>
        tpu.enqueue_indirect_dma source(%arg16 : memref<64x48xf32, #tpu.memory_space<vmem>>) target(%dma_start3A_96 : memref<10000x48xf32, #tpu.memory_space<vmem_shared>>) offsets(%arg9 : memref<64xi32, #tpu.memory_space<vmem>>) semaphore(%arg25 : memref<!tpu.dma_semaphore, #tpu.memory_space<semaphore_mem>>) {add = true}
        %dma_wait3A_97 = arith.constant 0 : i32
        %dma_wait3A_98 = arith.constant 0 : i32
        %dma_wait3A_99 = tpu.memref_slice %arg2[%dma_wait3A_97, %dma_wait3A_98] : memref<10000x96xf32, #tpu.memory_space<hbm>> -> memref<10000x96xf32, #tpu.memory_space<hbm>>
        tpu.wait_indirect_dma semaphore(%arg23 : memref<!tpu.dma_semaphore, #tpu.memory_space<semaphore_mem>>) src(%dma_wait3A_99 : memref<10000x96xf32, #tpu.memory_space<hbm>>) dst(%arg14 : memref<64x96xf32, #tpu.memory_space<vmem>>)
        %dma_wait3A_100 = arith.constant 0 : i32
        %dma_wait3A_101 = arith.constant 0 : i32
        %dma_wait3A_102 = tpu.memref_slice %arg3[%dma_wait3A_100, %dma_wait3A_101] : memref<10000x48xf32, #tpu.memory_space<hbm>> -> memref<10000x48xf32, #tpu.memory_space<hbm>>
        tpu.wait_indirect_dma semaphore(%arg24 : memref<!tpu.dma_semaphore, #tpu.memory_space<semaphore_mem>>) src(%dma_wait3A_102 : memref<10000x48xf32, #tpu.memory_space<hbm>>) dst(%arg15 : memref<64x48xf32, #tpu.memory_space<vmem>>)
        %scan3A_103 = arith.constant 0 : i32
        %scan3A_104 = arith.constant 0 : i32
        %scan3A_105 = arith.constant 64 : i32
        %scan3A_106 = arith.addi %scan3A_104, %scan3A_105 : i32
        %scan3A_107 = arith.constant 1 : i32
        scf.for %scan3A_112 = %scan3A_104 to %scan3A_106 step %scan3A_107  : i32 {
          %get3A_113 = arith.index_cast %scan3A_112 : i32 to index
          %get3A_114 = arith.constant 48 : index
          %get3A_115 = tpu.vector_load %arg14[%get3A_113, %get3A_114] {strides = array<i32>} : memref<64x96xf32, #tpu.memory_space<vmem>>, vector<1x16xf32>,
          %get3A_116 = vector.shape_cast %get3A_115 : vector<1x16xf32> to vector<16xf32>
          %get3A_117 = arith.index_cast %scan3A_112 : i32 to index
          %get3A_118 = arith.constant 0 : index
          %get3A_119 = tpu.vector_load %arg15[%get3A_117, %get3A_118] {strides = array<i32>} : memref<64x48xf32, #tpu.memory_space<vmem>>, vector<1x16xf32>,
          %get3A_120 = vector.shape_cast %get3A_119 : vector<1x16xf32> to vector<16xf32>
          %add3A_121 = arith.addf %get3A_116, %get3A_120 : vector<16xf32>
          %mul3A_122 = arith.constant 2.000000e-01 : f32
          %mul3A_123 = vector.broadcast %mul3A_122 : f32 to vector<16xf32>
          %mul3A_124 = arith.mulf %mul3A_123, %add3A_121 : vector<16xf32>
          %max3A_125 = arith.maximumf %add3A_121, %mul3A_124 : vector<16xf32>
          %sub3A_126 = arith.subf %max3A_125, %get3A_19 : vector<16xf32>
          %exp3A = math.exp %sub3A_126 : vector<16xf32>
          %get3A_127 = arith.index_cast %scan3A_112 : i32 to index
          %get3A_128 = arith.constant 0 : index
          %get3A_129 = tpu.vector_load %arg14[%get3A_127, %get3A_128] {strides = array<i32>} : memref<64x96xf32, #tpu.memory_space<vmem>>, vector<1x16xf32>,
          %get3A_130 = vector.shape_cast %get3A_129 : vector<1x16xf32> to vector<16xf32>
          %mul3A_131 = arith.mulf %get3A_130, %exp3A : vector<16xf32>
          %swap3A = arith.index_cast %scan3A_112 : i32 to index
          %swap3A_132 = arith.constant 0 : index
          %swap3A_133 = tpu.vector_load %arg17[%swap3A, %swap3A_132] {strides = array<i32>} : memref<64x48xf32, #tpu.memory_space<vmem>>, vector<1x16xf32>,
          %swap3A_134 = vector.shape_cast %swap3A_133 : vector<1x16xf32> to vector<16xf32>
          %swap3A_135 = vector.shape_cast %mul3A_131 : vector<16xf32> to vector<1x16xf32>
          tpu.vector_store %arg17[%swap3A, %swap3A_132], %swap3A_135 {strides = array<i32>} : memref<64x48xf32, #tpu.memory_space<vmem>>, vector<1x16xf32>,
          %get3A_136 = arith.index_cast %scan3A_112 : i32 to index
          %get3A_137 = arith.constant 64 : index
          %get3A_138 = tpu.vector_load %arg14[%get3A_136, %get3A_137] {strides = array<i32>} : memref<64x96xf32, #tpu.memory_space<vmem>>, vector<1x16xf32>,
          %get3A_139 = vector.shape_cast %get3A_138 : vector<1x16xf32> to vector<16xf32>
          %get3A_140 = arith.index_cast %scan3A_112 : i32 to index
          %get3A_141 = arith.constant 16 : index
          %get3A_142 = tpu.vector_load %arg15[%get3A_140, %get3A_141] {strides = array<i32>} : memref<64x48xf32, #tpu.memory_space<vmem>>, vector<1x16xf32>,
          %get3A_143 = vector.shape_cast %get3A_142 : vector<1x16xf32> to vector<16xf32>
          %add3A_144 = arith.addf %get3A_139, %get3A_143 : vector<16xf32>
          %mul3A_145 = arith.constant 2.000000e-01 : f32
          %mul3A_146 = vector.broadcast %mul3A_145 : f32 to vector<16xf32>
          %mul3A_147 = arith.mulf %mul3A_146, %add3A_144 : vector<16xf32>
          %max3A_148 = arith.maximumf %add3A_144, %mul3A_147 : vector<16xf32>
          %sub3A_149 = arith.subf %max3A_148, %get3A_22 : vector<16xf32>
          %exp3A_150 = math.exp %sub3A_149 : vector<16xf32>
          %get3A_151 = arith.index_cast %scan3A_112 : i32 to index
          %get3A_152 = arith.constant 16 : index
          %get3A_153 = tpu.vector_load %arg14[%get3A_151, %get3A_152] {strides = array<i32>} : memref<64x96xf32, #tpu.memory_space<vmem>>, vector<1x16xf32>,
          %get3A_154 = vector.shape_cast %get3A_153 : vector<1x16xf32> to vector<16xf32>
          %mul3A_155 = arith.mulf %get3A_154, %exp3A_150 : vector<16xf32>
          %swap3A_156 = arith.index_cast %scan3A_112 : i32 to index
          %swap3A_157 = arith.constant 16 : index
          %swap3A_158 = tpu.vector_load %arg17[%swap3A_156, %swap3A_157] {strides = array<i32>} : memref<64x48xf32, #tpu.memory_space<vmem>>, vector<1x16xf32>,
          %swap3A_159 = vector.shape_cast %swap3A_158 : vector<1x16xf32> to vector<16xf32>
          %swap3A_160 = vector.shape_cast %mul3A_155 : vector<16xf32> to vector<1x16xf32>
          tpu.vector_store %arg17[%swap3A_156, %swap3A_157], %swap3A_160 {strides = array<i32>} : memref<64x48xf32, #tpu.memory_space<vmem>>, vector<1x16xf32>,
          %get3A_161 = arith.index_cast %scan3A_112 : i32 to index
          %get3A_162 = arith.constant 80 : index
          %get3A_163 = tpu.vector_load %arg14[%get3A_161, %get3A_162] {strides = array<i32>} : memref<64x96xf32, #tpu.memory_space<vmem>>, vector<1x16xf32>,
          %get3A_164 = vector.shape_cast %get3A_163 : vector<1x16xf32> to vector<16xf32>
          %get3A_165 = arith.index_cast %scan3A_112 : i32 to index
          %get3A_166 = arith.constant 32 : index
          %get3A_167 = tpu.vector_load %arg15[%get3A_165, %get3A_166] {strides = array<i32>} : memref<64x48xf32, #tpu.memory_space<vmem>>, vector<1x16xf32>,
          %get3A_168 = vector.shape_cast %get3A_167 : vector<1x16xf32> to vector<16xf32>
          %add3A_169 = arith.addf %get3A_164, %get3A_168 : vector<16xf32>
          %mul3A_170 = arith.constant 2.000000e-01 : f32
          %mul3A_171 = vector.broadcast %mul3A_170 : f32 to vector<16xf32>
          %mul3A_172 = arith.mulf %mul3A_171, %add3A_169 : vector<16xf32>
          %max3A_173 = arith.maximumf %add3A_169, %mul3A_172 : vector<16xf32>
          %sub3A_174 = arith.subf %max3A_173, %get3A_25 : vector<16xf32>
          %exp3A_175 = math.exp %sub3A_174 : vector<16xf32>
          %get3A_176 = arith.index_cast %scan3A_112 : i32 to index
          %get3A_177 = arith.constant 32 : index
          %get3A_178 = tpu.vector_load %arg14[%get3A_176, %get3A_177] {strides = array<i32>} : memref<64x96xf32, #tpu.memory_space<vmem>>, vector<1x16xf32>,
          %get3A_179 = vector.shape_cast %get3A_178 : vector<1x16xf32> to vector<16xf32>
          %mul3A_180 = arith.mulf %get3A_179, %exp3A_175 : vector<16xf32>
          %swap3A_181 = arith.index_cast %scan3A_112 : i32 to index
          %swap3A_182 = arith.constant 32 : index
          %swap3A_183 = tpu.vector_load %arg17[%swap3A_181, %swap3A_182] {strides = array<i32>} : memref<64x48xf32, #tpu.memory_space<vmem>>, vector<1x16xf32>,
          %swap3A_184 = vector.shape_cast %swap3A_183 : vector<1x16xf32> to vector<16xf32>
          %swap3A_185 = vector.shape_cast %mul3A_180 : vector<16xf32> to vector<1x16xf32>
          tpu.vector_store %arg17[%swap3A_181, %swap3A_182], %swap3A_185 {strides = array<i32>} : memref<64x48xf32, #tpu.memory_space<vmem>>, vector<1x16xf32>,
        }
        %scan3A_108 = arith.constant 64 : i32
        %dma_start3A_109 = arith.constant 0 : i32
        %dma_start3A_110 = arith.constant 0 : i32
        %dma_start3A_111 = tpu.memref_slice %arg20[%dma_start3A_109, %dma_start3A_110] : memref<10000x48xf32, #tpu.memory_space<vmem_shared>> -> memref<10000x48xf32, #tpu.memory_space<vmem_shared>>
        tpu.enqueue_indirect_dma source(%arg17 : memref<64x48xf32, #tpu.memory_space<vmem>>) target(%dma_start3A_111 : memref<10000x48xf32, #tpu.memory_space<vmem_shared>>) offsets(%arg11 : memref<64xi32, #tpu.memory_space<vmem>>) semaphore(%arg26 : memref<!tpu.dma_semaphore, #tpu.memory_space<semaphore_mem>>) {add = true}
      }
      %scan3A_36 = arith.constant 156 : i32
      %dma_wait3A = arith.constant 0 : i32
      %dma_wait3A_37 = arith.constant 0 : i32
      %dma_wait3A_38 = tpu.memref_slice %arg20[%dma_wait3A, %dma_wait3A_37] : memref<10000x48xf32, #tpu.memory_space<vmem_shared>> -> memref<10000x48xf32, #tpu.memory_space<vmem_shared>>
      tpu.wait_indirect_dma semaphore(%arg25 : memref<!tpu.dma_semaphore, #tpu.memory_space<semaphore_mem>>) src(%arg16 : memref<64x48xf32, #tpu.memory_space<vmem>>) dst(%dma_wait3A_38 : memref<10000x48xf32, #tpu.memory_space<vmem_shared>>)
      %dma_wait3A_39 = arith.constant 0 : i32
      %dma_wait3A_40 = arith.constant 0 : i32
      %dma_wait3A_41 = tpu.memref_slice %arg20[%dma_wait3A_39, %dma_wait3A_40] : memref<10000x48xf32, #tpu.memory_space<vmem_shared>> -> memref<10000x48xf32, #tpu.memory_space<vmem_shared>>
      tpu.wait_indirect_dma semaphore(%arg26 : memref<!tpu.dma_semaphore, #tpu.memory_space<semaphore_mem>>) src(%arg17 : memref<64x48xf32, #tpu.memory_space<vmem>>) dst(%dma_wait3A_41 : memref<10000x48xf32, #tpu.memory_space<vmem_shared>>)
      %lt3A = arith.constant 8 : i32
      %lt3A_42 = arith.cmpi slt, %arg1, %lt3A : i32
      %convert_element_type3A_43 = arith.extui %lt3A_42 : i1 to i32
      %cond3A_44 = arith.constant 0 : i32
      %cond3A_45 = arith.cmpi ne, %convert_element_type3A_43, %cond3A_44 : i32
      scf.if %cond3A_45 {
        %add3A_54 = arith.constant 312 : i32
        %add3A_55 = arith.addi %sub3A_30, %add3A_54 : i32
        "tpu.region"() ({
          %run_scoped3A = tpu.sem_alloc : memref<!tpu.dma_semaphore, #tpu.memory_space<semaphore_mem>>
          %dma_start3A_79 = arith.constant 0 : i32
          %dma_start3A_80 = tpu.memref_slice %arg4[%add3A_55, %dma_start3A_79] : memref<5000x64xi32, #tpu.memory_space<hbm>> -> memref<1x64xi32, #tpu.memory_space<hbm>>
          %dma_start3A_81 = tpu.memref_squeeze %dma_start3A_80 : memref<1x64xi32, #tpu.memory_space<hbm>> -> memref<64xi32, #tpu.memory_space<hbm>>
          %dma_start3A_82 = arith.constant 0 : i32
          %dma_start3A_83 = tpu.memref_slice %arg4[%add3A_55, %dma_start3A_82] : memref<5000x64xi32, #tpu.memory_space<hbm>> -> memref<1x64xi32, #tpu.memory_space<hbm>>
          %dma_start3A_84 = tpu.memref_squeeze %dma_start3A_83 : memref<1x64xi32, #tpu.memory_space<hbm>> -> memref<64xi32, #tpu.memory_space<hbm>>
          tpu.enqueue_dma source(%dma_start3A_84 : memref<64xi32, #tpu.memory_space<hbm>>) target(%arg8 : memref<64xi32, #tpu.memory_space<vmem>>) target_semaphore(%run_scoped3A : memref<!tpu.dma_semaphore, #tpu.memory_space<semaphore_mem>>)
          %dma_wait3A_85 = arith.constant 0 : i32
          %dma_wait3A_86 = tpu.memref_slice %arg4[%add3A_55, %dma_wait3A_85] : memref<5000x64xi32, #tpu.memory_space<hbm>> -> memref<1x64xi32, #tpu.memory_space<hbm>>
          %dma_wait3A_87 = tpu.memref_squeeze %dma_wait3A_86 : memref<1x64xi32, #tpu.memory_space<hbm>> -> memref<64xi32, #tpu.memory_space<hbm>>
          %dma_wait3A_88 = arith.constant 0 : i32
          %dma_wait3A_89 = tpu.memref_slice %arg4[%add3A_55, %dma_wait3A_88] : memref<5000x64xi32, #tpu.memory_space<hbm>> -> memref<1x64xi32, #tpu.memory_space<hbm>>
          %dma_wait3A_90 = tpu.memref_squeeze %dma_wait3A_89 : memref<1x64xi32, #tpu.memory_space<hbm>> -> memref<64xi32, #tpu.memory_space<hbm>>
          tpu.wait_dma2 semaphore(%run_scoped3A : memref<!tpu.dma_semaphore, #tpu.memory_space<semaphore_mem>>) src(%dma_wait3A_90 : memref<64xi32, #tpu.memory_space<hbm>>) dst(%arg8 : memref<64xi32, #tpu.memory_space<vmem>>)
          tpu.yield
        }) : () -> ()
        "tpu.region"() ({
          %run_scoped3A = tpu.sem_alloc : memref<!tpu.dma_semaphore, #tpu.memory_space<semaphore_mem>>
          %dma_start3A_79 = arith.constant 0 : i32
          %dma_start3A_80 = tpu.memref_slice %arg5[%add3A_55, %dma_start3A_79] : memref<5000x64xi32, #tpu.memory_space<hbm>> -> memref<1x64xi32, #tpu.memory_space<hbm>>
          %dma_start3A_81 = tpu.memref_squeeze %dma_start3A_80 : memref<1x64xi32, #tpu.memory_space<hbm>> -> memref<64xi32, #tpu.memory_space<hbm>>
          %dma_start3A_82 = arith.constant 0 : i32
          %dma_start3A_83 = tpu.memref_slice %arg5[%add3A_55, %dma_start3A_82] : memref<5000x64xi32, #tpu.memory_space<hbm>> -> memref<1x64xi32, #tpu.memory_space<hbm>>
          %dma_start3A_84 = tpu.memref_squeeze %dma_start3A_83 : memref<1x64xi32, #tpu.memory_space<hbm>> -> memref<64xi32, #tpu.memory_space<hbm>>
          tpu.enqueue_dma source(%dma_start3A_84 : memref<64xi32, #tpu.memory_space<hbm>>) target(%arg9 : memref<64xi32, #tpu.memory_space<vmem>>) target_semaphore(%run_scoped3A : memref<!tpu.dma_semaphore, #tpu.memory_space<semaphore_mem>>)
          %dma_wait3A_85 = arith.constant 0 : i32
          %dma_wait3A_86 = tpu.memref_slice %arg5[%add3A_55, %dma_wait3A_85] : memref<5000x64xi32, #tpu.memory_space<hbm>> -> memref<1x64xi32, #tpu.memory_space<hbm>>
          %dma_wait3A_87 = tpu.memref_squeeze %dma_wait3A_86 : memref<1x64xi32, #tpu.memory_space<hbm>> -> memref<64xi32, #tpu.memory_space<hbm>>
          %dma_wait3A_88 = arith.constant 0 : i32
          %dma_wait3A_89 = tpu.memref_slice %arg5[%add3A_55, %dma_wait3A_88] : memref<5000x64xi32, #tpu.memory_space<hbm>> -> memref<1x64xi32, #tpu.memory_space<hbm>>
          %dma_wait3A_90 = tpu.memref_squeeze %dma_wait3A_89 : memref<1x64xi32, #tpu.memory_space<hbm>> -> memref<64xi32, #tpu.memory_space<hbm>>
          tpu.wait_dma2 semaphore(%run_scoped3A : memref<!tpu.dma_semaphore, #tpu.memory_space<semaphore_mem>>) src(%dma_wait3A_90 : memref<64xi32, #tpu.memory_space<hbm>>) dst(%arg9 : memref<64xi32, #tpu.memory_space<vmem>>)
          tpu.yield
        }) : () -> ()
        %dma_start3A = arith.constant 0 : i32
        %dma_start3A_56 = arith.constant 0 : i32
        %dma_start3A_57 = tpu.memref_slice %arg2[%dma_start3A, %dma_start3A_56] : memref<10000x96xf32, #tpu.memory_space<hbm>> -> memref<10000x96xf32, #tpu.memory_space<hbm>>
        tpu.enqueue_indirect_dma source(%dma_start3A_57 : memref<10000x96xf32, #tpu.memory_space<hbm>>) target(%arg12 : memref<64x96xf32, #tpu.memory_space<vmem>>) offsets(%arg8 : memref<64xi32, #tpu.memory_space<vmem>>) semaphore(%arg21 : memref<!tpu.dma_semaphore, #tpu.memory_space<semaphore_mem>>)
        %dma_start3A_58 = arith.constant 0 : i32
        %dma_start3A_59 = arith.constant 0 : i32
        %dma_start3A_60 = tpu.memref_slice %arg3[%dma_start3A_58, %dma_start3A_59] : memref<10000x48xf32, #tpu.memory_space<hbm>> -> memref<10000x48xf32, #tpu.memory_space<hbm>>
        tpu.enqueue_indirect_dma source(%dma_start3A_60 : memref<10000x48xf32, #tpu.memory_space<hbm>>) target(%arg13 : memref<64x48xf32, #tpu.memory_space<vmem>>) offsets(%arg9 : memref<64xi32, #tpu.memory_space<vmem>>) semaphore(%arg22 : memref<!tpu.dma_semaphore, #tpu.memory_space<semaphore_mem>>)
        %dma_wait3A_61 = arith.constant 0 : i32
        %dma_wait3A_62 = arith.constant 0 : i32
        %dma_wait3A_63 = tpu.memref_slice %arg2[%dma_wait3A_61, %dma_wait3A_62] : memref<10000x96xf32, #tpu.memory_space<hbm>> -> memref<10000x96xf32, #tpu.memory_space<hbm>>
        tpu.wait_indirect_dma semaphore(%arg21 : memref<!tpu.dma_semaphore, #tpu.memory_space<semaphore_mem>>) src(%dma_wait3A_63 : memref<10000x96xf32, #tpu.memory_space<hbm>>) dst(%arg12 : memref<64x96xf32, #tpu.memory_space<vmem>>)
        %dma_wait3A_64 = arith.constant 0 : i32
        %dma_wait3A_65 = arith.constant 0 : i32
        %dma_wait3A_66 = tpu.memref_slice %arg3[%dma_wait3A_64, %dma_wait3A_65] : memref<10000x48xf32, #tpu.memory_space<hbm>> -> memref<10000x48xf32, #tpu.memory_space<hbm>>
        tpu.wait_indirect_dma semaphore(%arg22 : memref<!tpu.dma_semaphore, #tpu.memory_space<semaphore_mem>>) src(%dma_wait3A_66 : memref<10000x48xf32, #tpu.memory_space<hbm>>) dst(%arg13 : memref<64x48xf32, #tpu.memory_space<vmem>>)
        %scan3A_67 = arith.constant 0 : i32
        %scan3A_68 = arith.constant 0 : i32
        %scan3A_69 = arith.constant 64 : i32
        %scan3A_70 = arith.addi %scan3A_68, %scan3A_69 : i32
        %scan3A_71 = arith.constant 1 : i32
        scf.for %scan3A_79 = %scan3A_68 to %scan3A_70 step %scan3A_71  : i32 {
          %get3A_80 = arith.index_cast %scan3A_79 : i32 to index
          %get3A_81 = arith.constant 48 : index
          %get3A_82 = tpu.vector_load %arg12[%get3A_80, %get3A_81] {strides = array<i32>} : memref<64x96xf32, #tpu.memory_space<vmem>>, vector<1x16xf32>,
          %get3A_83 = vector.shape_cast %get3A_82 : vector<1x16xf32> to vector<16xf32>
          %get3A_84 = arith.index_cast %scan3A_79 : i32 to index
          %get3A_85 = arith.constant 0 : index
          %get3A_86 = tpu.vector_load %arg13[%get3A_84, %get3A_85] {strides = array<i32>} : memref<64x48xf32, #tpu.memory_space<vmem>>, vector<1x16xf32>,
          %get3A_87 = vector.shape_cast %get3A_86 : vector<1x16xf32> to vector<16xf32>
          %add3A_88 = arith.addf %get3A_83, %get3A_87 : vector<16xf32>
          %mul3A_89 = arith.constant 2.000000e-01 : f32
          %mul3A_90 = vector.broadcast %mul3A_89 : f32 to vector<16xf32>
          %mul3A_91 = arith.mulf %mul3A_90, %add3A_88 : vector<16xf32>
          %max3A_92 = arith.maximumf %add3A_88, %mul3A_91 : vector<16xf32>
          %sub3A_93 = arith.subf %max3A_92, %get3A_19 : vector<16xf32>
          %exp3A = math.exp %sub3A_93 : vector<16xf32>
          %get3A_94 = arith.index_cast %scan3A_79 : i32 to index
          %get3A_95 = arith.constant 0 : index
          %get3A_96 = tpu.vector_load %arg12[%get3A_94, %get3A_95] {strides = array<i32>} : memref<64x96xf32, #tpu.memory_space<vmem>>, vector<1x16xf32>,
          %get3A_97 = vector.shape_cast %get3A_96 : vector<1x16xf32> to vector<16xf32>
          %mul3A_98 = arith.mulf %get3A_97, %exp3A : vector<16xf32>
          %swap3A = arith.index_cast %scan3A_79 : i32 to index
          %swap3A_99 = arith.constant 0 : index
          %swap3A_100 = tpu.vector_load %arg16[%swap3A, %swap3A_99] {strides = array<i32>} : memref<64x48xf32, #tpu.memory_space<vmem>>, vector<1x16xf32>,
          %swap3A_101 = vector.shape_cast %swap3A_100 : vector<1x16xf32> to vector<16xf32>
          %swap3A_102 = vector.shape_cast %mul3A_98 : vector<16xf32> to vector<1x16xf32>
          tpu.vector_store %arg16[%swap3A, %swap3A_99], %swap3A_102 {strides = array<i32>} : memref<64x48xf32, #tpu.memory_space<vmem>>, vector<1x16xf32>,
          %get3A_103 = arith.index_cast %scan3A_79 : i32 to index
          %get3A_104 = arith.constant 64 : index
          %get3A_105 = tpu.vector_load %arg12[%get3A_103, %get3A_104] {strides = array<i32>} : memref<64x96xf32, #tpu.memory_space<vmem>>, vector<1x16xf32>,
          %get3A_106 = vector.shape_cast %get3A_105 : vector<1x16xf32> to vector<16xf32>
          %get3A_107 = arith.index_cast %scan3A_79 : i32 to index
          %get3A_108 = arith.constant 16 : index
          %get3A_109 = tpu.vector_load %arg13[%get3A_107, %get3A_108] {strides = array<i32>} : memref<64x48xf32, #tpu.memory_space<vmem>>, vector<1x16xf32>,
          %get3A_110 = vector.shape_cast %get3A_109 : vector<1x16xf32> to vector<16xf32>
          %add3A_111 = arith.addf %get3A_106, %get3A_110 : vector<16xf32>
          %mul3A_112 = arith.constant 2.000000e-01 : f32
          %mul3A_113 = vector.broadcast %mul3A_112 : f32 to vector<16xf32>
          %mul3A_114 = arith.mulf %mul3A_113, %add3A_111 : vector<16xf32>
          %max3A_115 = arith.maximumf %add3A_111, %mul3A_114 : vector<16xf32>
          %sub3A_116 = arith.subf %max3A_115, %get3A_22 : vector<16xf32>
          %exp3A_117 = math.exp %sub3A_116 : vector<16xf32>
          %get3A_118 = arith.index_cast %scan3A_79 : i32 to index
          %get3A_119 = arith.constant 16 : index
          %get3A_120 = tpu.vector_load %arg12[%get3A_118, %get3A_119] {strides = array<i32>} : memref<64x96xf32, #tpu.memory_space<vmem>>, vector<1x16xf32>,
          %get3A_121 = vector.shape_cast %get3A_120 : vector<1x16xf32> to vector<16xf32>
          %mul3A_122 = arith.mulf %get3A_121, %exp3A_117 : vector<16xf32>
          %swap3A_123 = arith.index_cast %scan3A_79 : i32 to index
          %swap3A_124 = arith.constant 16 : index
          %swap3A_125 = tpu.vector_load %arg16[%swap3A_123, %swap3A_124] {strides = array<i32>} : memref<64x48xf32, #tpu.memory_space<vmem>>, vector<1x16xf32>,
          %swap3A_126 = vector.shape_cast %swap3A_125 : vector<1x16xf32> to vector<16xf32>
          %swap3A_127 = vector.shape_cast %mul3A_122 : vector<16xf32> to vector<1x16xf32>
          tpu.vector_store %arg16[%swap3A_123, %swap3A_124], %swap3A_127 {strides = array<i32>} : memref<64x48xf32, #tpu.memory_space<vmem>>, vector<1x16xf32>,
          %get3A_128 = arith.index_cast %scan3A_79 : i32 to index
          %get3A_129 = arith.constant 80 : index
          %get3A_130 = tpu.vector_load %arg12[%get3A_128, %get3A_129] {strides = array<i32>} : memref<64x96xf32, #tpu.memory_space<vmem>>, vector<1x16xf32>,
          %get3A_131 = vector.shape_cast %get3A_130 : vector<1x16xf32> to vector<16xf32>
          %get3A_132 = arith.index_cast %scan3A_79 : i32 to index
          %get3A_133 = arith.constant 32 : index
          %get3A_134 = tpu.vector_load %arg13[%get3A_132, %get3A_133] {strides = array<i32>} : memref<64x48xf32, #tpu.memory_space<vmem>>, vector<1x16xf32>,
          %get3A_135 = vector.shape_cast %get3A_134 : vector<1x16xf32> to vector<16xf32>
          %add3A_136 = arith.addf %get3A_131, %get3A_135 : vector<16xf32>
          %mul3A_137 = arith.constant 2.000000e-01 : f32
          %mul3A_138 = vector.broadcast %mul3A_137 : f32 to vector<16xf32>
          %mul3A_139 = arith.mulf %mul3A_138, %add3A_136 : vector<16xf32>
          %max3A_140 = arith.maximumf %add3A_136, %mul3A_139 : vector<16xf32>
          %sub3A_141 = arith.subf %max3A_140, %get3A_25 : vector<16xf32>
          %exp3A_142 = math.exp %sub3A_141 : vector<16xf32>
          %get3A_143 = arith.index_cast %scan3A_79 : i32 to index
          %get3A_144 = arith.constant 32 : index
          %get3A_145 = tpu.vector_load %arg12[%get3A_143, %get3A_144] {strides = array<i32>} : memref<64x96xf32, #tpu.memory_space<vmem>>, vector<1x16xf32>,
          %get3A_146 = vector.shape_cast %get3A_145 : vector<1x16xf32> to vector<16xf32>
          %mul3A_147 = arith.mulf %get3A_146, %exp3A_142 : vector<16xf32>
          %swap3A_148 = arith.index_cast %scan3A_79 : i32 to index
          %swap3A_149 = arith.constant 32 : index
          %swap3A_150 = tpu.vector_load %arg16[%swap3A_148, %swap3A_149] {strides = array<i32>} : memref<64x48xf32, #tpu.memory_space<vmem>>, vector<1x16xf32>,
          %swap3A_151 = vector.shape_cast %swap3A_150 : vector<1x16xf32> to vector<16xf32>
          %swap3A_152 = vector.shape_cast %mul3A_147 : vector<16xf32> to vector<1x16xf32>
          tpu.vector_store %arg16[%swap3A_148, %swap3A_149], %swap3A_152 {strides = array<i32>} : memref<64x48xf32, #tpu.memory_space<vmem>>, vector<1x16xf32>,
        }
        %scan3A_72 = arith.constant 64 : i32
        %dma_start3A_73 = arith.constant 0 : i32
        %dma_start3A_74 = arith.constant 0 : i32
        %dma_start3A_75 = tpu.memref_slice %arg20[%dma_start3A_73, %dma_start3A_74] : memref<10000x48xf32, #tpu.memory_space<vmem_shared>> -> memref<10000x48xf32, #tpu.memory_space<vmem_shared>>
        tpu.enqueue_indirect_dma source(%arg16 : memref<64x48xf32, #tpu.memory_space<vmem>>) target(%dma_start3A_75 : memref<10000x48xf32, #tpu.memory_space<vmem_shared>>) offsets(%arg9 : memref<64xi32, #tpu.memory_space<vmem>>) semaphore(%arg25 : memref<!tpu.dma_semaphore, #tpu.memory_space<semaphore_mem>>) {add = true}
        %dma_wait3A_76 = arith.constant 0 : i32
        %dma_wait3A_77 = arith.constant 0 : i32
        %dma_wait3A_78 = tpu.memref_slice %arg20[%dma_wait3A_76, %dma_wait3A_77] : memref<10000x48xf32, #tpu.memory_space<vmem_shared>> -> memref<10000x48xf32, #tpu.memory_space<vmem_shared>>
        tpu.wait_indirect_dma semaphore(%arg25 : memref<!tpu.dma_semaphore, #tpu.memory_space<semaphore_mem>>) src(%arg16 : memref<64x48xf32, #tpu.memory_space<vmem>>) dst(%dma_wait3A_78 : memref<10000x48xf32, #tpu.memory_space<vmem_shared>>)
      } else {
      }
      %barrier3A_46 = arith.constant 0 : index
      tpu.barrier barrier_id(%barrier3A_46)
      %mul3A_47 = arith.constant 624 : i32
      %mul3A_48 = arith.muli %arg1, %mul3A_47 : i32
      "tpu.region"() ({
        %run_scoped3A = tpu.sem_alloc : memref<!tpu.dma_semaphore, #tpu.memory_space<semaphore_mem>>
        %dma_start3A = arith.constant 0 : i32
        %dma_start3A_54 = tpu.memref_slice %arg7[%mul3A_48, %dma_start3A] : memref<10000x48xf32, #tpu.memory_space<hbm>> -> memref<624x48xf32, #tpu.memory_space<hbm>>
        %dma_start3A_55 = arith.constant 0 : i32
        %dma_start3A_56 = tpu.memref_slice %arg20[%mul3A_48, %dma_start3A_55] : memref<10000x48xf32, #tpu.memory_space<vmem_shared>> -> memref<624x48xf32, #tpu.memory_space<vmem_shared>>
        tpu.enqueue_dma source(%dma_start3A_56 : memref<624x48xf32, #tpu.memory_space<vmem_shared>>) target(%dma_start3A_54 : memref<624x48xf32, #tpu.memory_space<hbm>>) target_semaphore(%run_scoped3A : memref<!tpu.dma_semaphore, #tpu.memory_space<semaphore_mem>>)
        %dma_wait3A_57 = arith.constant 0 : i32
        %dma_wait3A_58 = tpu.memref_slice %arg7[%mul3A_48, %dma_wait3A_57] : memref<10000x48xf32, #tpu.memory_space<hbm>> -> memref<624x48xf32, #tpu.memory_space<hbm>>
        %dma_wait3A_59 = arith.constant 0 : i32
        %dma_wait3A_60 = tpu.memref_slice %arg20[%mul3A_48, %dma_wait3A_59] : memref<10000x48xf32, #tpu.memory_space<vmem_shared>> -> memref<624x48xf32, #tpu.memory_space<vmem_shared>>
        tpu.wait_dma2 semaphore(%run_scoped3A : memref<!tpu.dma_semaphore, #tpu.memory_space<semaphore_mem>>) src(%dma_wait3A_60 : memref<624x48xf32, #tpu.memory_space<vmem_shared>>) dst(%dma_wait3A_58 : memref<624x48xf32, #tpu.memory_space<hbm>>)
        tpu.yield
      }) : () -> ()
      %eq3A_49 = arith.constant 15 : i32
      %eq3A_50 = arith.cmpi eq, %arg1, %eq3A_49 : i32
      %convert_element_type3A_51 = arith.extui %eq3A_50 : i1 to i32
      %cond3A_52 = arith.constant 0 : i32
      %cond3A_53 = arith.cmpi ne, %convert_element_type3A_51, %cond3A_52 : i32
      scf.if %cond3A_53 {
        "tpu.region"() ({
          %run_scoped3A = tpu.sem_alloc : memref<!tpu.dma_semaphore, #tpu.memory_space<semaphore_mem>>
          %dma_start3A = arith.constant 9984 : i32
          %dma_start3A_54 = arith.constant 0 : i32
          %dma_start3A_55 = tpu.memref_slice %arg7[%dma_start3A, %dma_start3A_54] : memref<10000x48xf32, #tpu.memory_space<hbm>> -> memref<16x48xf32, #tpu.memory_space<hbm>>
          %dma_start3A_56 = arith.constant 9984 : i32
          %dma_start3A_57 = arith.constant 0 : i32
          %dma_start3A_58 = tpu.memref_slice %arg20[%dma_start3A_56, %dma_start3A_57] : memref<10000x48xf32, #tpu.memory_space<vmem_shared>> -> memref<16x48xf32, #tpu.memory_space<vmem_shared>>
          tpu.enqueue_dma source(%dma_start3A_58 : memref<16x48xf32, #tpu.memory_space<vmem_shared>>) target(%dma_start3A_55 : memref<16x48xf32, #tpu.memory_space<hbm>>) target_semaphore(%run_scoped3A : memref<!tpu.dma_semaphore, #tpu.memory_space<semaphore_mem>>)
          %dma_wait3A_59 = arith.constant 9984 : i32
          %dma_wait3A_60 = arith.constant 0 : i32
          %dma_wait3A_61 = tpu.memref_slice %arg7[%dma_wait3A_59, %dma_wait3A_60] : memref<10000x48xf32, #tpu.memory_space<hbm>> -> memref<16x48xf32, #tpu.memory_space<hbm>>
          %dma_wait3A_62 = arith.constant 9984 : i32
          %dma_wait3A_63 = arith.constant 0 : i32
          %dma_wait3A_64 = tpu.memref_slice %arg20[%dma_wait3A_62, %dma_wait3A_63] : memref<10000x48xf32, #tpu.memory_space<vmem_shared>> -> memref<16x48xf32, #tpu.memory_space<vmem_shared>>
          tpu.wait_dma2 semaphore(%run_scoped3A : memref<!tpu.dma_semaphore, #tpu.memory_space<semaphore_mem>>) src(%dma_wait3A_64 : memref<16x48xf32, #tpu.memory_space<vmem_shared>>) dst(%dma_wait3A_61 : memref<16x48xf32, #tpu.memory_space<hbm>>)
          tpu.yield
        }) : () -> ()
      } else {
      }
    } else {
    }
    return
  }
}

module attributes {stable_mosaic.version = 14 : i64} {
  func.func @_prep1_body(%arg0: i32, %arg1: memref<2000x128xf32, #tpu.memory_space<vmem>>, %arg2: memref<128x64xf32, #tpu.memory_space<vmem>>, %arg3: memref<64x64xf32, #tpu.memory_space<vmem>>, %arg4: memref<64x64xf32, #tpu.memory_space<vmem>>, %arg5: memref<2000x128xf32, #tpu.memory_space<vmem>>, %arg6: memref<2000x64xf32, #tpu.memory_space<vmem>>, %arg7: memref<1x128xf32, #tpu.memory_space<vmem>>) attributes {dimension_semantics = [#tpu.dimension_semantics<arbitrary>], iteration_bounds = array<i64: 5>, scalar_prefetch = 0 : i64, scratch_operands = 0 : i64, tpu.core_type = #tpu.core_type<tc>, window_params = [{transform_indices = @transform_0, window_bounds = array<i64: 2000, 128>}, {pipeline_mode = #tpu.pipeline_mode<synchronous>, transform_indices = @transform_1, window_bounds = array<i64: 128, 64>}, {pipeline_mode = #tpu.pipeline_mode<synchronous>, transform_indices = @transform_2, window_bounds = array<i64: 64, 64>}, {pipeline_mode = #tpu.pipeline_mode<synchronous>, transform_indices = @transform_3, window_bounds = array<i64: 64, 64>}, {transform_indices = @transform_4, window_bounds = array<i64: 2000, 128>}, {transform_indices = @transform_5, window_bounds = array<i64: 2000, 64>}, {pipeline_mode = #tpu.pipeline_mode<synchronous>, transform_indices = @transform_6, window_bounds = array<i64: 1, 128>}]} {
    %get3A = arith.constant 0 : index
    %get3A_0 = arith.constant 0 : index
    %get3A_1 = vector.load %arg1[%get3A, %get3A_0] : memref<2000x128xf32, #tpu.memory_space<vmem>>, vector<2000x128xf32>
    %get3A_2 = arith.constant 0 : index
    %get3A_3 = arith.constant 0 : index
    %get3A_4 = vector.load %arg2[%get3A_2, %get3A_3] : memref<128x64xf32, #tpu.memory_space<vmem>>, vector<128x64xf32>
    %dot_general3A = arith.constant dense<0.000000e+00> : vector<2000x64xf32>
    %dot_general3A_5 = tpu.matmul %get3A_1, %get3A_4, %dot_general3A {dimension_numbers = #tpu.dot_dimension_numbers<[1], [0], [0], [1], [0, 0, 1, 1], [], []>, transpose_lhs_hint = false} : vector<2000x128xf32>, vector<128x64xf32>, vector<2000x64xf32> -> vector<2000x64xf32>
    %get3A_6 = arith.constant 0 : index
    %get3A_7 = arith.constant 0 : index
    %get3A_8 = vector.load %arg3[%get3A_6, %get3A_7] : memref<64x64xf32, #tpu.memory_space<vmem>>, vector<64x64xf32>
    %dot_general3A_9 = arith.constant dense<0.000000e+00> : vector<2000x64xf32>
    %dot_general3A_10 = tpu.matmul %dot_general3A_5, %get3A_8, %dot_general3A_9 {dimension_numbers = #tpu.dot_dimension_numbers<[1], [0], [0], [1], [0, 0, 1, 1], [], []>, transpose_lhs_hint = false} : vector<2000x64xf32>, vector<64x64xf32>, vector<2000x64xf32> -> vector<2000x64xf32>
    %get3A_11 = arith.constant 0 : index
    %get3A_12 = arith.constant 0 : index
    %get3A_13 = vector.load %arg4[%get3A_11, %get3A_12] : memref<64x64xf32, #tpu.memory_space<vmem>>, vector<64x64xf32>
    %dot_general3A_14 = arith.constant dense<0.000000e+00> : vector<2000x64xf32>
    %dot_general3A_15 = tpu.matmul %dot_general3A_5, %get3A_13, %dot_general3A_14 {dimension_numbers = #tpu.dot_dimension_numbers<[1], [0], [0], [1], [0, 0, 1, 1], [], []>, transpose_lhs_hint = false} : vector<2000x64xf32>, vector<64x64xf32>, vector<2000x64xf32> -> vector<2000x64xf32>
    %concatenate3A = tpu.concatenate %dot_general3A_5, %dot_general3A_10 in 1 : vector<2000x64xf32>, vector<2000x64xf32> -> vector<2000x128xf32>
    %swap3A = arith.constant 0 : index
    %swap3A_16 = arith.constant 0 : index
    %swap3A_17 = vector.load %arg5[%swap3A, %swap3A_16] : memref<2000x128xf32, #tpu.memory_space<vmem>>, vector<2000x128xf32>
    tpu.vector_store %arg5[%swap3A, %swap3A_16], %concatenate3A {strides = array<i32>} : memref<2000x128xf32, #tpu.memory_space<vmem>>, vector<2000x128xf32>,
    %swap3A_18 = arith.constant 0 : index
    %swap3A_19 = arith.constant 0 : index
    %swap3A_20 = vector.load %arg6[%swap3A_18, %swap3A_19] : memref<2000x64xf32, #tpu.memory_space<vmem>>, vector<2000x64xf32>
    tpu.vector_store %arg6[%swap3A_18, %swap3A_19], %dot_general3A_15 {strides = array<i32>} : memref<2000x64xf32, #tpu.memory_space<vmem>>, vector<2000x64xf32>,
    %reduce_max3A = arith.constant dense<0xFF800000> : vector<64xf32>
    %reduce_max3A_21 = vector.multi_reduction <maximumf>, %dot_general3A_10, %reduce_max3A [0] : vector<2000x64xf32> to vector<64xf32>
    %broadcast_in_dim3A = vector.shape_cast %reduce_max3A_21 : vector<64xf32> to vector<1x64xf32>
    %reduce_max3A_22 = arith.constant dense<0xFF800000> : vector<64xf32>
    %reduce_max3A_23 = vector.multi_reduction <maximumf>, %dot_general3A_15, %reduce_max3A_22 [0] : vector<2000x64xf32> to vector<64xf32>
    %broadcast_in_dim3A_24 = vector.shape_cast %reduce_max3A_23 : vector<64xf32> to vector<1x64xf32>
    %concatenate3A_25 = tpu.concatenate %broadcast_in_dim3A, %broadcast_in_dim3A_24 in 1 : vector<1x64xf32>, vector<1x64xf32> -> vector<1x128xf32>
    %eq3A = arith.constant 0 : i32
    %eq3A_26 = arith.cmpi eq, %arg0, %eq3A : i32
    %convert_element_type3A = arith.extui %eq3A_26 : i1 to i32
    %cond3A = arith.constant 0 : i32
    %cond3A_27 = arith.cmpi ne, %convert_element_type3A, %cond3A : i32
    scf.if %cond3A_27 {
      %swap3A_32 = arith.constant 0 : index
      %swap3A_33 = arith.constant 0 : index
      %swap3A_34 = vector.load %arg7[%swap3A_32, %swap3A_33] : memref<1x128xf32, #tpu.memory_space<vmem>>, vector<1x128xf32>
      tpu.vector_store %arg7[%swap3A_32, %swap3A_33], %concatenate3A_25 {strides = array<i32>} : memref<1x128xf32, #tpu.memory_space<vmem>>, vector<1x128xf32>,
    } else {
    }
    %gt3A = arith.constant 0 : i32
    %gt3A_28 = arith.cmpi sgt, %arg0, %gt3A : i32
    %convert_element_type3A_29 = arith.extui %gt3A_28 : i1 to i32
    %cond3A_30 = arith.constant 0 : i32
    %cond3A_31 = arith.cmpi ne, %convert_element_type3A_29, %cond3A_30 : i32
    scf.if %cond3A_31 {
      %get3A_32 = arith.constant 0 : index
      %get3A_33 = arith.constant 0 : index
      %get3A_34 = vector.load %arg7[%get3A_32, %get3A_33] : memref<1x128xf32, #tpu.memory_space<vmem>>, vector<1x128xf32>
      %max3A = arith.maximumf %get3A_34, %concatenate3A_25 : vector<1x128xf32>
      %swap3A_35 = arith.constant 0 : index
      %swap3A_36 = arith.constant 0 : index
      %swap3A_37 = vector.load %arg7[%swap3A_35, %swap3A_36] : memref<1x128xf32, #tpu.memory_space<vmem>>, vector<1x128xf32>
      tpu.vector_store %arg7[%swap3A_35, %swap3A_36], %max3A {strides = array<i32>} : memref<1x128xf32, #tpu.memory_space<vmem>>, vector<1x128xf32>,
    } else {
    }
    return
  }
  func.func @transform_0(%arg0: i32) -> (i32, i32) {
    %c0_i32 = arith.constant 0 : i32
    %c0_i32_0 = arith.constant 0 : i32
    return %arg0, %c0_i32 : i32, i32
  }
  func.func @transform_1(%arg0: i32) -> (i32, i32) {
    %c0_i32 = arith.constant 0 : i32
    %c0_i32_0 = arith.constant 0 : i32
    %c0_i32_1 = arith.constant 0 : i32
    return %c0_i32, %c0_i32_0 : i32, i32
  }
  func.func @transform_2(%arg0: i32) -> (i32, i32) {
    %c0_i32 = arith.constant 0 : i32
    %c0_i32_0 = arith.constant 0 : i32
    %c0_i32_1 = arith.constant 0 : i32
    return %c0_i32, %c0_i32_0 : i32, i32
  }
  func.func @transform_3(%arg0: i32) -> (i32, i32) {
    %c0_i32 = arith.constant 0 : i32
    %c0_i32_0 = arith.constant 0 : i32
    %c0_i32_1 = arith.constant 0 : i32
    return %c0_i32, %c0_i32_0 : i32, i32
  }
  func.func @transform_4(%arg0: i32) -> (i32, i32) {
    %c0_i32 = arith.constant 0 : i32
    %c0_i32_0 = arith.constant 0 : i32
    return %arg0, %c0_i32 : i32, i32
  }
  func.func @transform_5(%arg0: i32) -> (i32, i32) {
    %c0_i32 = arith.constant 0 : i32
    %c0_i32_0 = arith.constant 0 : i32
    return %arg0, %c0_i32 : i32, i32
  }
  func.func @transform_6(%arg0: i32) -> (i32, i32) {
    %c0_i32 = arith.constant 0 : i32
    %c0_i32_0 = arith.constant 0 : i32
    %c0_i32_1 = arith.constant 0 : i32
    return %c0_i32, %c0_i32_0 : i32, i32
  }
}

module attributes {stable_mosaic.version = 14 : i64} {
  func.func @_mid_body(%arg0: i32, %arg1: memref<2000x128xf32, #tpu.memory_space<vmem>>, %arg2: memref<2000x128xf32, #tpu.memory_space<vmem>>, %arg3: memref<2000x64xf32, #tpu.memory_space<vmem>>, %arg4: memref<1x64xf32, #tpu.memory_space<vmem>>, %arg5: memref<1x64xf32, #tpu.memory_space<vmem>>, %arg6: memref<64x40xf32, #tpu.memory_space<vmem>>, %arg7: memref<40x1xf32, #tpu.memory_space<vmem>>, %arg8: memref<40x1xf32, #tpu.memory_space<vmem>>, %arg9: memref<2000x96xf32, #tpu.memory_space<vmem>>, %arg10: memref<2000x48xf32, #tpu.memory_space<vmem>>, %arg11: memref<1x16xf32, #tpu.memory_space<vmem>>) attributes {dimension_semantics = [#tpu.dimension_semantics<arbitrary>], iteration_bounds = array<i64: 5>, scalar_prefetch = 0 : i64, scratch_operands = 0 : i64, tpu.core_type = #tpu.core_type<tc>, window_params = [{transform_indices = @transform_0, window_bounds = array<i64: 2000, 128>}, {transform_indices = @transform_1, window_bounds = array<i64: 2000, 128>}, {transform_indices = @transform_2, window_bounds = array<i64: 2000, 64>}, {pipeline_mode = #tpu.pipeline_mode<synchronous>, transform_indices = @transform_3, window_bounds = array<i64: 1, 64>}, {pipeline_mode = #tpu.pipeline_mode<synchronous>, transform_indices = @transform_4, window_bounds = array<i64: 1, 64>}, {pipeline_mode = #tpu.pipeline_mode<synchronous>, transform_indices = @transform_5, window_bounds = array<i64: 64, 40>}, {pipeline_mode = #tpu.pipeline_mode<synchronous>, transform_indices = @transform_6, window_bounds = array<i64: 40, 1>}, {pipeline_mode = #tpu.pipeline_mode<synchronous>, transform_indices = @transform_7, window_bounds = array<i64: 40, 1>}, {transform_indices = @transform_8, window_bounds = array<i64: 2000, 96>}, {transform_indices = @transform_9, window_bounds = array<i64: 2000, 48>}, {pipeline_mode = #tpu.pipeline_mode<synchronous>, transform_indices = @transform_10, window_bounds = array<i64: 1, 16>}]} {
    %get3A = arith.constant 0 : index
    %get3A_0 = arith.constant 0 : index
    %get3A_1 = vector.load %arg1[%get3A, %get3A_0] : memref<2000x128xf32, #tpu.memory_space<vmem>>, vector<2000x128xf32>
    %get3A_2 = arith.constant 0 : index
    %get3A_3 = arith.constant 0 : index
    %get3A_4 = vector.load %arg2[%get3A_2, %get3A_3] : memref<2000x128xf32, #tpu.memory_space<vmem>>, vector<2000x64xf32>
    %get3A_5 = arith.constant 0 : index
    %get3A_6 = arith.constant 64 : index
    %get3A_7 = vector.load %arg2[%get3A_5, %get3A_6] : memref<2000x128xf32, #tpu.memory_space<vmem>>, vector<2000x64xf32>
    %get3A_8 = arith.constant 0 : index
    %get3A_9 = arith.constant 0 : index
    %get3A_10 = vector.load %arg3[%get3A_8, %get3A_9] : memref<2000x64xf32, #tpu.memory_space<vmem>>, vector<2000x64xf32>
    %add3A = arith.addf %get3A_7, %get3A_10 : vector<2000x64xf32>
    %mul3A = arith.constant 2.000000e-01 : f32
    %mul3A_11 = vector.broadcast %mul3A : f32 to vector<2000x64xf32>
    %mul3A_12 = arith.mulf %mul3A_11, %add3A : vector<2000x64xf32>
    %max3A = arith.maximumf %add3A, %mul3A_12 : vector<2000x64xf32>
    %get3A_13 = arith.constant 0 : index
    %get3A_14 = arith.constant 0 : index
    %get3A_15 = vector.load %arg4[%get3A_13, %get3A_14] : memref<1x64xf32, #tpu.memory_space<vmem>>, vector<1x64xf32>
    %sub3A = vector.broadcast %get3A_15 : vector<1x64xf32> to vector<2000x64xf32>
    %sub3A_16 = arith.subf %max3A, %sub3A : vector<2000x64xf32>
    %exp3A = math.exp %sub3A_16 : vector<2000x64xf32>
    %slice3A = vector.extract_strided_slice %get3A_1 {offsets = [0, 0], sizes = [2000, 64], strides = [1, 1]} : vector<2000x128xf32> to vector<2000x64xf32>
    %mul3A_17 = arith.mulf %exp3A, %get3A_4 : vector<2000x64xf32>
    %add3A_18 = arith.addf %slice3A, %mul3A_17 : vector<2000x64xf32>
    %slice3A_19 = vector.extract_strided_slice %get3A_1 {offsets = [0, 64], sizes = [2000, 64], strides = [1, 1]} : vector<2000x128xf32> to vector<2000x64xf32>
    %add3A_20 = arith.addf %slice3A_19, %exp3A : vector<2000x64xf32>
    %add3A_21 = arith.constant 1.000000e-16 : f32
    %add3A_22 = vector.broadcast %add3A_21 : f32 to vector<2000x64xf32>
    %add3A_23 = arith.addf %add3A_20, %add3A_22 : vector<2000x64xf32>
    %div3A = arith.divf %add3A_18, %add3A_23 : vector<2000x64xf32>
    %get3A_24 = arith.constant 0 : index
    %get3A_25 = arith.constant 0 : index
    %get3A_26 = vector.load %arg5[%get3A_24, %get3A_25] : memref<1x64xf32, #tpu.memory_space<vmem>>, vector<1x64xf32>
    %add3A_27 = vector.broadcast %get3A_26 : vector<1x64xf32> to vector<2000x64xf32>
    %add3A_28 = arith.addf %div3A, %add3A_27 : vector<2000x64xf32>
    %gt3A = arith.constant 0.000000e+00 : f32
    %gt3A_29 = vector.broadcast %gt3A : f32 to vector<2000x64xf32>
    %gt3A_30 = arith.cmpf ogt, %add3A_28, %gt3A_29 : vector<2000x64xf32>
    %min3A = arith.constant 0.000000e+00 : f32
    %min3A_31 = vector.broadcast %min3A : f32 to vector<2000x64xf32>
    %min3A_32 = arith.minimumf %add3A_28, %min3A_31 : vector<2000x64xf32>
    %exp3A_33 = math.exp %min3A_32 : vector<2000x64xf32>
    %sub3A_34 = arith.constant 1.000000e+00 : f32
    %sub3A_35 = vector.broadcast %sub3A_34 : f32 to vector<2000x64xf32>
    %sub3A_36 = arith.subf %exp3A_33, %sub3A_35 : vector<2000x64xf32>
    %select_n3A = arith.select %gt3A_30, %add3A_28, %sub3A_36 : vector<2000x64xi1>, vector<2000x64xf32>
    %get3A_37 = arith.constant 0 : index
    %get3A_38 = arith.constant 0 : index
    %get3A_39 = vector.load %arg6[%get3A_37, %get3A_38] : memref<64x40xf32, #tpu.memory_space<vmem>>, vector<64x40xf32>
    %dot_general3A = arith.constant dense<0.000000e+00> : vector<2000x40xf32>
    %dot_general3A_40 = tpu.matmul %select_n3A, %get3A_39, %dot_general3A {dimension_numbers = #tpu.dot_dimension_numbers<[1], [0], [0], [1], [0, 0, 1, 1], [], []>, transpose_lhs_hint = false} : vector<2000x64xf32>, vector<64x40xf32>, vector<2000x40xf32> -> vector<2000x40xf32>
    %get3A_41 = arith.constant 0 : index
    %get3A_42 = arith.constant 0 : index
    %get3A_43 = vector.load %arg7[%get3A_41, %get3A_42] : memref<40x1xf32, #tpu.memory_space<vmem>>, vector<40x1xf32>
    %dot_general3A_44 = arith.constant dense<0.000000e+00> : vector<2000x1xf32>
    %dot_general3A_45 = tpu.matmul %dot_general3A_40, %get3A_43, %dot_general3A_44 {dimension_numbers = #tpu.dot_dimension_numbers<[1], [0], [0], [1], [0, 0, 1, 1], [], []>, transpose_lhs_hint = false} : vector<2000x40xf32>, vector<40x1xf32>, vector<2000x1xf32> -> vector<2000x1xf32>
    %get3A_46 = arith.constant 0 : index
    %get3A_47 = arith.constant 0 : index
    %get3A_48 = vector.load %arg8[%get3A_46, %get3A_47] : memref<40x1xf32, #tpu.memory_space<vmem>>, vector<40x1xf32>
    %dot_general3A_49 = arith.constant dense<0.000000e+00> : vector<2000x1xf32>
    %dot_general3A_50 = tpu.matmul %dot_general3A_40, %get3A_48, %dot_general3A_49 {dimension_numbers = #tpu.dot_dimension_numbers<[1], [0], [0], [1], [0, 0, 1, 1], [], []>, transpose_lhs_hint = false} : vector<2000x40xf32>, vector<40x1xf32>, vector<2000x1xf32> -> vector<2000x1xf32>
    %broadcast_in_dim3A = arith.constant 1.000000e+00 : f32
    %broadcast_in_dim3A_51 = vector.broadcast %broadcast_in_dim3A : f32 to vector<2000x1xf32>
    %broadcast_in_dim3A_52 = arith.constant 0.000000e+00 : f32
    %broadcast_in_dim3A_53 = vector.broadcast %broadcast_in_dim3A_52 : f32 to vector<2000x7xf32>
    %broadcast_in_dim3A_54 = vector.shape_cast %dot_general3A_45 : vector<2000x1xf32> to vector<2000x1xf32>
    %broadcast_in_dim3A_55 = vector.broadcast %broadcast_in_dim3A_54 : vector<2000x1xf32> to vector<2000x48xf32>
    %concatenate3A = tpu.concatenate %dot_general3A_40, %broadcast_in_dim3A_51, %broadcast_in_dim3A_53, %broadcast_in_dim3A_55 in 1 : vector<2000x40xf32>, vector<2000x1xf32>, vector<2000x7xf32>, vector<2000x48xf32> -> vector<2000x96xf32>
    %swap3A = arith.constant 0 : index
    %swap3A_56 = arith.constant 0 : index
    %swap3A_57 = vector.load %arg9[%swap3A, %swap3A_56] : memref<2000x96xf32, #tpu.memory_space<vmem>>, vector<2000x96xf32>
    tpu.vector_store %arg9[%swap3A, %swap3A_56], %concatenate3A {strides = array<i32>} : memref<2000x96xf32, #tpu.memory_space<vmem>>, vector<2000x96xf32>,
    %broadcast_in_dim3A_58 = vector.shape_cast %dot_general3A_50 : vector<2000x1xf32> to vector<2000x1xf32>
    %broadcast_in_dim3A_59 = vector.broadcast %broadcast_in_dim3A_58 : vector<2000x1xf32> to vector<2000x48xf32>
    %swap3A_60 = arith.constant 0 : index
    %swap3A_61 = arith.constant 0 : index
    %swap3A_62 = vector.load %arg10[%swap3A_60, %swap3A_61] : memref<2000x48xf32, #tpu.memory_space<vmem>>, vector<2000x48xf32>
    tpu.vector_store %arg10[%swap3A_60, %swap3A_61], %broadcast_in_dim3A_59 {strides = array<i32>} : memref<2000x48xf32, #tpu.memory_space<vmem>>, vector<2000x48xf32>,
    %reduce_max3A = arith.constant dense<0xFF800000> : vector<1xf32>
    %reduce_max3A_63 = vector.multi_reduction <maximumf>, %dot_general3A_45, %reduce_max3A [0] : vector<2000x1xf32> to vector<1xf32>
    %broadcast_in_dim3A_64 = vector.shape_cast %reduce_max3A_63 : vector<1xf32> to vector<1x1xf32>
    %reduce_max3A_65 = arith.constant dense<0xFF800000> : vector<1xf32>
    %reduce_max3A_66 = vector.multi_reduction <maximumf>, %dot_general3A_50, %reduce_max3A_65 [0] : vector<2000x1xf32> to vector<1xf32>
    %broadcast_in_dim3A_67 = vector.shape_cast %reduce_max3A_66 : vector<1xf32> to vector<1x1xf32>
    %broadcast_in_dim3A_68 = arith.constant 0.000000e+00 : f32
    %broadcast_in_dim3A_69 = vector.broadcast %broadcast_in_dim3A_68 : f32 to vector<1x14xf32>
    %concatenate3A_70 = tpu.concatenate %broadcast_in_dim3A_64, %broadcast_in_dim3A_67, %broadcast_in_dim3A_69 in 1 : vector<1x1xf32>, vector<1x1xf32>, vector<1x14xf32> -> vector<1x16xf32>
    %eq3A = arith.constant 0 : i32
    %eq3A_71 = arith.cmpi eq, %arg0, %eq3A : i32
    %convert_element_type3A = arith.extui %eq3A_71 : i1 to i32
    %cond3A = arith.constant 0 : i32
    %cond3A_72 = arith.cmpi ne, %convert_element_type3A, %cond3A : i32
    scf.if %cond3A_72 {
      %swap3A_78 = arith.constant 0 : index
      %swap3A_79 = arith.constant 0 : index
      %swap3A_80 = vector.load %arg11[%swap3A_78, %swap3A_79] : memref<1x16xf32, #tpu.memory_space<vmem>>, vector<1x16xf32>
      tpu.vector_store %arg11[%swap3A_78, %swap3A_79], %concatenate3A_70 {strides = array<i32>} : memref<1x16xf32, #tpu.memory_space<vmem>>, vector<1x16xf32>,
    } else {
    }
    %gt3A_73 = arith.constant 0 : i32
    %gt3A_74 = arith.cmpi sgt, %arg0, %gt3A_73 : i32
    %convert_element_type3A_75 = arith.extui %gt3A_74 : i1 to i32
    %cond3A_76 = arith.constant 0 : i32
    %cond3A_77 = arith.cmpi ne, %convert_element_type3A_75, %cond3A_76 : i32
    scf.if %cond3A_77 {
      %get3A_78 = arith.constant 0 : index
      %get3A_79 = arith.constant 0 : index
      %get3A_80 = vector.load %arg11[%get3A_78, %get3A_79] : memref<1x16xf32, #tpu.memory_space<vmem>>, vector<1x16xf32>
      %max3A_81 = arith.maximumf %get3A_80, %concatenate3A_70 : vector<1x16xf32>
      %swap3A_82 = arith.constant 0 : index
      %swap3A_83 = arith.constant 0 : index
      %swap3A_84 = vector.load %arg11[%swap3A_82, %swap3A_83] : memref<1x16xf32, #tpu.memory_space<vmem>>, vector<1x16xf32>
      tpu.vector_store %arg11[%swap3A_82, %swap3A_83], %max3A_81 {strides = array<i32>} : memref<1x16xf32, #tpu.memory_space<vmem>>, vector<1x16xf32>,
    } else {
    }
    return
  }
  func.func @transform_0(%arg0: i32) -> (i32, i32) {
    %c0_i32 = arith.constant 0 : i32
    %c0_i32_0 = arith.constant 0 : i32
    return %arg0, %c0_i32 : i32, i32
  }
  func.func @transform_1(%arg0: i32) -> (i32, i32) {
    %c0_i32 = arith.constant 0 : i32
    %c0_i32_0 = arith.constant 0 : i32
    return %arg0, %c0_i32 : i32, i32
  }
  func.func @transform_2(%arg0: i32) -> (i32, i32) {
    %c0_i32 = arith.constant 0 : i32
    %c0_i32_0 = arith.constant 0 : i32
    return %arg0, %c0_i32 : i32, i32
  }
  func.func @transform_3(%arg0: i32) -> (i32, i32) {
    %c0_i32 = arith.constant 0 : i32
    %c0_i32_0 = arith.constant 0 : i32
    %c0_i32_1 = arith.constant 0 : i32
    return %c0_i32, %c0_i32_0 : i32, i32
  }
  func.func @transform_4(%arg0: i32) -> (i32, i32) {
    %c0_i32 = arith.constant 0 : i32
    %c0_i32_0 = arith.constant 0 : i32
    %c0_i32_1 = arith.constant 0 : i32
    return %c0_i32, %c0_i32_0 : i32, i32
  }
  func.func @transform_5(%arg0: i32) -> (i32, i32) {
    %c0_i32 = arith.constant 0 : i32
    %c0_i32_0 = arith.constant 0 : i32
    %c0_i32_1 = arith.constant 0 : i32
    return %c0_i32, %c0_i32_0 : i32, i32
  }
  func.func @transform_6(%arg0: i32) -> (i32, i32) {
    %c0_i32 = arith.constant 0 : i32
    %c0_i32_0 = arith.constant 0 : i32
    %c0_i32_1 = arith.constant 0 : i32
    return %c0_i32, %c0_i32_0 : i32, i32
  }
  func.func @transform_7(%arg0: i32) -> (i32, i32) {
    %c0_i32 = arith.constant 0 : i32
    %c0_i32_0 = arith.constant 0 : i32
    %c0_i32_1 = arith.constant 0 : i32
    return %c0_i32, %c0_i32_0 : i32, i32
  }
  func.func @transform_8(%arg0: i32) -> (i32, i32) {
    %c0_i32 = arith.constant 0 : i32
    %c0_i32_0 = arith.constant 0 : i32
    return %arg0, %c0_i32 : i32, i32
  }
  func.func @transform_9(%arg0: i32) -> (i32, i32) {
    %c0_i32 = arith.constant 0 : i32
    %c0_i32_0 = arith.constant 0 : i32
    return %arg0, %c0_i32 : i32, i32
  }
  func.func @transform_10(%arg0: i32) -> (i32, i32) {
    %c0_i32 = arith.constant 0 : i32
    %c0_i32_0 = arith.constant 0 : i32
    %c0_i32_1 = arith.constant 0 : i32
    return %c0_i32, %c0_i32_0 : i32, i32
  }
}

module attributes {stable_mosaic.version = 14 : i64} {
  func.func @_fin_body(%arg0: i32, %arg1: memref<2000x48xf32, #tpu.memory_space<vmem>>, %arg2: memref<2000x96xf32, #tpu.memory_space<vmem>>, %arg3: memref<2000x48xf32, #tpu.memory_space<vmem>>, %arg4: memref<1x16xf32, #tpu.memory_space<vmem>>, %arg5: memref<1x40xf32, #tpu.memory_space<vmem>>, %arg6: memref<2000x40xf32, #tpu.memory_space<vmem>>) attributes {dimension_semantics = [#tpu.dimension_semantics<arbitrary>], iteration_bounds = array<i64: 5>, scalar_prefetch = 0 : i64, scratch_operands = 0 : i64, tpu.core_type = #tpu.core_type<tc>, window_params = [{transform_indices = @transform_0, window_bounds = array<i64: 2000, 48>}, {transform_indices = @transform_1, window_bounds = array<i64: 2000, 96>}, {transform_indices = @transform_2, window_bounds = array<i64: 2000, 48>}, {pipeline_mode = #tpu.pipeline_mode<synchronous>, transform_indices = @transform_3, window_bounds = array<i64: 1, 16>}, {pipeline_mode = #tpu.pipeline_mode<synchronous>, transform_indices = @transform_4, window_bounds = array<i64: 1, 40>}, {transform_indices = @transform_5, window_bounds = array<i64: 2000, 40>}]} {
    %get3A = arith.constant 0 : index
    %get3A_0 = arith.constant 0 : index
    %get3A_1 = vector.load %arg1[%get3A, %get3A_0] : memref<2000x48xf32, #tpu.memory_space<vmem>>, vector<2000x48xf32>
    %get3A_2 = arith.constant 0 : index
    %get3A_3 = arith.constant 0 : index
    %get3A_4 = vector.load %arg2[%get3A_2, %get3A_3] : memref<2000x96xf32, #tpu.memory_space<vmem>>, vector<2000x40xf32>
    %get3A_5 = arith.constant 0 : index
    %get3A_6 = arith.constant 48 : index
    %get3A_7 = vector.load %arg2[%get3A_5, %get3A_6] : memref<2000x96xf32, #tpu.memory_space<vmem>>, vector<2000x1xf32>
    %get3A_8 = arith.constant 0 : index
    %get3A_9 = arith.constant 0 : index
    %get3A_10 = vector.load %arg3[%get3A_8, %get3A_9] : memref<2000x48xf32, #tpu.memory_space<vmem>>, vector<2000x1xf32>
    %get3A_11 = arith.constant 0 : index
    %get3A_12 = arith.constant 0 : index
    %get3A_13 = vector.load %arg4[%get3A_11, %get3A_12] : memref<1x16xf32, #tpu.memory_space<vmem>>, vector<1x1xf32>
    %get3A_14 = vector.extract %get3A_13[0, 0] : f32 from vector<1x1xf32>
    %get3A_15 = arith.constant 0 : index
    %get3A_16 = arith.constant 1 : index
    %get3A_17 = vector.load %arg4[%get3A_15, %get3A_16] : memref<1x16xf32, #tpu.memory_space<vmem>>, vector<1x1xf32>
    %get3A_18 = vector.extract %get3A_17[0, 0] : f32 from vector<1x1xf32>
    %add3A = arith.addf %get3A_14, %get3A_18 : f32
    %mul3A = arith.constant 2.000000e-01 : f32
    %mul3A_19 = arith.mulf %mul3A, %add3A : f32
    %max3A = arith.maximumf %add3A, %mul3A_19 : f32
    %add3A_20 = arith.addf %get3A_7, %get3A_10 : vector<2000x1xf32>
    %mul3A_21 = arith.constant 2.000000e-01 : f32
    %mul3A_22 = vector.broadcast %mul3A_21 : f32 to vector<2000x1xf32>
    %mul3A_23 = arith.mulf %mul3A_22, %add3A_20 : vector<2000x1xf32>
    %max3A_24 = arith.maximumf %add3A_20, %mul3A_23 : vector<2000x1xf32>
    %sub3A = vector.broadcast %max3A : f32 to vector<2000x1xf32>
    %sub3A_25 = arith.subf %max3A_24, %sub3A : vector<2000x1xf32>
    %exp3A = math.exp %sub3A_25 : vector<2000x1xf32>
    %slice3A = vector.extract_strided_slice %get3A_1 {offsets = [0, 0], sizes = [2000, 40], strides = [1, 1]} : vector<2000x48xf32> to vector<2000x40xf32>
    %mul3A_26 = vector.broadcast %exp3A : vector<2000x1xf32> to vector<2000x40xf32>
    %mul3A_27 = arith.mulf %mul3A_26, %get3A_4 : vector<2000x40xf32>
    %add3A_28 = arith.addf %slice3A, %mul3A_27 : vector<2000x40xf32>
    %slice3A_29 = vector.extract_strided_slice %get3A_1 {offsets = [0, 40], sizes = [2000, 1], strides = [1, 1]} : vector<2000x48xf32> to vector<2000x1xf32>
    %add3A_30 = arith.addf %slice3A_29, %exp3A : vector<2000x1xf32>
    %add3A_31 = arith.constant 1.000000e-16 : f32
    %add3A_32 = vector.broadcast %add3A_31 : f32 to vector<2000x1xf32>
    %add3A_33 = arith.addf %add3A_30, %add3A_32 : vector<2000x1xf32>
    %div3A = vector.broadcast %add3A_33 : vector<2000x1xf32> to vector<2000x40xf32>
    %div3A_34 = arith.divf %add3A_28, %div3A : vector<2000x40xf32>
    %get3A_35 = arith.constant 0 : index
    %get3A_36 = arith.constant 0 : index
    %get3A_37 = vector.load %arg5[%get3A_35, %get3A_36] : memref<1x40xf32, #tpu.memory_space<vmem>>, vector<1x40xf32>
    %add3A_38 = vector.broadcast %get3A_37 : vector<1x40xf32> to vector<2000x40xf32>
    %add3A_39 = arith.addf %div3A_34, %add3A_38 : vector<2000x40xf32>
    %reduce_max3A = arith.constant dense<0xFF800000> : vector<2000xf32>
    %reduce_max3A_40 = vector.multi_reduction <maximumf>, %add3A_39, %reduce_max3A [1] : vector<2000x40xf32> to vector<2000xf32>
    %broadcast_in_dim3A = vector.shape_cast %reduce_max3A_40 : vector<2000xf32> to vector<2000x1xf32>
    %sub3A_41 = vector.broadcast %broadcast_in_dim3A : vector<2000x1xf32> to vector<2000x40xf32>
    %sub3A_42 = arith.subf %add3A_39, %sub3A_41 : vector<2000x40xf32>
    %exp3A_43 = math.exp %sub3A_42 : vector<2000x40xf32>
    %reduce_sum3A = arith.constant dense<0.000000e+00> : vector<2000xf32>
    %reduce_sum3A_44 = vector.multi_reduction <add>, %exp3A_43, %reduce_sum3A [1] : vector<2000x40xf32> to vector<2000xf32>
    %broadcast_in_dim3A_45 = vector.shape_cast %reduce_sum3A_44 : vector<2000xf32> to vector<2000x1xf32>
    %log3A = math.log %broadcast_in_dim3A_45 : vector<2000x1xf32>
    %sub3A_46 = vector.broadcast %log3A : vector<2000x1xf32> to vector<2000x40xf32>
    %sub3A_47 = arith.subf %sub3A_42, %sub3A_46 : vector<2000x40xf32>
    %swap3A = arith.constant 0 : index
    %swap3A_48 = arith.constant 0 : index
    %swap3A_49 = vector.load %arg6[%swap3A, %swap3A_48] : memref<2000x40xf32, #tpu.memory_space<vmem>>, vector<2000x40xf32>
    tpu.vector_store %arg6[%swap3A, %swap3A_48], %sub3A_47 {strides = array<i32>} : memref<2000x40xf32, #tpu.memory_space<vmem>>, vector<2000x40xf32>,
    return
  }
  func.func @transform_0(%arg0: i32) -> (i32, i32) {
    %c0_i32 = arith.constant 0 : i32
    %c0_i32_0 = arith.constant 0 : i32
    return %arg0, %c0_i32 : i32, i32
  }
  func.func @transform_1(%arg0: i32) -> (i32, i32) {
    %c0_i32 = arith.constant 0 : i32
    %c0_i32_0 = arith.constant 0 : i32
    return %arg0, %c0_i32 : i32, i32
  }
  func.func @transform_2(%arg0: i32) -> (i32, i32) {
    %c0_i32 = arith.constant 0 : i32
    %c0_i32_0 = arith.constant 0 : i32
    return %arg0, %c0_i32 : i32, i32
  }
  func.func @transform_3(%arg0: i32) -> (i32, i32) {
    %c0_i32 = arith.constant 0 : i32
    %c0_i32_0 = arith.constant 0 : i32
    %c0_i32_1 = arith.constant 0 : i32
    return %c0_i32, %c0_i32_0 : i32, i32
  }
  func.func @transform_4(%arg0: i32) -> (i32, i32) {
    %c0_i32 = arith.constant 0 : i32
    %c0_i32_0 = arith.constant 0 : i32
    %c0_i32_1 = arith.constant 0 : i32
    return %c0_i32, %c0_i32_0 : i32, i32
  }
  func.func @transform_5(%arg0: i32) -> (i32, i32) {
    %c0_i32 = arith.constant 0 : i32
    %c0_i32_0 = arith.constant 0 : i32
    return %arg0, %c0_i32 : i32, i32
  }
}

</mosaic_0001>

<sc_bundles>
// kernel: kernel.10.cloned.1.call-start
scs
__scs_entry_jumppad:
0x0: {  	(pc) =	sbr.rel $0x88, $3  }
0x1: {  	(tag) =	ssettag $0x0;
	lr =	simm.s32 $0x1  }
0x2: {  	[smem:$0x3F97] =	sst lr;
	_ =	strace $0xD0000000  }
0x3: {  	_ = 	snop  }
0x4: {  	_ = 	snop  }
0x5: {  	_ = 	snop  }
0x6: {  	_ = 	snop  }
0x7: {  	_ = 	snop  }
__scs_overlays_trampoline_lowered:
0x8: {  	[smem:$0x3FA6] =	sst s0  }
0x9: {  	[smem:$0x3FA7] =	sst s1  }
0xa: {  	[smem:$0x3FA8] =	sst s2  }
0xb: {  	[smem:$0x3FA9] =	sst s3  }
0xc: {  	[smem:$0x3FAA] =	sst s4  }
0xd: {  	[smem:$0x3FAB] =	sst s5  }
0xe: {  	[smem:$0x3FAC] =	sst s6  }
0xf: {  	[smem:$0x3FAD] =	sst s7  }
0x10: {  	[smem:$0x3FAE] =	sst s8  }
0x11: {  	[smem:$0x3FAF] =	sst s9;
	s0 =	simm.s32 @!p0 $0x0  }
0x12: {  	s1 =	sld [smem:$0x3F95];
	s0 =	simm.s32 @p0 $0x1  }
0x13: {  	[smem:$0x3FB0] =	sst s0;
	s0 =	simm.s32 @!p1 $0x0  }
0x14: {  	s2 =	sld [smem:$0x3F94];
	s0 =	simm.s32 @p1 $0x1  }
0x15: {  	[smem:$0x3FB1] =	sst s0;
	s0 =	simm.s32 @!p2 $0x0  }
0x16: {  	s3 =	sld [smem:$0x3FDB];
	s0 =	simm.s32 @p2 $0x1  }
0x17: {  	s4 =	simm.s32 $0x1BF5;
	[smem:$0x3FB3] =	sst s0  }
0x18: {  	s0 =	sld [smem:$0x3F96];
	_ =	swait.ge [sflag:s4], $0x0  }
0x19: {  	s7 =	sld [smem:$0x3F97]  }
0x1a: {  	s8 =	sadd.s32 $0xFFFFE003, lr  }
0x1b: {  	s9 =	sadd.s32 $0xFFFFFEF7, lr;
	s5 =	simm.s32 $0xFFFFFFFF;
	p2 =	slt.u32 s8, $0xFFFFF086  }
0x1c: {  	p1 =	slt.u32 s9, $0xF7A;
	s5 =	simm.s32 @!p2 $0x0  }
0x1d: {  	s5 =	simm.s32 @p1 $0x1;
	p0 =	seq.s32 s7, s2  }
0x1e: {  	s7 =	smul.u32 @!p0 $0xF7A, s2;
	p2 =	seq.s32 @!p0 s5, $0x0  }
0x1f: {  	s9 =	smul.u32 $0xF7A, s1;
	s8 =	simm.s32 @!p0 $0x1BF5;
	p2 =	por !p2, p0  }
0x20: {  	[sflag:s8] =	ssyncset.s32 @!p0 $0xFFFFF086;
	s6 =	sadd.s32 @!p0 s3, s7;
	s7 =	simm.s32 @!p0 $0x108  }
0x21: {  	s3 =	sadd.s32 s3, s9;
	s6 =	sadd.s32 @!p0 $0x88, s6;
	s7 =	simm.s32 @p2 $0x1082  }
0x22: {  	[simem:s7], [sflag:s8] =	dma.local @!p0 [hbm:s6], $0xF7A  }
0x23: {  	s9 =	sor.u32 $0xD0000000, s2;
	s6 =	simm.s32 $0x108;
	_ =	swait.ge @!p0 [sflag:s8], $0x0  }
0x24: {  	s3 =	sadd.s32 $0x88, s3;
	s6 =	simm.s32 @!p1 $0x1082;
	[sflag:s4] =	ssyncset.s32 $0xFFFFF086  }
0x25: {  	[simem:s6], [sflag:s4] =	dma.local [hbm:s3], $0xF7A  }
0x26: {  	[smem:$0x3F97] =	sst s1;
	(tag) =	ssettag s2;
	_ =	strace s9  }
0x27: {  	s1 =	sld [smem:$0x3FA7]  }
0x28: {  	s2 =	sld [smem:$0x3FA8]  }
0x29: {  	s4 =	sld [smem:$0x3FAA]  }
0x2a: {  	p0 =	seq.s32 s5, $0x0;
	s5 =	sld [smem:$0x3FAB]  }
0x2b: {  	s6 =	sld [smem:$0x3FAC]  }
0x2c: {  	s7 =	sld [smem:$0x3FAD]  }
0x2d: {  	s3 =	simm.s32 $0x108;
	s8 =	sld [smem:$0x3FAE]  }
0x2e: {  	s3 =	simm.s32 @!p0 $0x1082;
	s9 =	sld [smem:$0x3FAF]  }
0x2f: {  	lr =	sadd.s32 s0, s3;
	s0 =	sld [smem:$0x3FA6]  }
0x30: {  	s3 =	sld [smem:$0x3FA9]  }
0x31: {  	[smem:$0x3FB2] =	sst s10  }
0x32: {  	s10 =	sld [smem:$0x3FB0];
	_ =	sdelay $0x3  }
0x33: {  	p0 =	seq.s32 s10, $0x1;
	s10 =	sld [smem:$0x3FB2];
	_ =	sdelay $0x3  }
0x34: {  	[smem:$0x3FB2] =	sst s10  }
0x35: {  	s10 =	sld [smem:$0x3FB1];
	_ =	sdelay $0x3  }
0x36: {  	p1 =	seq.s32 s10, $0x1;
	s10 =	sld [smem:$0x3FB2];
	_ =	sdelay $0x3  }
0x37: {  	[smem:$0x3FB2] =	sst s10  }
0x38: {  	s10 =	sld [smem:$0x3FB3]  }
0x39: {  	_ = 	snop;
	(pc) =	sbr.ind lr, $3  }
0x3a: {  	_ = 	snop  }
0x3b: {  	_ = 	snop  }
0x3c: {  	p2 =	seq.s32 s10, $0x1;
	s10 =	sld [smem:$0x3FB2]  }
0x3d: {  	_ =	shalt  }
0x3e: {  	_ =	shalt  }
0x3f: {  	_ =	shalt  }
0x40: {  	_ =	shalt  }
0x41: {  	_ =	shalt  }
0x42: {  	_ =	shalt  }
0x43: {  	_ =	shalt  }
0x44: {  	_ =	shalt  }
0x45: {  	_ =	shalt  }
0x46: {  	_ =	shalt  }
0x47: {  	_ =	shalt  }
0x48: {  	_ =	shalt  }
0x49: {  	_ =	shalt  }
0x4a: {  	_ =	shalt  }
0x4b: {  	_ =	shalt  }
0x4c: {  	_ =	shalt  }
0x4d: {  	_ =	shalt  }
0x4e: {  	_ =	shalt  }
0x4f: {  	_ =	shalt  }
0x50: {  	_ =	shalt  }
0x51: {  	_ =	shalt  }
0x52: {  	_ =	shalt  }
0x53: {  	_ =	shalt  }
0x54: {  	_ =	shalt  }
0x55: {  	_ =	shalt  }
0x56: {  	_ =	shalt  }
0x57: {  	_ =	shalt  }
0x58: {  	_ =	shalt  }
0x59: {  	_ =	shalt  }
0x5a: {  	_ =	shalt  }
0x5b: {  	_ =	shalt  }
0x5c: {  	_ =	shalt  }
0x5d: {  	_ =	shalt  }
0x5e: {  	_ =	shalt  }
0x5f: {  	_ =	shalt  }
0x60: {  	_ =	shalt  }
0x61: {  	_ =	shalt  }
0x62: {  	_ =	shalt  }
0x63: {  	_ =	shalt  }
0x64: {  	_ =	shalt  }
0x65: {  	_ =	shalt  }
0x66: {  	_ =	shalt  }
0x67: {  	_ =	shalt  }
0x68: {  	_ =	shalt  }
0x69: {  	_ =	shalt  }
0x6a: {  	_ =	shalt  }
0x6b: {  	_ =	shalt  }
0x6c: {  	_ =	shalt  }
0x6d: {  	_ =	shalt  }
0x6e: {  	_ =	shalt  }
0x6f: {  	_ =	shalt  }
0x70: {  	_ =	shalt  }
0x71: {  	_ =	shalt  }
0x72: {  	_ =	shalt  }
0x73: {  	_ =	shalt  }
0x74: {  	_ =	shalt  }
0x75: {  	_ =	shalt  }
0x76: {  	_ =	shalt  }
0x77: {  	_ =	shalt  }
0x78: {  	_ =	shalt  }
0x79: {  	_ =	shalt  }
0x7a: {  	_ =	shalt  }
0x7b: {  	_ =	shalt  }
0x7c: {  	_ =	shalt  }
0x7d: {  	_ =	shalt  }
0x7e: {  	_ =	shalt  }
0x7f: {  	_ =	shalt  }
0x80: {  	_ =	shalt  }
0x81: {  	_ =	shalt  }
0x82: {  	_ =	shalt  }
0x83: {  	_ =	shalt  }
0x84: {  	_ =	shalt  }
0x85: {  	_ =	shalt  }
0x86: {  	_ =	shalt  }
0x87: {  	_ =	shalt  }
.Lfunc_end0:
.L_simem_size_0:
called_computation.1_lowered:
.L_overlay_start_0:
0x88: {  	s2 =	sld [smem:$0x3FD9]  }
0x89: {  	s3 =	sld [smem:$0x3FFE];
	_ =	sdelay $0x1  }
0x8a: {  	s1 =	srdreg.scid  }
0x8b: {  	s0 =	sand.u32 $0x1, s1  }
0x8c: {  	s17 =	sshll.u32 s0, $0xA;
	s2 =	sadd.s32 s3, s2  }
0x8d: {  	s2 =	sadd.s32 s2, s17  }
0x8e: {  	[smem:$0x3FBE] =	sst s2  }
0x8f: {  	_ = 	snop  }
0x90: {  	s2 =	sld [smem:$0x3FD0];
	(tm) =	ssettm $0x1  }
0x91: {  	s18 =	sld [smem:$0x3FFB];
	_ =	sdelay $0x3  }
0x92: {  	_ =	strace s18  }
0x93: {  	s3 =	sld [smem:$0x3FFC];
	_ =	sdelay $0x3  }
0x94: {  	_ =	strace s3  }
0x95: {  	s3 =	sld [smem:$0x3FFD];
	_ =	sdelay $0x3  }
0x96: {  	_ =	strace s3  }
0x97: {  	_ =	strace $0x8FFFFFFF  }
0x98: {  	s19 =	sld [smem:$0x3FDB];
	_ =	sdelay $0x1  }
0x99: {  	s4 =	simm.s32 $_scs_section_size  }
0x9a: {  	s5 =	simm.s32 $_size__tile_overlayer_lowered;
	s6 =	simm.s32 $_tile_overlayer_lowered  }
0x9b: {  	s22 =	simm.s32 $0x1BFF;
	s21 =	sshll.u32 s6, $0x1;
	s3 =	sadd.s32 s4, s19  }
0x9c: {  	s7 =	simm.s32 $0x0;
	s20 =	sshll.u32 s5, $0x1;
	s5 =	sadd.s32 s21, s3  }
0x9d: {  	[timem:s7], [sflag:s22] =	dma.local [hbm:s5], s20  }
0x9e: {  	_ =	swait.ge [sflag:s22], s20  }
0x9f: {  	s4 =	ssub.s32 $0x0, s20;
	[sflag:s22] =	ssyncset.done $0x0  }
0xa0: {  	[sflag:s22] =	ssyncadd.s32 s4;
	_ =	sdelay $0x1  }
0xa1: {  	s23 =	simm.s32 $0x1B8B  }
0xa2: {  	_ =	swait.ge [sflag:s23], $0x1  }
0xa3: {  	[sflag:s23] =	ssyncset.done $0x0  }
0xa4: {  	s25 =	simm.s32 $0x1B8E;
	s24 =	sld [smem:$0x3FFE];
	[sflag:s23] =	ssyncadd.s32 $0xFFFFFFFF  }
0xa5: {  	s26 =	simm.s32 $execute0_lowered;
	[smem:$0x3FD2] =	sst s25  }
0xa6: {  	s5 =	sshll.u32 s26, $0x1;
	_ =	strace $0x80000049;
	[dreg:$0x1] =	wrdreg $0xFFFFFFFF  }
0xa7: {  	s28 =	simm.s32 $_size_execute0_lowered;
	s3 =	sadd.s32 s3, s5;
	[dreg:$0x0] =	wrdreg $0x0  }
0xa8: {  	s5 =	sshll.u32 s28, $0x1;
	[dreg:$0x2] =	wrdreg s3  }
0xa9: {  	[dreg:$0x3] =	wrdreg s5  }
0xaa: {  	[dreg:$0x4] =	wrdreg $0xC0  }
0xab: {  	_ =	task [dreg:s7], $0x5FFFF  }
0xac: {  	[dreg:$0x1] =	wrdreg $0xFFFFFFFF  }
0xad: {  	[dreg:$0x0] =	wrdreg $0x60  }
0xae: {  	[dreg:$0x2] =	wrdreg s24  }
0xaf: {  	[dreg:$0x3] =	wrdreg s2  }
0xb0: {  	[dreg:$0x4] =	wrdreg $0x88300  }
0xb1: {  	[dreg:$0x5] =	wrdreg $0x9  }
0xb2: {  	_ =	task.clear_ibuf [dreg:s7], $0x6FFFF;
	_ =	strace $0x90000049  }
0xb3: {  	s29 =	simm.s32 $0x9;
	_ =	strace $0x8000004B  }
0xb4: {  	_ =	swait.ge [sflag:s29], $0x1  }
0xb5: {  	[sflag:s29] =	ssyncadd.s32 $0xFFFFFFFF  }
0xb6: {  	_ =	strace $0x9000004B  }
0xb7: {  	_ =	sfence  }
0xb8: {  	s30 =	sld [smem:$0x0];
	_ =	sdelay $0x2  }
0xb9: {  	s31 =	sshll.u32 s1, $0xD;
	s1 =	sshrl.u32 s1, $0x2  }
0xba: {  	s3 =	sand.u32 $0x4000, s31;
	s1 =	sadd.s32 s1, s30  }
0xbb: {  	s0 =	sor.u32 s3, s0;
	s1 =	sshll.u32 s1, $0x11  }
0xbc: {  	s0 =	sor.u32 s1, s0  }
0xbd: {  	s0 =	sadd.s32 $0x8F2B, s0  }
0xbe: {  	[sflag:s0] =	ssyncadd.remote.s32 $0x1  }
0xbf: {  	_ =	sfence.sel $0xFFFF  }
0xc0: {  	[dreg:$0x0] =	wrdreg $0xFFFFFFFF;
	(pc) =	sbr.abs _section_cstart, $3  }
0xc1: {  	[dreg:$0x1] =	wrdreg $0xFFFFFFFF  }
0xc2: {  	_ =	task.clear_ibuf [dreg:s7], $0x2FFFF;
	_ =	strace $0x9FFFFFFF  }
0xc3: {  	(tm) =	ssettm $0x7FFFFFFF  }
tec
execute0_lowered:
.L_overlay_start_1:
0x0: {  	(tag) =	ssettag $0x1  }
0x1: {  	s0 =	srdreg.scid  }
0x2: {  	s0 =	sand.u32 $0x1, s0  }
0x3: {  	p0 =	seq.s32 s0, $0x1  }
.Ltmp0:
0x4: {  	s14 =	rddreg [dreg:$0x0];
	(pc) =	sbr.rel @p0 .LBB2_14-.Ltmp0, $4  }
0x5: {  	s9 =	rddreg [dreg:$0x1]  }
0x6: {  	s2 =	rddreg [dreg:$0x2];
	s1 =	simm.s32 $0x0  }
0x7: {  	[smem:$0x7FF] =	sst s1  }
0x8: {  	s3 =	rddreg [dreg:$0x3];
	s1 =	stileid.u32;
	_ =	strace $0x8000004A  }
0x9: {  	s3 =	smul.u32 $0x7500, s1;
	s7 =	sadd.s32 $0x1A200, s14  }
0xa: {  	s4 =	smul.u32 $0x1D400, s1;
	s8 =	sadd.s32 $0xB600, s14;
	s11 =	sadd.s32 $0x1800, s14  }
0xb: {  	s0 =	sadd.s32 $0x37800, s14;
	s6 =	smul.u32 $0x139, s1;
	s31 =	sadd.s32 $0x46400, s14  }
0xc: {  	s10 =	smul.u32 $0x4E40, s1;
	s12 =	smax.u32 s1, $0x8;
	[dreg:$0x4] =	wrdreg s31  }
0xd: {  	s5 =	sshrl.u32 s3, $0x3;
	s4 =	sshrl.u32 s4, $0x2;
	s3 =	sadd.s32 s3, s2  }
0xe: {  	s6 =	ssub.s32 s6, s12;
	s10 =	sshrl.u32 s10, $0x3;
	s16 =	sadd.s32 s5, s14  }
0xf: {  	s4 =	sadd.s32 s4, s2;
	s13 =	sadd.s32 $0x8, s6;
	s29 =	sadd.s32 $0x9C0, s10  }
0x10: {  	s14 =	simm.s32 $0xC0;
	s15 =	sadd.s32 $0x2700, s4;
	s5 =	sadd.s32 $0x4E00, s4  }
0x11: {  	s4 =	sadd.s32 $0x75000, s2;
	s12 =	sadd.s32 s11, s29;
	s30 =	sadd.s32 $0x37A00, s16  }
0x12: {  	v0 =	vimm.f32 $0.0e+00;
	s10 =	sadd.s32 s9, s29;
	s16 =	simm.s32 $0x0;
	[dreg:$0x5] =	wrdreg s30  }
.LBB2_2:
0x13: {  	p0 =	sne.s32 s14, $0x9B40;
	[tilespmem:s16+$0x6150] =	vst v0;
	s17 =	smov.u32 s14;
	s14 =	sadd.s32 $0xC0, s14  }
.Ltmp1:
0x14: {  	[tilespmem:s16+$0x6130] =	vst v0;
	(pc) =	sbr.rel @p0 .LBB2_2-.Ltmp1, $2  }
0x15: {  	[tilespmem:s16+$0x6140] =	vst v0;
	_ =	sdelay $0x2  }
0x16: {  	s16 =	sshra.s32 s17, $0x2  }
0x17: {  	[tilespmem:s16+$0x6150] =	vst v0  }
0x18: {  	[tilespmem:s16+$0x6130] =	vst v0  }
0x19: {  	[tilespmem:s16+$0x6140] =	vst v0;
	s26 =	simm.s32 $0x6130;
	s14 =	simm.s32 $0x7  }
0x1a: {  	[spmem:s3] =	stream.linear.scatter [tilespmem:s26], [sflag:$0x7], $0x2700, $0x38;
	[tilespmem:$0xFD60] =	vst v63  }
0x1b: {  	_ =	swait.ge [sflag:s14], $0x2700  }
0x1c: {  	[sflag:s14] =	ssyncset.done $0x0  }
0x1d: {  	[sflag:s14] =	ssyncadd.s32 $0xFFFFD900  }
0x1e: {  	[spmem:s15] =	stream.linear.scatter [tilespmem:s26], [sflag:$0x7], $0x2700, $0x38;
	[tilespmem:$0xFD60] =	vst v63  }
0x1f: {  	_ =	swait.ge [sflag:s14], $0x2700  }
0x20: {  	[sflag:s14] =	ssyncset.done $0x0  }
0x21: {  	[sflag:s14] =	ssyncadd.s32 $0xFFFFD900  }
0x22: {  	[spmem:s5] =	stream.linear.scatter [tilespmem:s26], [sflag:$0x7], $0x2700, $0x38;
	[tilespmem:$0xFD60] =	vst v63  }
0x23: {  	_ =	swait.ge [sflag:s14], $0x2700  }
0x24: {  	p0 =	sne.s32 s1, $0xF;
	[sflag:s14] =	ssyncset.done $0x0  }
0x25: {  	s5 =	simm.s32 @!p0 $0x6130;
	[sflag:s14] =	ssyncadd.s32 $0xFFFFD900  }
0x26: {  	[spmem:s4] =	stream.linear.scatter @!p0 [tilespmem:s5], [sflag:$0x7], $0x300, $0x38;
	[tilespmem:$0xFD60] =	vst v63  }
0x27: {  	s5 =	simm.s32 @!p0 $0x7  }
0x28: {  	_ =	swait.ge @!p0 [sflag:s5], $0x300  }
0x29: {  	[sflag:s5] =	ssyncset.done @!p0 $0x0  }
0x2a: {  	s31 =	simm.s32 $0x6100;
	s15 =	simm.s32 $0x0;
	[sflag:s5] =	ssyncadd.s32 @!p0 $0xFFFFFD00  }
0x2b: {  	[tilespmem:s31], [sflag:$0x7] =	stream.linear.gather [hbm4b:s0+s15], $0x30, $0x38;
	[tilespmem:$0xFD60] =	vst v63  }
0x2c: {  	_ =	swait.ge [sflag:s14], $0x30  }
0x2d: {  	s16 =	simm.s32 $0x40;
	[sflag:s14] =	ssyncset.done $0x0  }
0x2e: {  	s17 =	simm.s32 $0x100;
	s18 =	simm.s32 $0x1900;
	[sflag:s14] =	ssyncadd.s32 $0xFFFFFFD0  }
0x2f: {  	s19 =	simm.s32 $0x80;
	s20 =	simm.s32 $0xC0;
	[bflag:$0x0] =	sbarrier.arrive $0xFFFF  }
0x30: {  	s21 =	simm.s32 $0x2500;
	s22 =	simm.s32 $0x3D00;
	s23 =	simm.s32 $0x1;
	v2 =	vld [tilespmem:$0x6100]  }
0x31: {  	s24 =	simm.s32 $0x2;
	s25 =	simm.s32 $0x4900;
	s28 =	simm.s32 $0x4;
	v1 =	vld [tilespmem:$0x6110]  }
0x32: {  	s29 =	simm.s32 $0x5500;
	s30 =	simm.s32 $0x0;
	s26 =	simm.s32 $0x3;
	v0 =	vld [tilespmem:$0x6120]  }
.LBB2_4:
0x33: {  	s0 =	sshll.u32 s30, $0x1;
	p1 =	seq.s32 s30, $0x0  }
0x34: {  	s0 =	sadd.s32 s0, s13;
	s5 =	simm.s32 @!p1 $0x5  }
0x35: {  	_ =	swait.ge @!p1 [sflag:s5], $0xC00;
	s31 =	sshll.u32 s0, $0x3  }
0x36: {  	[sflag:s5] =	ssyncset.done @!p1 $0x0;
	s31 =	sand.u32 $0x1FFFFFF8, s31  }
0x37: {  	[sflag:s5] =	ssyncadd.s32 @!p1 $0xFFFFF400;
	s6 =	sadd.s32 s11, s31  }
0x38: {  	[tilespmem:s15], [sflag:$0x7] =	stream.linear.gather [hbm4b:s6+s15], $0x40, $0x38;
	[tilespmem:$0xFD60] =	vst v63  }
0x39: {  	_ =	swait.ge [sflag:s14], $0x40  }
0x3a: {  	[sflag:s14] =	ssyncset.done $0x0  }
0x3b: {  	s6 =	sadd.s32 s9, s31;
	[sflag:s14] =	ssyncadd.s32 $0xFFFFFFC0  }
0x3c: {  	[tilespmem:s16], [sflag:$0x7] =	stream.linear.gather [hbm4b:s6+s15], $0x40, $0x38;
	[tilespmem:$0xFD60] =	vst v63  }
0x3d: {  	_ =	swait.ge [sflag:s14], $0x40  }
0x3e: {  	[sflag:s14] =	ssyncset.done $0x0  }
0x3f: {  	[sflag:s14] =	ssyncadd.s32 $0xFFFFFFC0  }
0x40: {  	[tilespmem:s17], [sflag:$0x1] =	stream.indirect.gather [hbm4b:s7+s16], $0x60, s15, s16, $0xb8;
	[tilespmem:$0xFD60] =	vst v63  }
0x41: {  	s0 =	sshll.u32 s0, $0x6;
	s5 =	simm.s32 @!p1 $0x6  }
0x42: {  	[tilespmem:s18], [sflag:$0x2] =	stream.indirect.gather [hbm4b:s8+s16], $0x30, s16, s16, $0xb8;
	[tilespmem:$0xFD60] =	vst v63  }
0x43: {  	s0 =	sadd.s32 $0x40, s0;
	_ =	swait.ge @!p1 [sflag:s5], $0xC00  }
0x44: {  	s0 =	sshrl.u32 s0, $0x3;
	[sflag:s5] =	ssyncset.done @!p1 $0x0  }
0x45: {  	s6 =	sadd.s32 s11, s0;
	[sflag:s5] =	ssyncadd.s32 @!p1 $0xFFFFF400  }
0x46: {  	[tilespmem:s19], [sflag:$0x7] =	stream.linear.gather [hbm4b:s6+s15], $0x40, $0x38;
	[tilespmem:$0xFD60] =	vst v63  }
0x47: {  	_ =	swait.ge [sflag:s14], $0x40  }
0x48: {  	[sflag:s14] =	ssyncset.done $0x0  }
0x49: {  	s0 =	sadd.s32 s9, s0;
	[sflag:s14] =	ssyncadd.s32 $0xFFFFFFC0  }
0x4a: {  	[tilespmem:s20], [sflag:$0x7] =	stream.linear.gather [hbm4b:s0+s15], $0x40, $0x38;
	[tilespmem:$0xFD60] =	vst v63  }
0x4b: {  	_ =	swait.ge [sflag:s14], $0x40  }
0x4c: {  	[sflag:s14] =	ssyncset.done $0x0  }
0x4d: {  	[sflag:s14] =	ssyncadd.s32 $0xFFFFFFC0  }
0x4e: {  	[tilespmem:s21], [sflag:$0x3] =	stream.indirect.gather [hbm4b:s7+s16], $0x60, s19, s16, $0xb8;
	[tilespmem:$0xFD60] =	vst v63  }
0x4f: {  	_ = 	snop  }
0x50: {  	[tilespmem:s22], [sflag:$0x4] =	stream.indirect.gather [hbm4b:s8+s16], $0x30, s20, s16, $0xb8;
	[tilespmem:$0xFD60] =	vst v63  }
0x51: {  	_ =	swait.ge [sflag:s23], $0x1800  }
0x52: {  	[sflag:s23] =	ssyncset.done $0x0  }
0x53: {  	[sflag:s23] =	ssyncadd.s32 $0xFFFFE800  }
0x54: {  	_ =	swait.ge [sflag:s24], $0xC00  }
0x55: {  	[sflag:s24] =	ssyncset.done $0x0  }
0x56: {  	s31 =	simm.s32 $0x0;
	[sflag:s24] =	ssyncadd.s32 $0xFFFFF400  }
0x57: {  	s5 =	simm.s32 $0xC0;
	s0 =	simm.s32 $0x130;
	v3 =	vld [tilespmem:s31+$0x1900]  }
.LBB2_5:
0x58: {  	p1 =	sne.s32 s5, $0x2F40;
	v4 =	vld [tilespmem:s0+$0x0]  }
0x59: {  	v5 =	vld [tilespmem:s0+$0xFFFFFFD0];
	_ =	sdelay $0x3  }
0x5a: {  	v3 =	vadd.f32 v3, v4;
	_ =	sdelay $0x1  }
0x5b: {  	v4 =	vmul.f32 $2.000000030e-01, v3;
	_ =	sdelay $0x1  }
0x5c: {  	v3 =	vmax.f32 v3, v4  }
0x5d: {  	v3 =	vsub.f32 v3, v2;
	_ =	sdelay $0x1  }
0x5e: {  	v3 =	vmul.f32 $1.442695020e+00, v3;
	_ =	sdelay $0x1  }
0x5f: {  	(erf) = vpow2.f32 v3;
	_ =	sdelay $0x8  }
0x60: {  	v3 =	vpop (erf)  }
0x61: {  	v3 =	vmul.f32 v3, v5;
	_ =	sdelay $0x1  }
0x62: {  	[tilespmem:s31+$0x4900] =	vst v3;
	v3 =	vld [tilespmem:s31+$0x1910]  }
0x63: {  	v4 =	vld [tilespmem:s0+$0x10];
	_ =	sdelay $0x4  }
0x64: {  	v3 =	vadd.f32 v3, v4;
	_ =	sdelay $0x1  }
0x65: {  	v4 =	vmul.f32 $2.000000030e-01, v3;
	_ =	sdelay $0x1  }
0x66: {  	v3 =	vmax.f32 v3, v4  }
0x67: {  	v3 =	vsub.f32 v3, v1;
	_ =	sdelay $0x1  }
0x68: {  	v3 =	vmul.f32 $1.442695020e+00, v3;
	_ =	sdelay $0x1  }
0x69: {  	(erf) = vpow2.f32 v3;
	_ =	sdelay $0x4  }
0x6a: {  	v3 =	vld [tilespmem:s0+$0xFFFFFFE0];
	_ =	sdelay $0x3  }
0x6b: {  	v4 =	vpop (erf)  }
0x6c: {  	v3 =	vmul.f32 v4, v3;
	_ =	sdelay $0x1  }
0x6d: {  	[tilespmem:s31+$0x4910] =	vst v3;
	v3 =	vld [tilespmem:s31+$0x1920]  }
0x6e: {  	v4 =	vld [tilespmem:s0+$0x20]  }
0x6f: {  	v5 =	vld [tilespmem:s0+$0xFFFFFFF0];
	_ =	sdelay $0x3  }
0x70: {  	v3 =	vadd.f32 v3, v4;
	_ =	sdelay $0x1  }
0x71: {  	v4 =	vmul.f32 $2.000000030e-01, v3;
	_ =	sdelay $0x1  }
0x72: {  	v3 =	vmax.f32 v3, v4  }
0x73: {  	v3 =	vsub.f32 v3, v0;
	_ =	sdelay $0x1  }
0x74: {  	v3 =	vmul.f32 $1.442695020e+00, v3;
	_ =	sdelay $0x1  }
0x75: {  	(erf) = vpow2.f32 v3;
	_ =	sdelay $0x7  }
.Ltmp2:
0x76: {  	(pc) =	sbr.rel @p1 .LBB2_5-.Ltmp2, $4  }
0x77: {  	v3 =	vpop (erf)  }
0x78: {  	v4 =	vmul.f32 v3, v5  }
0x79: {  	s6 =	sshra.s32 s5, $0x2  }
0x7a: {  	s5 =	sadd.s32 $0xC0, s5;
	s0 =	sadd.s32 $0x60, s0;
	v3 =	vld [tilespmem:s6+$0x1900];
	[tilespmem:s31+$0x4920] =	vst v4;
	s31 =	smov.u32 s6  }
0x7b: {  	v4 =	vld [tilespmem:s0+$0x0];
	_ =	sdelay $0x4  }
0x7c: {  	v3 =	vadd.f32 v3, v4;
	_ =	sdelay $0x1  }
0x7d: {  	v4 =	vmul.f32 $2.000000030e-01, v3;
	_ =	sdelay $0x1  }
0x7e: {  	v3 =	vmax.f32 v3, v4  }
0x7f: {  	v3 =	vsub.f32 v3, v2;
	_ =	sdelay $0x1  }
0x80: {  	v3 =	vmul.f32 $1.442695020e+00, v3;
	_ =	sdelay $0x1  }
0x81: {  	(erf) = vpow2.f32 v3;
	_ =	sdelay $0x4  }
0x82: {  	v3 =	vld [tilespmem:s0+$0xFFFFFFD0];
	_ =	sdelay $0x3  }
0x83: {  	v4 =	vpop (erf)  }
0x84: {  	v3 =	vmul.f32 v4, v3;
	_ =	sdelay $0x1  }
0x85: {  	[tilespmem:s31+$0x4900] =	vst v3;
	v3 =	vld [tilespmem:s31+$0x1910]  }
0x86: {  	v4 =	vld [tilespmem:s0+$0x10];
	_ =	sdelay $0x4  }
0x87: {  	v3 =	vadd.f32 v3, v4;
	_ =	sdelay $0x1  }
0x88: {  	v4 =	vmul.f32 $2.000000030e-01, v3;
	_ =	sdelay $0x1  }
0x89: {  	v3 =	vmax.f32 v3, v4  }
0x8a: {  	v3 =	vsub.f32 v3, v1;
	_ =	sdelay $0x1  }
0x8b: {  	v3 =	vmul.f32 $1.442695020e+00, v3;
	_ =	sdelay $0x1  }
0x8c: {  	(erf) = vpow2.f32 v3;
	_ =	sdelay $0x4  }
0x8d: {  	v3 =	vld [tilespmem:s0+$0xFFFFFFE0];
	_ =	sdelay $0x3  }
0x8e: {  	v4 =	vpop (erf)  }
0x8f: {  	v3 =	vmul.f32 v4, v3;
	_ =	sdelay $0x1  }
0x90: {  	[tilespmem:s31+$0x4910] =	vst v3;
	v3 =	vld [tilespmem:s31+$0x1920]  }
0x91: {  	v4 =	vld [tilespmem:s0+$0x20];
	_ =	sdelay $0x4  }
0x92: {  	v3 =	vadd.f32 v3, v4;
	_ =	sdelay $0x1  }
0x93: {  	v4 =	vmul.f32 $2.000000030e-01, v3;
	_ =	sdelay $0x1  }
0x94: {  	v3 =	vmax.f32 v3, v4  }
0x95: {  	v3 =	vsub.f32 v3, v0;
	_ =	sdelay $0x1  }
0x96: {  	v3 =	vmul.f32 $1.442695020e+00, v3;
	_ =	sdelay $0x1  }
0x97: {  	(erf) = vpow2.f32 v3;
	_ =	sdelay $0x4  }
0x98: {  	v3 =	vld [tilespmem:s0+$0xFFFFFFF0];
	_ =	sdelay $0x3  }
0x99: {  	v4 =	vpop (erf)  }
0x9a: {  	v3 =	vmul.f32 v4, v3;
	_ =	sdelay $0x1  }
0x9b: {  	[tilespmem:s31+$0x4920] =	vst v3  }
0x9c: {  	[spmem:s2] =	stream.indirect.scatter.add.f32 [tilespmem:s25], [sflag:$0x5], $0x30, s16, s16, $0xb8;
	[tilespmem:$0xFD60] =	vst v63  }
0x9d: {  	_ =	swait.ge [sflag:s26], $0x1800  }
0x9e: {  	[sflag:s26] =	ssyncset.done $0x0  }
0x9f: {  	[sflag:s26] =	ssyncadd.s32 $0xFFFFE800  }
0xa0: {  	_ =	swait.ge [sflag:s28], $0xC00  }
0xa1: {  	[sflag:s28] =	ssyncset.done $0x0  }
0xa2: {  	s31 =	simm.s32 $0x0;
	[sflag:s28] =	ssyncadd.s32 $0xFFFFF400  }
0xa3: {  	s5 =	simm.s32 $0xC0;
	s0 =	simm.s32 $0x2530;
	v3 =	vld [tilespmem:s31+$0x3D00]  }
.LBB2_7:
0xa4: {  	p1 =	sne.s32 s5, $0x2F40;
	v4 =	vld [tilespmem:s0+$0x0]  }
0xa5: {  	v5 =	vld [tilespmem:s0+$0xFFFFFFD0];
	_ =	sdelay $0x3  }
0xa6: {  	v3 =	vadd.f32 v3, v4;
	_ =	sdelay $0x1  }
0xa7: {  	v4 =	vmul.f32 $2.000000030e-01, v3;
	_ =	sdelay $0x1  }
0xa8: {  	v3 =	vmax.f32 v3, v4  }
0xa9: {  	v3 =	vsub.f32 v3, v2;
	_ =	sdelay $0x1  }
0xaa: {  	v3 =	vmul.f32 $1.442695020e+00, v3;
	_ =	sdelay $0x1  }
0xab: {  	(erf) = vpow2.f32 v3;
	_ =	sdelay $0x8  }
0xac: {  	v3 =	vpop (erf)  }
0xad: {  	v3 =	vmul.f32 v3, v5;
	_ =	sdelay $0x1  }
0xae: {  	[tilespmem:s31+$0x5500] =	vst v3;
	v3 =	vld [tilespmem:s31+$0x3D10]  }
0xaf: {  	v4 =	vld [tilespmem:s0+$0x10];
	_ =	sdelay $0x4  }
0xb0: {  	v3 =	vadd.f32 v3, v4;
	_ =	sdelay $0x1  }
0xb1: {  	v4 =	vmul.f32 $2.000000030e-01, v3;
	_ =	sdelay $0x1  }
0xb2: {  	v3 =	vmax.f32 v3, v4  }
0xb3: {  	v3 =	vsub.f32 v3, v1;
	_ =	sdelay $0x1  }
0xb4: {  	v3 =	vmul.f32 $1.442695020e+00, v3;
	_ =	sdelay $0x1  }
0xb5: {  	(erf) = vpow2.f32 v3;
	_ =	sdelay $0x4  }
0xb6: {  	v3 =	vld [tilespmem:s0+$0xFFFFFFE0];
	_ =	sdelay $0x3  }
0xb7: {  	v4 =	vpop (erf)  }
0xb8: {  	v3 =	vmul.f32 v4, v3;
	_ =	sdelay $0x1  }
0xb9: {  	[tilespmem:s31+$0x5510] =	vst v3;
	v3 =	vld [tilespmem:s31+$0x3D20]  }
0xba: {  	v4 =	vld [tilespmem:s0+$0x20]  }
0xbb: {  	v5 =	vld [tilespmem:s0+$0xFFFFFFF0];
	_ =	sdelay $0x3  }
0xbc: {  	v3 =	vadd.f32 v3, v4;
	_ =	sdelay $0x1  }
0xbd: {  	v4 =	vmul.f32 $2.000000030e-01, v3;
	_ =	sdelay $0x1  }
0xbe: {  	v3 =	vmax.f32 v3, v4  }
0xbf: {  	v3 =	vsub.f32 v3, v0;
	_ =	sdelay $0x1  }
0xc0: {  	v3 =	vmul.f32 $1.442695020e+00, v3;
	_ =	sdelay $0x1  }
0xc1: {  	(erf) = vpow2.f32 v3;
	_ =	sdelay $0x7  }
.Ltmp3:
0xc2: {  	(pc) =	sbr.rel @p1 .LBB2_7-.Ltmp3, $4  }
0xc3: {  	v3 =	vpop (erf)  }
0xc4: {  	v4 =	vmul.f32 v3, v5  }
0xc5: {  	s6 =	sshra.s32 s5, $0x2  }
0xc6: {  	s5 =	sadd.s32 $0xC0, s5;
	s0 =	sadd.s32 $0x60, s0;
	v3 =	vld [tilespmem:s6+$0x3D00];
	[tilespmem:s31+$0x5520] =	vst v4;
	s31 =	smov.u32 s6  }
0xc7: {  	v4 =	vld [tilespmem:s0+$0x0];
	_ =	sdelay $0x4  }
0xc8: {  	v3 =	vadd.f32 v3, v4;
	_ =	sdelay $0x1  }
0xc9: {  	v4 =	vmul.f32 $2.000000030e-01, v3;
	_ =	sdelay $0x1  }
0xca: {  	v3 =	vmax.f32 v3, v4  }
0xcb: {  	v3 =	vsub.f32 v3, v2;
	_ =	sdelay $0x1  }
0xcc: {  	v3 =	vmul.f32 $1.442695020e+00, v3;
	_ =	sdelay $0x1  }
0xcd: {  	(erf) = vpow2.f32 v3;
	_ =	sdelay $0x4  }
0xce: {  	v3 =	vld [tilespmem:s0+$0xFFFFFFD0];
	_ =	sdelay $0x3  }
0xcf: {  	v59 =	vpop (erf)  }
0xd0: {  	v3 =	vmul.f32 v59, v3;
	_ =	sdelay $0x1  }
0xd1: {  	[tilespmem:s31+$0x5500] =	vst v3;
	v3 =	vld [tilespmem:s31+$0x3D10]  }
0xd2: {  	v60 =	vld [tilespmem:s0+$0x10];
	_ =	sdelay $0x4  }
0xd3: {  	v3 =	vadd.f32 v3, v60;
	_ =	sdelay $0x1  }
0xd4: {  	v4 =	vmul.f32 $2.000000030e-01, v3;
	_ =	sdelay $0x1  }
0xd5: {  	v3 =	vmax.f32 v3, v4  }
0xd6: {  	v3 =	vsub.f32 v3, v1;
	_ =	sdelay $0x1  }
0xd7: {  	v3 =	vmul.f32 $1.442695020e+00, v3;
	_ =	sdelay $0x1  }
0xd8: {  	(erf) = vpow2.f32 v3;
	_ =	sdelay $0x4  }
0xd9: {  	v3 =	vld [tilespmem:s0+$0xFFFFFFE0];
	_ =	sdelay $0x3  }
0xda: {  	v61 =	vpop (erf)  }
0xdb: {  	v3 =	vmul.f32 v61, v3;
	_ =	sdelay $0x1  }
0xdc: {  	[tilespmem:s31+$0x5510] =	vst v3;
	v3 =	vld [tilespmem:s31+$0x3D20]  }
0xdd: {  	v62 =	vld [tilespmem:s0+$0x20];
	_ =	sdelay $0x4  }
0xde: {  	v3 =	vadd.f32 v3, v62;
	_ =	sdelay $0x1  }
0xdf: {  	v4 =	vmul.f32 $2.000000030e-01, v3;
	_ =	sdelay $0x1  }
0xe0: {  	v3 =	vmax.f32 v3, v4  }
0xe1: {  	v3 =	vsub.f32 v3, v0;
	_ =	sdelay $0x1  }
0xe2: {  	v3 =	vmul.f32 $1.442695020e+00, v3;
	_ =	sdelay $0x1  }
0xe3: {  	(erf) = vpow2.f32 v3;
	_ =	sdelay $0x4  }
0xe4: {  	v3 =	vld [tilespmem:s0+$0xFFFFFFF0];
	_ =	sdelay $0x1  }
0xe5: {  	s30 =	sadd.s32 $0x1, s30  }
0xe6: {  	p1 =	sne.s32 s30, $0x9C  }
.Ltmp4:
0xe7: {  	v63 =	vpop (erf);
	(pc) =	sbr.rel @p1 .LBB2_4-.Ltmp4, $3  }
0xe8: {  	v3 =	vmul.f32 v63, v3;
	_ =	sdelay $0x1  }
0xe9: {  	[tilespmem:s31+$0x5520] =	vst v3  }
0xea: {  	[spmem:s2] =	stream.indirect.scatter.add.f32 [tilespmem:s29], [sflag:$0x6], $0x30, s20, s16, $0xb8;
	[tilespmem:$0xFD60] =	vst v63  }
0xeb: {  	s0 =	simm.s32 $0x5  }
0xec: {  	p1 =	sgt.u32 s1, $0x7;
	_ =	swait.ge [sflag:s0], $0xC00  }
.Ltmp5:
0xed: {  	[sflag:s0] =	ssyncset.done $0x0;
	(pc) =	sbr.rel @p1 .LBB2_13-.Ltmp5, $4  }
0xee: {  	s31 =	simm.s32 $0x6;
	[sflag:s0] =	ssyncadd.s32 $0xFFFFF400  }
0xef: {  	_ =	swait.ge [sflag:s31], $0xC00  }
0xf0: {  	[sflag:s31] =	ssyncset.done $0x0  }
0xf1: {  	[sflag:s31] =	ssyncadd.s32 $0xFFFFF400  }
0xf2: {  	s0 =	simm.s32 $0x0;
	s5 =	simm.s32 $0x7  }
0xf3: {  	[tilespmem:s0], [sflag:$0x7] =	stream.linear.gather [hbm4b:s12+s0], $0x40, $0x38;
	[tilespmem:$0xFD60] =	vst v63  }
0xf4: {  	_ =	swait.ge [sflag:s5], $0x40  }
0xf5: {  	[sflag:s5] =	ssyncset.done $0x0  }
0xf6: {  	s6 =	simm.s32 $0x40;
	[sflag:s5] =	ssyncadd.s32 $0xFFFFFFC0  }
0xf7: {  	[tilespmem:s6], [sflag:$0x7] =	stream.linear.gather [hbm4b:s10+s0], $0x40, $0x38;
	[tilespmem:$0xFD60] =	vst v63  }
0xf8: {  	_ =	swait.ge [sflag:s5], $0x40  }
0xf9: {  	[sflag:s5] =	ssyncset.done $0x0  }
0xfa: {  	s28 =	simm.s32 $0x100;
	[sflag:s5] =	ssyncadd.s32 $0xFFFFFFC0  }
0xfb: {  	[tilespmem:s28], [sflag:$0x1] =	stream.indirect.gather [hbm4b:s7+s6], $0x60, s0, s6, $0xb8;
	[tilespmem:$0xFD60] =	vst v63  }
0xfc: {  	s29 =	simm.s32 $0x1900;
	s30 =	simm.s32 $0x1  }
0xfd: {  	[tilespmem:s29], [sflag:$0x2] =	stream.indirect.gather [hbm4b:s8+s6], $0x30, s6, s6, $0xb8;
	[tilespmem:$0xFD60] =	vst v63  }
0xfe: {  	_ =	swait.ge [sflag:s30], $0x1800  }
0xff: {  	[sflag:s30] =	ssyncset.done $0x0  }
0x100: {  	s31 =	simm.s32 $0x2;
	[sflag:s30] =	ssyncadd.s32 $0xFFFFE800  }
0x101: {  	_ =	swait.ge [sflag:s31], $0xC00  }
0x102: {  	[sflag:s31] =	ssyncset.done $0x0  }
0x103: {  	s7 =	simm.s32 $0x0;
	[sflag:s31] =	ssyncadd.s32 $0xFFFFF400  }
0x104: {  	s5 =	simm.s32 $0xC0;
	s0 =	simm.s32 $0x130;
	v3 =	vld [tilespmem:s7+$0x1900]  }
.LBB2_11:
0x105: {  	p1 =	sne.s32 s5, $0x2F40;
	v4 =	vld [tilespmem:s0+$0x0]  }
0x106: {  	v5 =	vld [tilespmem:s0+$0xFFFFFFD0];
	_ =	sdelay $0x3  }
0x107: {  	v3 =	vadd.f32 v3, v4;
	_ =	sdelay $0x1  }
0x108: {  	v4 =	vmul.f32 $2.000000030e-01, v3;
	_ =	sdelay $0x1  }
0x109: {  	v3 =	vmax.f32 v3, v4  }
0x10a: {  	v3 =	vsub.f32 v3, v2;
	_ =	sdelay $0x1  }
0x10b: {  	v3 =	vmul.f32 $1.442695020e+00, v3;
	_ =	sdelay $0x1  }
0x10c: {  	(erf) = vpow2.f32 v3;
	_ =	sdelay $0x8  }
0x10d: {  	v3 =	vpop (erf)  }
0x10e: {  	v3 =	vmul.f32 v3, v5;
	_ =	sdelay $0x1  }
0x10f: {  	[tilespmem:s7+$0x4900] =	vst v3;
	v3 =	vld [tilespmem:s7+$0x1910]  }
0x110: {  	v4 =	vld [tilespmem:s0+$0x10];
	_ =	sdelay $0x4  }
0x111: {  	v3 =	vadd.f32 v3, v4;
	_ =	sdelay $0x1  }
0x112: {  	v4 =	vmul.f32 $2.000000030e-01, v3;
	_ =	sdelay $0x1  }
0x113: {  	v3 =	vmax.f32 v3, v4  }
0x114: {  	v3 =	vsub.f32 v3, v1;
	_ =	sdelay $0x1  }
0x115: {  	v3 =	vmul.f32 $1.442695020e+00, v3;
	_ =	sdelay $0x1  }
0x116: {  	(erf) = vpow2.f32 v3;
	_ =	sdelay $0x4  }
0x117: {  	v3 =	vld [tilespmem:s0+$0xFFFFFFE0];
	_ =	sdelay $0x3  }
0x118: {  	v4 =	vpop (erf)  }
0x119: {  	v3 =	vmul.f32 v4, v3;
	_ =	sdelay $0x1  }
0x11a: {  	[tilespmem:s7+$0x4910] =	vst v3;
	v3 =	vld [tilespmem:s7+$0x1920]  }
0x11b: {  	v4 =	vld [tilespmem:s0+$0x20]  }
0x11c: {  	v5 =	vld [tilespmem:s0+$0xFFFFFFF0];
	_ =	sdelay $0x3  }
0x11d: {  	v3 =	vadd.f32 v3, v4;
	_ =	sdelay $0x1  }
0x11e: {  	v4 =	vmul.f32 $2.000000030e-01, v3;
	_ =	sdelay $0x1  }
0x11f: {  	v3 =	vmax.f32 v3, v4  }
0x120: {  	v3 =	vsub.f32 v3, v0;
	_ =	sdelay $0x1  }
0x121: {  	v3 =	vmul.f32 $1.442695020e+00, v3;
	_ =	sdelay $0x1  }
0x122: {  	(erf) = vpow2.f32 v3;
	_ =	sdelay $0x7  }
.Ltmp6:
0x123: {  	(pc) =	sbr.rel @p1 .LBB2_11-.Ltmp6, $4  }
0x124: {  	v3 =	vpop (erf)  }
0x125: {  	v4 =	vmul.f32 v3, v5  }
0x126: {  	s6 =	sshra.s32 s5, $0x2  }
0x127: {  	s5 =	sadd.s32 $0xC0, s5;
	s0 =	sadd.s32 $0x60, s0;
	v3 =	vld [tilespmem:s6+$0x1900];
	[tilespmem:s7+$0x4920] =	vst v4;
	s7 =	smov.u32 s6  }
0x128: {  	v4 =	vld [tilespmem:s0+$0x0];
	_ =	sdelay $0x4  }
0x129: {  	v3 =	vadd.f32 v3, v4;
	_ =	sdelay $0x1  }
0x12a: {  	v4 =	vmul.f32 $2.000000030e-01, v3;
	_ =	sdelay $0x1  }
0x12b: {  	v3 =	vmax.f32 v3, v4  }
0x12c: {  	v2 =	vsub.f32 v3, v2;
	_ =	sdelay $0x1  }
0x12d: {  	v2 =	vmul.f32 $1.442695020e+00, v2;
	_ =	sdelay $0x1  }
0x12e: {  	(erf) = vpow2.f32 v2;
	_ =	sdelay $0x4  }
0x12f: {  	v54 =	vld [tilespmem:s0+$0xFFFFFFD0];
	_ =	sdelay $0x3  }
0x130: {  	v55 =	vpop (erf)  }
0x131: {  	v2 =	vmul.f32 v55, v54;
	_ =	sdelay $0x1  }
0x132: {  	v56 =	vld [tilespmem:s7+$0x1910];
	[tilespmem:s7+$0x4900] =	vst v2  }
0x133: {  	v57 =	vld [tilespmem:s0+$0x10];
	_ =	sdelay $0x4  }
0x134: {  	v2 =	vadd.f32 v56, v57;
	_ =	sdelay $0x1  }
0x135: {  	v3 =	vmul.f32 $2.000000030e-01, v2;
	_ =	sdelay $0x1  }
0x136: {  	v2 =	vmax.f32 v2, v3  }
0x137: {  	v1 =	vsub.f32 v2, v1;
	_ =	sdelay $0x1  }
0x138: {  	v1 =	vmul.f32 $1.442695020e+00, v1;
	_ =	sdelay $0x1  }
0x139: {  	(erf) = vpow2.f32 v1;
	_ =	sdelay $0x4  }
0x13a: {  	v58 =	vld [tilespmem:s0+$0xFFFFFFE0];
	_ =	sdelay $0x3  }
0x13b: {  	v59 =	vpop (erf)  }
0x13c: {  	v1 =	vmul.f32 v59, v58;
	_ =	sdelay $0x1  }
0x13d: {  	v60 =	vld [tilespmem:s7+$0x1920];
	[tilespmem:s7+$0x4910] =	vst v1  }
0x13e: {  	v61 =	vld [tilespmem:s0+$0x20];
	_ =	sdelay $0x4  }
0x13f: {  	v1 =	vadd.f32 v60, v61;
	_ =	sdelay $0x1  }
0x140: {  	v2 =	vmul.f32 $2.000000030e-01, v1;
	_ =	sdelay $0x1  }
0x141: {  	v1 =	vmax.f32 v1, v2  }
0x142: {  	v0 =	vsub.f32 v1, v0;
	_ =	sdelay $0x1  }
0x143: {  	v0 =	vmul.f32 $1.442695020e+00, v0;
	_ =	sdelay $0x1  }
0x144: {  	(erf) = vpow2.f32 v0;
	_ =	sdelay $0x4  }
0x145: {  	v62 =	vld [tilespmem:s0+$0xFFFFFFF0];
	_ =	sdelay $0x3  }
0x146: {  	v63 =	vpop (erf)  }
0x147: {  	v0 =	vmul.f32 v63, v62;
	_ =	sdelay $0x1  }
0x148: {  	s30 =	simm.s32 $0x40;
	s5 =	simm.s32 $0x4900;
	s31 =	simm.s32 $0x5;
	[tilespmem:s7+$0x4920] =	vst v0  }
0x149: {  	[spmem:s2] =	stream.indirect.scatter.add.f32 [tilespmem:s5], [sflag:$0x5], $0x30, s30, s30, $0xb8;
	[tilespmem:$0xFD60] =	vst v63  }
0x14a: {  	_ =	swait.ge [sflag:s31], $0xC00  }
0x14b: {  	[sflag:s31] =	ssyncset.done $0x0  }
0x14c: {  	[sflag:s31] =	ssyncadd.s32 $0xFFFFF400  }
.LBB2_13:
0x14d: {  	s0 =	sshll.u32 s1, $0x6;
	[bflag:$0x0] =	sbarrier.arrive $0xFFFF;
	s2 =	sshrl.u32 s3, $0x3  }
0x14e: {  	s31 =	simm.s32 $0x7;
	s0 =	sor.u32 $0x1C07, s0;
	s30 =	rddreg [dreg:$0x5]  }
0x14f: {  	[hbm:s30], [sflag:s0] =	dma.local [spmem:s2], $0xEA0  }
0x150: {  	_ =	swait.ge [sflag:s31], $0xEA0  }
0x151: {  	[sflag:s31] =	ssyncset.done $0x0  }
0x152: {  	s2 =	sshrl.u32 @!p0 s4, $0x3;
	s3 =	rddreg [dreg:$0x4];
	[sflag:s31] =	ssyncadd.s32 $0xFFFFF160  }
0x153: {  	[hbm:s3], [sflag:s0] =	dma.local @!p0 [spmem:s2], $0x60  }
0x154: {  	s0 =	simm.s32 @!p0 $0x7  }
0x155: {  	_ =	swait.ge @!p0 [sflag:s0], $0x60  }
0x156: {  	[sflag:s0] =	ssyncset.done @!p0 $0x0  }
0x157: {  	[sflag:s0] =	ssyncadd.s32 @!p0 $0xFFFFFFA0  }
0x158: {  	s3 =	rddreg [dreg:$0x3]  }
.LBB2_14:
0x159: {  	_ =	sfence.sel $0x180000  }
0x15a: {  	[bflag:$0x0] =	sbarrier.arrive $0xFFFF  }
0x15b: {  	p0 =	sne.s32 s1, $0x0;
	_ =	strace $0x9000004A  }
0x15c: {  	s0 =	sadd.s32 @!p0 $0x100000, s3;
	[bflag:$0x2] =	sbarrier.arrive $0xFFFF  }
0x15d: {  	[sflag:s0] =	ssyncadd.tile.s32 @!p0 $0x1;
	_ =	shalt  }
.Lfunc_end2:
_tile_overlayer_lowered:
.L_overlay_start_2:
0x15e: {  	(tag) =	ssettag $0x2  }
0x15f: {  	s0 =	rddreg [dreg:$0x0];
	s2 =	stileid.u32  }
0x160: {  	s1 =	rddreg [dreg:$0x1];
	p0 =	sne.s32 s2, $0x0  }
0x161: {  	s3 =	rddreg [dreg:$0x2];
	[bflag:$0x3] =	sbarrier.arrive $0xFFFF;
	s2 =	simm.s32 @!p0 $0x1C07  }
0x162: {  	[timem:s3], [sflag:s2] =	dma.local @!p0 [hbm:s0], s1  }
0x163: {  	s0 =	simm.s32 @!p0 $0x7  }
0x164: {  	_ =	swait.ge @!p0 [sflag:s0], s1  }
0x165: {  	s1 =	ssub.s32 @!p0 $0x0, s1;
	[sflag:s0] =	ssyncset.done @!p0 $0x0  }
0x166: {  	[sflag:s0] =	ssyncadd.s32 @!p0 s1  }
0x167: {  	[bflag:$0x3] =	sbarrier.arrive $0xFFFF  }
0x168: {  	_ =	shalt  }

// kernel: kernel.7.cloned.1.call-start
scs
__scs_entry_jumppad:
0x0: {  	(pc) =	sbr.rel $0x88, $3  }
0x1: {  	(tag) =	ssettag $0x0;
	lr =	simm.s32 $0x1  }
0x2: {  	[smem:$0x3F97] =	sst lr;
	_ =	strace $0xD0000000  }
0x3: {  	_ = 	snop  }
0x4: {  	_ = 	snop  }
0x5: {  	_ = 	snop  }
0x6: {  	_ = 	snop  }
0x7: {  	_ = 	snop  }
__scs_overlays_trampoline_lowered:
0x8: {  	[smem:$0x3FA6] =	sst s0  }
0x9: {  	[smem:$0x3FA7] =	sst s1  }
0xa: {  	[smem:$0x3FA8] =	sst s2  }
0xb: {  	[smem:$0x3FA9] =	sst s3  }
0xc: {  	[smem:$0x3FAA] =	sst s4  }
0xd: {  	[smem:$0x3FAB] =	sst s5  }
0xe: {  	[smem:$0x3FAC] =	sst s6  }
0xf: {  	[smem:$0x3FAD] =	sst s7  }
0x10: {  	[smem:$0x3FAE] =	sst s8  }
0x11: {  	[smem:$0x3FAF] =	sst s9;
	s0 =	simm.s32 @!p0 $0x0  }
0x12: {  	s1 =	sld [smem:$0x3F95];
	s0 =	simm.s32 @p0 $0x1  }
0x13: {  	[smem:$0x3FB0] =	sst s0;
	s0 =	simm.s32 @!p1 $0x0  }
0x14: {  	s2 =	sld [smem:$0x3F94];
	s0 =	simm.s32 @p1 $0x1  }
0x15: {  	[smem:$0x3FB1] =	sst s0;
	s0 =	simm.s32 @!p2 $0x0  }
0x16: {  	s3 =	sld [smem:$0x3FDB];
	s0 =	simm.s32 @p2 $0x1  }
0x17: {  	s4 =	simm.s32 $0x1BF5;
	[smem:$0x3FB3] =	sst s0  }
0x18: {  	s0 =	sld [smem:$0x3F96];
	_ =	swait.ge [sflag:s4], $0x0  }
0x19: {  	s7 =	sld [smem:$0x3F97]  }
0x1a: {  	s8 =	sadd.s32 $0xFFFFE003, lr  }
0x1b: {  	s9 =	sadd.s32 $0xFFFFFEF7, lr;
	s5 =	simm.s32 $0xFFFFFFFF;
	p2 =	slt.u32 s8, $0xFFFFF086  }
0x1c: {  	p1 =	slt.u32 s9, $0xF7A;
	s5 =	simm.s32 @!p2 $0x0  }
0x1d: {  	s5 =	simm.s32 @p1 $0x1;
	p0 =	seq.s32 s7, s2  }
0x1e: {  	s7 =	smul.u32 @!p0 $0xF7A, s2;
	p2 =	seq.s32 @!p0 s5, $0x0  }
0x1f: {  	s9 =	smul.u32 $0xF7A, s1;
	s8 =	simm.s32 @!p0 $0x1BF5;
	p2 =	por !p2, p0  }
0x20: {  	[sflag:s8] =	ssyncset.s32 @!p0 $0xFFFFF086;
	s6 =	sadd.s32 @!p0 s3, s7;
	s7 =	simm.s32 @!p0 $0x108  }
0x21: {  	s3 =	sadd.s32 s3, s9;
	s6 =	sadd.s32 @!p0 $0x88, s6;
	s7 =	simm.s32 @p2 $0x1082  }
0x22: {  	[simem:s7], [sflag:s8] =	dma.local @!p0 [hbm:s6], $0xF7A  }
0x23: {  	s9 =	sor.u32 $0xD0000000, s2;
	s6 =	simm.s32 $0x108;
	_ =	swait.ge @!p0 [sflag:s8], $0x0  }
0x24: {  	s3 =	sadd.s32 $0x88, s3;
	s6 =	simm.s32 @!p1 $0x1082;
	[sflag:s4] =	ssyncset.s32 $0xFFFFF086  }
0x25: {  	[simem:s6], [sflag:s4] =	dma.local [hbm:s3], $0xF7A  }
0x26: {  	[smem:$0x3F97] =	sst s1;
	(tag) =	ssettag s2;
	_ =	strace s9  }
0x27: {  	s1 =	sld [smem:$0x3FA7]  }
0x28: {  	s2 =	sld [smem:$0x3FA8]  }
0x29: {  	s4 =	sld [smem:$0x3FAA]  }
0x2a: {  	p0 =	seq.s32 s5, $0x0;
	s5 =	sld [smem:$0x3FAB]  }
0x2b: {  	s6 =	sld [smem:$0x3FAC]  }
0x2c: {  	s7 =	sld [smem:$0x3FAD]  }
0x2d: {  	s3 =	simm.s32 $0x108;
	s8 =	sld [smem:$0x3FAE]  }
0x2e: {  	s3 =	simm.s32 @!p0 $0x1082;
	s9 =	sld [smem:$0x3FAF]  }
0x2f: {  	lr =	sadd.s32 s0, s3;
	s0 =	sld [smem:$0x3FA6]  }
0x30: {  	s3 =	sld [smem:$0x3FA9]  }
0x31: {  	[smem:$0x3FB2] =	sst s10  }
0x32: {  	s10 =	sld [smem:$0x3FB0];
	_ =	sdelay $0x3  }
0x33: {  	p0 =	seq.s32 s10, $0x1;
	s10 =	sld [smem:$0x3FB2];
	_ =	sdelay $0x3  }
0x34: {  	[smem:$0x3FB2] =	sst s10  }
0x35: {  	s10 =	sld [smem:$0x3FB1];
	_ =	sdelay $0x3  }
0x36: {  	p1 =	seq.s32 s10, $0x1;
	s10 =	sld [smem:$0x3FB2];
	_ =	sdelay $0x3  }
0x37: {  	[smem:$0x3FB2] =	sst s10  }
0x38: {  	s10 =	sld [smem:$0x3FB3]  }
0x39: {  	_ = 	snop;
	(pc) =	sbr.ind lr, $3  }
0x3a: {  	_ = 	snop  }
0x3b: {  	_ = 	snop  }
0x3c: {  	p2 =	seq.s32 s10, $0x1;
	s10 =	sld [smem:$0x3FB2]  }
0x3d: {  	_ =	shalt  }
0x3e: {  	_ =	shalt  }
0x3f: {  	_ =	shalt  }
0x40: {  	_ =	shalt  }
0x41: {  	_ =	shalt  }
0x42: {  	_ =	shalt  }
0x43: {  	_ =	shalt  }
0x44: {  	_ =	shalt  }
0x45: {  	_ =	shalt  }
0x46: {  	_ =	shalt  }
0x47: {  	_ =	shalt  }
0x48: {  	_ =	shalt  }
0x49: {  	_ =	shalt  }
0x4a: {  	_ =	shalt  }
0x4b: {  	_ =	shalt  }
0x4c: {  	_ =	shalt  }
0x4d: {  	_ =	shalt  }
0x4e: {  	_ =	shalt  }
0x4f: {  	_ =	shalt  }
0x50: {  	_ =	shalt  }
0x51: {  	_ =	shalt  }
0x52: {  	_ =	shalt  }
0x53: {  	_ =	shalt  }
0x54: {  	_ =	shalt  }
0x55: {  	_ =	shalt  }
0x56: {  	_ =	shalt  }
0x57: {  	_ =	shalt  }
0x58: {  	_ =	shalt  }
0x59: {  	_ =	shalt  }
0x5a: {  	_ =	shalt  }
0x5b: {  	_ =	shalt  }
0x5c: {  	_ =	shalt  }
0x5d: {  	_ =	shalt  }
0x5e: {  	_ =	shalt  }
0x5f: {  	_ =	shalt  }
0x60: {  	_ =	shalt  }
0x61: {  	_ =	shalt  }
0x62: {  	_ =	shalt  }
0x63: {  	_ =	shalt  }
0x64: {  	_ =	shalt  }
0x65: {  	_ =	shalt  }
0x66: {  	_ =	shalt  }
0x67: {  	_ =	shalt  }
0x68: {  	_ =	shalt  }
0x69: {  	_ =	shalt  }
0x6a: {  	_ =	shalt  }
0x6b: {  	_ =	shalt  }
0x6c: {  	_ =	shalt  }
0x6d: {  	_ =	shalt  }
0x6e: {  	_ =	shalt  }
0x6f: {  	_ =	shalt  }
0x70: {  	_ =	shalt  }
0x71: {  	_ =	shalt  }
0x72: {  	_ =	shalt  }
0x73: {  	_ =	shalt  }
0x74: {  	_ =	shalt  }
0x75: {  	_ =	shalt  }
0x76: {  	_ =	shalt  }
0x77: {  	_ =	shalt  }
0x78: {  	_ =	shalt  }
0x79: {  	_ =	shalt  }
0x7a: {  	_ =	shalt  }
0x7b: {  	_ =	shalt  }
0x7c: {  	_ =	shalt  }
0x7d: {  	_ =	shalt  }
0x7e: {  	_ =	shalt  }
0x7f: {  	_ =	shalt  }
0x80: {  	_ =	shalt  }
0x81: {  	_ =	shalt  }
0x82: {  	_ =	shalt  }
0x83: {  	_ =	shalt  }
0x84: {  	_ =	shalt  }
0x85: {  	_ =	shalt  }
0x86: {  	_ =	shalt  }
0x87: {  	_ =	shalt  }
.Lfunc_end0:
.L_simem_size_0:
called_computation_lowered:
.L_overlay_start_0:
0x88: {  	s2 =	sld [smem:$0x3FD9]  }
0x89: {  	s3 =	sld [smem:$0x3FFE];
	_ =	sdelay $0x1  }
0x8a: {  	s1 =	srdreg.scid  }
0x8b: {  	s0 =	sand.u32 $0x1, s1  }
0x8c: {  	s17 =	sshll.u32 s0, $0xA;
	s2 =	sadd.s32 s3, s2  }
0x8d: {  	s2 =	sadd.s32 s2, s17  }
0x8e: {  	[smem:$0x3FBE] =	sst s2  }
0x8f: {  	_ = 	snop  }
0x90: {  	s2 =	sld [smem:$0x3FD0];
	(tm) =	ssettm $0x1  }
0x91: {  	s18 =	sld [smem:$0x3FFB];
	_ =	sdelay $0x3  }
0x92: {  	_ =	strace s18  }
0x93: {  	s3 =	sld [smem:$0x3FFC];
	_ =	sdelay $0x3  }
0x94: {  	_ =	strace s3  }
0x95: {  	s3 =	sld [smem:$0x3FFD];
	_ =	sdelay $0x3  }
0x96: {  	_ =	strace s3  }
0x97: {  	_ =	strace $0x8FFFFFFF  }
0x98: {  	s19 =	sld [smem:$0x3FDB];
	_ =	sdelay $0x1  }
0x99: {  	s4 =	simm.s32 $_scs_section_size  }
0x9a: {  	s5 =	simm.s32 $_size__tile_overlayer_lowered;
	s6 =	simm.s32 $_tile_overlayer_lowered  }
0x9b: {  	s22 =	simm.s32 $0x1BFF;
	s21 =	sshll.u32 s6, $0x1;
	s3 =	sadd.s32 s4, s19  }
0x9c: {  	s7 =	simm.s32 $0x0;
	s20 =	sshll.u32 s5, $0x1;
	s5 =	sadd.s32 s21, s3  }
0x9d: {  	[timem:s7], [sflag:s22] =	dma.local [hbm:s5], s20  }
0x9e: {  	_ =	swait.ge [sflag:s22], s20  }
0x9f: {  	s4 =	ssub.s32 $0x0, s20;
	[sflag:s22] =	ssyncset.done $0x0  }
0xa0: {  	[sflag:s22] =	ssyncadd.s32 s4;
	_ =	sdelay $0x1  }
0xa1: {  	s23 =	simm.s32 $0x1B8B  }
0xa2: {  	_ =	swait.ge [sflag:s23], $0x1  }
0xa3: {  	[sflag:s23] =	ssyncset.done $0x0  }
0xa4: {  	s25 =	simm.s32 $0x1B8E;
	s24 =	sld [smem:$0x3FFE];
	[sflag:s23] =	ssyncadd.s32 $0xFFFFFFFF  }
0xa5: {  	s26 =	simm.s32 $execute0_lowered;
	[smem:$0x3FD2] =	sst s25  }
0xa6: {  	s5 =	sshll.u32 s26, $0x1;
	_ =	strace $0x80000046;
	[dreg:$0x1] =	wrdreg $0xFFFFFFFF  }
0xa7: {  	s28 =	simm.s32 $_size_execute0_lowered;
	s3 =	sadd.s32 s3, s5;
	[dreg:$0x0] =	wrdreg $0x0  }
0xa8: {  	s5 =	sshll.u32 s28, $0x1;
	[dreg:$0x2] =	wrdreg s3  }
0xa9: {  	[dreg:$0x3] =	wrdreg s5  }
0xaa: {  	[dreg:$0x4] =	wrdreg $0xC0  }
0xab: {  	_ =	task [dreg:s7], $0x5FFFF  }
0xac: {  	[dreg:$0x1] =	wrdreg $0xFFFFFFFF  }
0xad: {  	[dreg:$0x0] =	wrdreg $0x60  }
0xae: {  	[dreg:$0x2] =	wrdreg s24  }
0xaf: {  	[dreg:$0x3] =	wrdreg s2  }
0xb0: {  	[dreg:$0x4] =	wrdreg $0xB8C00  }
0xb1: {  	[dreg:$0x5] =	wrdreg $0x9  }
0xb2: {  	_ =	task.clear_ibuf [dreg:s7], $0x6FFFF;
	_ =	strace $0x90000046  }
0xb3: {  	s29 =	simm.s32 $0x9;
	_ =	strace $0x80000048  }
0xb4: {  	_ =	swait.ge [sflag:s29], $0x1  }
0xb5: {  	[sflag:s29] =	ssyncadd.s32 $0xFFFFFFFF  }
0xb6: {  	_ =	strace $0x90000048  }
0xb7: {  	_ =	sfence  }
0xb8: {  	s30 =	sld [smem:$0x0];
	_ =	sdelay $0x2  }
0xb9: {  	s31 =	sshll.u32 s1, $0xD;
	s1 =	sshrl.u32 s1, $0x2  }
0xba: {  	s3 =	sand.u32 $0x4000, s31;
	s1 =	sadd.s32 s1, s30  }
0xbb: {  	s0 =	sor.u32 s3, s0;
	s1 =	sshll.u32 s1, $0x11  }
0xbc: {  	s0 =	sor.u32 s1, s0  }
0xbd: {  	s0 =	sadd.s32 $0x8F2B, s0  }
0xbe: {  	[sflag:s0] =	ssyncadd.remote.s32 $0x1  }
0xbf: {  	_ =	sfence.sel $0xFFFF  }
0xc0: {  	[dreg:$0x0] =	wrdreg $0xFFFFFFFF;
	(pc) =	sbr.abs _section_cstart, $3  }
0xc1: {  	[dreg:$0x1] =	wrdreg $0xFFFFFFFF  }
0xc2: {  	_ =	task.clear_ibuf [dreg:s7], $0x2FFFF;
	_ =	strace $0x9FFFFFFF  }
0xc3: {  	(tm) =	ssettm $0x7FFFFFFF  }
tec
execute0_lowered:
.L_overlay_start_1:
0x0: {  	(tag) =	ssettag $0x1  }
0x1: {  	s0 =	srdreg.scid  }
0x2: {  	s0 =	sand.u32 $0x1, s0  }
0x3: {  	p0 =	seq.s32 s0, $0x1  }
.Ltmp0:
0x4: {  	s14 =	rddreg [dreg:$0x0];
	(pc) =	sbr.rel @p0 .LBB2_12-.Ltmp0, $4  }
0x5: {  	s9 =	rddreg [dreg:$0x1]  }
0x6: {  	s2 =	rddreg [dreg:$0x2];
	s1 =	simm.s32 $0x0  }
0x7: {  	[smem:$0x7FF] =	sst s1  }
0x8: {  	s3 =	rddreg [dreg:$0x3];
	s1 =	stileid.u32;
	_ =	strace $0x80000047  }
0x9: {  	s3 =	smul.u32 $0x13800, s1;
	s7 =	sadd.s32 $0xB600, s14  }
0xa: {  	s4 =	smul.u32 $0x4E000, s1;
	s8 =	sadd.s32 $0x59C00, s14;
	s11 =	sadd.s32 $0x1800, s14  }
0xb: {  	s0 =	sadd.s32 $0x59A00, s14;
	s10 =	smul.u32 $0x4E20, s1;
	s31 =	sadd.s32 $0x94600, s14  }
0xc: {  	s13 =	smul.u32 $0x9C4, s1;
	[dreg:$0x4] =	wrdreg s31;
	s5 =	sshrl.u32 s3, $0x3  }
0xd: {  	s6 =	sshrl.u32 s4, $0x2;
	s4 =	sadd.s32 s3, s2;
	s29 =	sshrl.u32 s10, $0x3  }
0xe: {  	s3 =	sadd.s32 $0x138000, s2;
	s16 =	sadd.s32 s5, s14;
	s28 =	sadd.s32 s6, s2  }
0xf: {  	s6 =	sadd.s32 $0x9C0, s29;
	s14 =	simm.s32 $0x0;
	s15 =	sadd.s32 $0x6800, s28  }
0x10: {  	s5 =	sadd.s32 $0xD000, s28;
	s12 =	sadd.s32 s11, s6;
	s30 =	sadd.s32 $0x6D600, s16  }
0x11: {  	v0 =	vimm.f32 $0.0e+00;
	s10 =	sadd.s32 s9, s6;
	s16 =	simm.s32 $0x200;
	[dreg:$0x5] =	wrdreg s30  }
.LBB2_2:
0x12: {  	p0 =	sne.s32 s16, $0x19E00;
	[tilespmem:s14+$0x50F0] =	vst v0;
	s17 =	smov.u32 s16;
	s16 =	sadd.s32 $0x200, s16  }
.Ltmp1:
0x13: {  	[tilespmem:s14+$0x50E0] =	vst v0;
	(pc) =	sbr.rel @p0 .LBB2_2-.Ltmp1, $3  }
0x14: {  	[tilespmem:s14+$0x50C0] =	vst v0  }
0x15: {  	[tilespmem:s14+$0x50D0] =	vst v0;
	_ =	sdelay $0x1  }
0x16: {  	s14 =	sshra.s32 s17, $0x2  }
0x17: {  	[tilespmem:s14+$0x50F0] =	vst v0  }
0x18: {  	[tilespmem:s14+$0x50E0] =	vst v0  }
0x19: {  	[tilespmem:s14+$0x50C0] =	vst v0  }
0x1a: {  	[tilespmem:s14+$0x50D0] =	vst v0;
	s16 =	simm.s32 $0x50C0;
	s14 =	simm.s32 $0x7  }
0x1b: {  	[spmem:s4] =	stream.linear.scatter [tilespmem:s16], [sflag:$0x7], $0x6800, $0x38;
	[tilespmem:$0x1F140] =	vst v63  }
0x1c: {  	_ =	swait.ge [sflag:s14], $0x6800  }
0x1d: {  	[sflag:s14] =	ssyncset.done $0x0  }
0x1e: {  	[sflag:s14] =	ssyncadd.s32 $0xFFFF9800  }
0x1f: {  	[spmem:s15] =	stream.linear.scatter [tilespmem:s16], [sflag:$0x7], $0x6800, $0x38;
	[tilespmem:$0x1F140] =	vst v63  }
0x20: {  	_ =	swait.ge [sflag:s14], $0x6800  }
0x21: {  	[sflag:s14] =	ssyncset.done $0x0  }
0x22: {  	[sflag:s14] =	ssyncadd.s32 $0xFFFF9800  }
0x23: {  	[spmem:s5] =	stream.linear.scatter [tilespmem:s16], [sflag:$0x7], $0x6800, $0x38;
	[tilespmem:$0x1F140] =	vst v63  }
0x24: {  	_ =	swait.ge [sflag:s14], $0x6800  }
0x25: {  	p0 =	sne.s32 s1, $0xF;
	[sflag:s14] =	ssyncset.done $0x0  }
0x26: {  	s5 =	simm.s32 @!p0 $0x50C0;
	[sflag:s14] =	ssyncadd.s32 $0xFFFF9800  }
0x27: {  	[spmem:s3] =	stream.linear.scatter @!p0 [tilespmem:s5], [sflag:$0x7], $0x800, $0x38;
	[tilespmem:$0x1F140] =	vst v63  }
0x28: {  	s5 =	simm.s32 @!p0 $0x7  }
0x29: {  	_ =	swait.ge @!p0 [sflag:s5], $0x800  }
0x2a: {  	[sflag:s5] =	ssyncset.done @!p0 $0x0  }
0x2b: {  	s31 =	simm.s32 $0x5080;
	s15 =	simm.s32 $0x0;
	[sflag:s5] =	ssyncadd.s32 @!p0 $0xFFFFF800  }
0x2c: {  	[tilespmem:s31], [sflag:$0x7] =	stream.linear.gather [hbm4b:s0+s15], $0x40, $0x38;
	[tilespmem:$0x1F140] =	vst v63  }
0x2d: {  	_ =	swait.ge [sflag:s14], $0x40  }
0x2e: {  	[sflag:s14] =	ssyncset.done $0x0  }
0x2f: {  	[sflag:s14] =	ssyncadd.s32 $0xFFFFFFC0  }
0x30: {  	s17 =	simm.s32 $0x80;
	s18 =	simm.s32 $0x1080;
	[bflag:$0x0] =	sbarrier.arrive $0xFFFF  }
0x31: {  	s19 =	simm.s32 $0x40;
	s20 =	simm.s32 $0x60;
	s21 =	simm.s32 $0x1880;
	v3 =	vld [tilespmem:$0x5080]  }
0x32: {  	s22 =	simm.s32 $0x2880;
	s23 =	simm.s32 $0x1;
	s24 =	simm.s32 $0x2;
	v2 =	vld [tilespmem:$0x5090]  }
0x33: {  	s25 =	simm.s32 $0x3080;
	s26 =	simm.s32 $0x3;
	s28 =	simm.s32 $0x4;
	v1 =	vld [tilespmem:$0x50A0]  }
0x34: {  	s29 =	simm.s32 $0x4080;
	s30 =	simm.s32 $0x0;
	s16 =	simm.s32 $0x20;
	v0 =	vld [tilespmem:$0x50B0]  }
.LBB2_4:
0x35: {  	p1 =	seq.s32 s30, $0x0  }
0x36: {  	s0 =	simm.s32 @!p1 $0x5  }
0x37: {  	s5 =	sshll.u32 s30, $0x3;
	_ =	swait.ge @!p1 [sflag:s0], $0x1000  }
0x38: {  	s5 =	sadd.s32 s13, s5;
	[sflag:s0] =	ssyncset.done @!p1 $0x0  }
0x39: {  	s6 =	sadd.s32 s11, s5;
	[sflag:s0] =	ssyncadd.s32 @!p1 $0xFFFFF000  }
0x3a: {  	[tilespmem:s15], [sflag:$0x7] =	stream.linear.gather [hbm4b:s6+s15], $0x20, $0x38;
	[tilespmem:$0x1F140] =	vst v63  }
0x3b: {  	_ =	swait.ge [sflag:s14], $0x20  }
0x3c: {  	[sflag:s14] =	ssyncset.done $0x0  }
0x3d: {  	s6 =	sadd.s32 s9, s5;
	[sflag:s14] =	ssyncadd.s32 $0xFFFFFFE0  }
0x3e: {  	[tilespmem:s16], [sflag:$0x7] =	stream.linear.gather [hbm4b:s6+s15], $0x20, $0x38;
	[tilespmem:$0x1F140] =	vst v63  }
0x3f: {  	_ =	swait.ge [sflag:s14], $0x20  }
0x40: {  	[sflag:s14] =	ssyncset.done $0x0  }
0x41: {  	[sflag:s14] =	ssyncadd.s32 $0xFFFFFFE0  }
0x42: {  	[tilespmem:s17], [sflag:$0x1] =	stream.indirect.gather [hbm4b:s7+s16], $0x80, s15, s16, $0xb8;
	[tilespmem:$0x1F140] =	vst v63  }
0x43: {  	s0 =	simm.s32 @!p1 $0x6  }
0x44: {  	[tilespmem:s18], [sflag:$0x2] =	stream.indirect.gather [hbm4b:s8+s16], $0x40, s16, s16, $0xb8;
	[tilespmem:$0x1F140] =	vst v63  }
0x45: {  	_ =	swait.ge @!p1 [sflag:s0], $0x1000  }
0x46: {  	s5 =	sadd.s32 $0x4, s5;
	[sflag:s0] =	ssyncset.done @!p1 $0x0  }
0x47: {  	s6 =	sadd.s32 s11, s5;
	[sflag:s0] =	ssyncadd.s32 @!p1 $0xFFFFF000  }
0x48: {  	[tilespmem:s19], [sflag:$0x7] =	stream.linear.gather [hbm4b:s6+s15], $0x20, $0x38;
	[tilespmem:$0x1F140] =	vst v63  }
0x49: {  	_ =	swait.ge [sflag:s14], $0x20  }
0x4a: {  	[sflag:s14] =	ssyncset.done $0x0  }
0x4b: {  	s6 =	sadd.s32 s9, s5;
	[sflag:s14] =	ssyncadd.s32 $0xFFFFFFE0  }
0x4c: {  	[tilespmem:s20], [sflag:$0x7] =	stream.linear.gather [hbm4b:s6+s15], $0x20, $0x38;
	[tilespmem:$0x1F140] =	vst v63  }
0x4d: {  	_ =	swait.ge [sflag:s14], $0x20  }
0x4e: {  	[sflag:s14] =	ssyncset.done $0x0  }
0x4f: {  	[sflag:s14] =	ssyncadd.s32 $0xFFFFFFE0  }
0x50: {  	[tilespmem:s21], [sflag:$0x3] =	stream.indirect.gather [hbm4b:s7+s16], $0x80, s19, s16, $0xb8;
	[tilespmem:$0x1F140] =	vst v63  }
0x51: {  	_ = 	snop  }
0x52: {  	[tilespmem:s22], [sflag:$0x4] =	stream.indirect.gather [hbm4b:s8+s16], $0x40, s20, s16, $0xb8;
	[tilespmem:$0x1F140] =	vst v63  }
0x53: {  	_ =	swait.ge [sflag:s23], $0x1000  }
0x54: {  	[sflag:s23] =	ssyncset.done $0x0  }
0x55: {  	[sflag:s23] =	ssyncadd.s32 $0xFFFFF000  }
0x56: {  	_ =	swait.ge [sflag:s24], $0x800  }
0x57: {  	[sflag:s24] =	ssyncset.done $0x0  }
0x58: {  	s31 =	simm.s32 $0x0;
	[sflag:s24] =	ssyncadd.s32 $0xFFFFF800  }
0x59: {  	s0 =	simm.s32 $0x10A0;
	s5 =	simm.s32 $0x200;
	v4 =	vld [tilespmem:s31+$0xC0]  }
.LBB2_5:
0x5a: {  	p1 =	sne.s32 s5, $0x3E00;
	v5 =	vld [tilespmem:s0+$0xFFFFFFE0];
	_ =	sdelay $0x4  }
0x5b: {  	v4 =	vadd.f32 v5, v4;
	_ =	sdelay $0x1  }
0x5c: {  	v5 =	vmul.f32 $2.000000030e-01, v4;
	_ =	sdelay $0x1  }
0x5d: {  	v4 =	vmax.f32 v4, v5  }
0x5e: {  	v4 =	vsub.f32 v4, v3;
	_ =	sdelay $0x1  }
0x5f: {  	v4 =	vmul.f32 $1.442695020e+00, v4;
	_ =	sdelay $0x1  }
0x60: {  	(erf) = vpow2.f32 v4;
	_ =	sdelay $0x4  }
0x61: {  	v4 =	vld [tilespmem:s31+$0x80];
	_ =	sdelay $0x3  }
0x62: {  	v5 =	vpop (erf)  }
0x63: {  	v4 =	vmul.f32 v5, v4;
	[tilespmem:s31+$0x30C0] =	vst v5;
	_ =	sdelay $0x1  }
0x64: {  	[tilespmem:s31+$0x3080] =	vst v4;
	v4 =	vld [tilespmem:s31+$0xD0]  }
0x65: {  	v5 =	vld [tilespmem:s0+$0xFFFFFFF0];
	_ =	sdelay $0x4  }
0x66: {  	v4 =	vadd.f32 v5, v4;
	_ =	sdelay $0x1  }
0x67: {  	v5 =	vmul.f32 $2.000000030e-01, v4;
	_ =	sdelay $0x1  }
0x68: {  	v4 =	vmax.f32 v4, v5  }
0x69: {  	v4 =	vsub.f32 v4, v2;
	_ =	sdelay $0x1  }
0x6a: {  	v4 =	vmul.f32 $1.442695020e+00, v4;
	_ =	sdelay $0x1  }
0x6b: {  	(erf) = vpow2.f32 v4;
	_ =	sdelay $0x4  }
0x6c: {  	v4 =	vld [tilespmem:s31+$0x90];
	_ =	sdelay $0x3  }
0x6d: {  	v5 =	vpop (erf)  }
0x6e: {  	v4 =	vmul.f32 v5, v4;
	[tilespmem:s31+$0x30D0] =	vst v5;
	_ =	sdelay $0x1  }
0x6f: {  	[tilespmem:s31+$0x3090] =	vst v4;
	v4 =	vld [tilespmem:s31+$0xE0]  }
0x70: {  	v5 =	vld [tilespmem:s0+$0x0];
	_ =	sdelay $0x4  }
0x71: {  	v4 =	vadd.f32 v5, v4;
	_ =	sdelay $0x1  }
0x72: {  	v5 =	vmul.f32 $2.000000030e-01, v4;
	_ =	sdelay $0x1  }
0x73: {  	v4 =	vmax.f32 v4, v5  }
0x74: {  	v4 =	vsub.f32 v4, v1;
	_ =	sdelay $0x1  }
0x75: {  	v4 =	vmul.f32 $1.442695020e+00, v4;
	_ =	sdelay $0x1  }
0x76: {  	(erf) = vpow2.f32 v4;
	_ =	sdelay $0x4  }
0x77: {  	v4 =	vld [tilespmem:s31+$0xA0];
	_ =	sdelay $0x3  }
0x78: {  	v5 =	vpop (erf)  }
0x79: {  	v4 =	vmul.f32 v5, v4;
	[tilespmem:s31+$0x30E0] =	vst v5;
	_ =	sdelay $0x1  }
0x7a: {  	[tilespmem:s31+$0x30A0] =	vst v4;
	v4 =	vld [tilespmem:s31+$0xF0]  }
0x7b: {  	v5 =	vld [tilespmem:s0+$0x10];
	_ =	sdelay $0x4  }
0x7c: {  	v4 =	vadd.f32 v5, v4;
	_ =	sdelay $0x1  }
0x7d: {  	v5 =	vmul.f32 $2.000000030e-01, v4;
	_ =	sdelay $0x1  }
0x7e: {  	v4 =	vmax.f32 v4, v5  }
0x7f: {  	v4 =	vsub.f32 v4, v0;
	_ =	sdelay $0x1  }
0x80: {  	v4 =	vmul.f32 $1.442695020e+00, v4;
	_ =	sdelay $0x1  }
0x81: {  	(erf) = vpow2.f32 v4;
	_ =	sdelay $0x4  }
0x82: {  	v4 =	vld [tilespmem:s31+$0xB0];
	_ =	sdelay $0x2  }
.Ltmp2:
0x83: {  	(pc) =	sbr.rel @p1 .LBB2_5-.Ltmp2, $4  }
0x84: {  	v5 =	vpop (erf)  }
0x85: {  	v6 =	vmul.f32 v5, v4;
	[tilespmem:s31+$0x30F0] =	vst v5  }
0x86: {  	s6 =	sshra.s32 s5, $0x2  }
0x87: {  	s5 =	sadd.s32 $0x200, s5;
	s0 =	sadd.s32 $0x40, s0;
	v4 =	vld [tilespmem:s6+$0xC0];
	[tilespmem:s31+$0x30B0] =	vst v6;
	s31 =	smov.u32 s6  }
0x88: {  	v5 =	vld [tilespmem:s0+$0xFFFFFFE0];
	_ =	sdelay $0x4  }
0x89: {  	v4 =	vadd.f32 v5, v4;
	_ =	sdelay $0x1  }
0x8a: {  	v5 =	vmul.f32 $2.000000030e-01, v4;
	_ =	sdelay $0x1  }
0x8b: {  	v4 =	vmax.f32 v4, v5  }
0x8c: {  	v4 =	vsub.f32 v4, v3;
	_ =	sdelay $0x1  }
0x8d: {  	v4 =	vmul.f32 $1.442695020e+00, v4;
	_ =	sdelay $0x1  }
0x8e: {  	(erf) = vpow2.f32 v4;
	_ =	sdelay $0x4  }
0x8f: {  	v4 =	vld [tilespmem:s31+$0x80];
	_ =	sdelay $0x3  }
0x90: {  	v5 =	vpop (erf)  }
0x91: {  	v4 =	vmul.f32 v5, v4  }
0x92: {  	[tilespmem:s31+$0x30C0] =	vst v5  }
0x93: {  	[tilespmem:s31+$0x3080] =	vst v4;
	v4 =	vld [tilespmem:s31+$0xD0]  }
0x94: {  	v5 =	vld [tilespmem:s0+$0xFFFFFFF0];
	_ =	sdelay $0x4  }
0x95: {  	v4 =	vadd.f32 v5, v4;
	_ =	sdelay $0x1  }
0x96: {  	v5 =	vmul.f32 $2.000000030e-01, v4;
	_ =	sdelay $0x1  }
0x97: {  	v4 =	vmax.f32 v4, v5  }
0x98: {  	v4 =	vsub.f32 v4, v2;
	_ =	sdelay $0x1  }
0x99: {  	v4 =	vmul.f32 $1.442695020e+00, v4;
	_ =	sdelay $0x1  }
0x9a: {  	(erf) = vpow2.f32 v4;
	_ =	sdelay $0x4  }
0x9b: {  	v4 =	vld [tilespmem:s31+$0x90];
	_ =	sdelay $0x3  }
0x9c: {  	v5 =	vpop (erf)  }
0x9d: {  	v4 =	vmul.f32 v5, v4  }
0x9e: {  	[tilespmem:s31+$0x30D0] =	vst v5  }
0x9f: {  	[tilespmem:s31+$0x3090] =	vst v4;
	v4 =	vld [tilespmem:s31+$0xE0]  }
0xa0: {  	v5 =	vld [tilespmem:s0+$0x0];
	_ =	sdelay $0x4  }
0xa1: {  	v4 =	vadd.f32 v5, v4;
	_ =	sdelay $0x1  }
0xa2: {  	v5 =	vmul.f32 $2.000000030e-01, v4;
	_ =	sdelay $0x1  }
0xa3: {  	v4 =	vmax.f32 v4, v5  }
0xa4: {  	v4 =	vsub.f32 v4, v1;
	_ =	sdelay $0x1  }
0xa5: {  	v4 =	vmul.f32 $1.442695020e+00, v4;
	_ =	sdelay $0x1  }
0xa6: {  	(erf) = vpow2.f32 v4;
	_ =	sdelay $0x4  }
0xa7: {  	v4 =	vld [tilespmem:s31+$0xA0];
	_ =	sdelay $0x3  }
0xa8: {  	v5 =	vpop (erf)  }
0xa9: {  	v4 =	vmul.f32 v5, v4  }
0xaa: {  	[tilespmem:s31+$0x30E0] =	vst v5  }
0xab: {  	[tilespmem:s31+$0x30A0] =	vst v4;
	v4 =	vld [tilespmem:s31+$0xF0]  }
0xac: {  	v5 =	vld [tilespmem:s0+$0x10];
	_ =	sdelay $0x4  }
0xad: {  	v4 =	vadd.f32 v5, v4;
	_ =	sdelay $0x1  }
0xae: {  	v5 =	vmul.f32 $2.000000030e-01, v4;
	_ =	sdelay $0x1  }
0xaf: {  	v4 =	vmax.f32 v4, v5  }
0xb0: {  	v4 =	vsub.f32 v4, v0;
	_ =	sdelay $0x1  }
0xb1: {  	v4 =	vmul.f32 $1.442695020e+00, v4;
	_ =	sdelay $0x1  }
0xb2: {  	(erf) = vpow2.f32 v4;
	_ =	sdelay $0x4  }
0xb3: {  	v4 =	vld [tilespmem:s31+$0xB0];
	_ =	sdelay $0x3  }
0xb4: {  	v5 =	vpop (erf)  }
0xb5: {  	v4 =	vmul.f32 v5, v4  }
0xb6: {  	[tilespmem:s31+$0x30F0] =	vst v5  }
0xb7: {  	[tilespmem:s31+$0x30B0] =	vst v4  }
0xb8: {  	[spmem:s2] =	stream.indirect.scatter.add.f32 [tilespmem:s25], [sflag:$0x5], $0x80, s16, s16, $0xb8;
	[tilespmem:$0x1F140] =	vst v63  }
0xb9: {  	_ =	swait.ge [sflag:s26], $0x1000  }
0xba: {  	[sflag:s26] =	ssyncset.done $0x0  }
0xbb: {  	[sflag:s26] =	ssyncadd.s32 $0xFFFFF000  }
0xbc: {  	_ =	swait.ge [sflag:s28], $0x800  }
0xbd: {  	[sflag:s28] =	ssyncset.done $0x0  }
0xbe: {  	s31 =	simm.s32 $0x0;
	[sflag:s28] =	ssyncadd.s32 $0xFFFFF800  }
0xbf: {  	s5 =	simm.s32 $0x200;
	s0 =	simm.s32 $0x28A0;
	v4 =	vld [tilespmem:s31+$0x18C0]  }
.LBB2_7:
0xc0: {  	p1 =	sne.s32 s5, $0x3E00;
	v5 =	vld [tilespmem:s0+$0xFFFFFFE0];
	_ =	sdelay $0x4  }
0xc1: {  	v4 =	vadd.f32 v5, v4;
	_ =	sdelay $0x1  }
0xc2: {  	v5 =	vmul.f32 $2.000000030e-01, v4;
	_ =	sdelay $0x1  }
0xc3: {  	v4 =	vmax.f32 v4, v5  }
0xc4: {  	v4 =	vsub.f32 v4, v3;
	_ =	sdelay $0x1  }
0xc5: {  	v4 =	vmul.f32 $1.442695020e+00, v4;
	_ =	sdelay $0x1  }
0xc6: {  	(erf) = vpow2.f32 v4;
	_ =	sdelay $0x4  }
0xc7: {  	v4 =	vld [tilespmem:s31+$0x1880];
	_ =	sdelay $0x3  }
0xc8: {  	v5 =	vpop (erf)  }
0xc9: {  	v4 =	vmul.f32 v5, v4;
	[tilespmem:s31+$0x40C0] =	vst v5;
	_ =	sdelay $0x1  }
0xca: {  	[tilespmem:s31+$0x4080] =	vst v4;
	v4 =	vld [tilespmem:s31+$0x18D0]  }
0xcb: {  	v5 =	vld [tilespmem:s0+$0xFFFFFFF0];
	_ =	sdelay $0x4  }
0xcc: {  	v4 =	vadd.f32 v5, v4;
	_ =	sdelay $0x1  }
0xcd: {  	v5 =	vmul.f32 $2.000000030e-01, v4;
	_ =	sdelay $0x1  }
0xce: {  	v4 =	vmax.f32 v4, v5  }
0xcf: {  	v4 =	vsub.f32 v4, v2;
	_ =	sdelay $0x1  }
0xd0: {  	v4 =	vmul.f32 $1.442695020e+00, v4;
	_ =	sdelay $0x1  }
0xd1: {  	(erf) = vpow2.f32 v4;
	_ =	sdelay $0x4  }
0xd2: {  	v4 =	vld [tilespmem:s31+$0x1890];
	_ =	sdelay $0x3  }
0xd3: {  	v5 =	vpop (erf)  }
0xd4: {  	v4 =	vmul.f32 v5, v4;
	[tilespmem:s31+$0x40D0] =	vst v5;
	_ =	sdelay $0x1  }
0xd5: {  	[tilespmem:s31+$0x4090] =	vst v4;
	v4 =	vld [tilespmem:s31+$0x18E0]  }
0xd6: {  	v5 =	vld [tilespmem:s0+$0x0];
	_ =	sdelay $0x4  }
0xd7: {  	v4 =	vadd.f32 v5, v4;
	_ =	sdelay $0x1  }
0xd8: {  	v5 =	vmul.f32 $2.000000030e-01, v4;
	_ =	sdelay $0x1  }
0xd9: {  	v4 =	vmax.f32 v4, v5  }
0xda: {  	v4 =	vsub.f32 v4, v1;
	_ =	sdelay $0x1  }
0xdb: {  	v4 =	vmul.f32 $1.442695020e+00, v4;
	_ =	sdelay $0x1  }
0xdc: {  	(erf) = vpow2.f32 v4;
	_ =	sdelay $0x4  }
0xdd: {  	v4 =	vld [tilespmem:s31+$0x18A0];
	_ =	sdelay $0x3  }
0xde: {  	v5 =	vpop (erf)  }
0xdf: {  	v4 =	vmul.f32 v5, v4;
	[tilespmem:s31+$0x40E0] =	vst v5;
	_ =	sdelay $0x1  }
0xe0: {  	[tilespmem:s31+$0x40A0] =	vst v4;
	v4 =	vld [tilespmem:s31+$0x18F0]  }
0xe1: {  	v5 =	vld [tilespmem:s0+$0x10];
	_ =	sdelay $0x4  }
0xe2: {  	v4 =	vadd.f32 v5, v4;
	_ =	sdelay $0x1  }
0xe3: {  	v5 =	vmul.f32 $2.000000030e-01, v4;
	_ =	sdelay $0x1  }
0xe4: {  	v4 =	vmax.f32 v4, v5  }
0xe5: {  	v4 =	vsub.f32 v4, v0;
	_ =	sdelay $0x1  }
0xe6: {  	v4 =	vmul.f32 $1.442695020e+00, v4;
	_ =	sdelay $0x1  }
0xe7: {  	(erf) = vpow2.f32 v4;
	_ =	sdelay $0x4  }
0xe8: {  	v4 =	vld [tilespmem:s31+$0x18B0];
	_ =	sdelay $0x2  }
.Ltmp3:
0xe9: {  	(pc) =	sbr.rel @p1 .LBB2_7-.Ltmp3, $4  }
0xea: {  	v5 =	vpop (erf)  }
0xeb: {  	v6 =	vmul.f32 v5, v4;
	[tilespmem:s31+$0x40F0] =	vst v5  }
0xec: {  	s6 =	sshra.s32 s5, $0x2  }
0xed: {  	s5 =	sadd.s32 $0x200, s5;
	s0 =	sadd.s32 $0x40, s0;
	v4 =	vld [tilespmem:s6+$0x18C0];
	[tilespmem:s31+$0x40B0] =	vst v6;
	s31 =	smov.u32 s6  }
0xee: {  	v5 =	vld [tilespmem:s0+$0xFFFFFFE0];
	_ =	sdelay $0x4  }
0xef: {  	v4 =	vadd.f32 v5, v4;
	_ =	sdelay $0x1  }
0xf0: {  	v5 =	vmul.f32 $2.000000030e-01, v4;
	_ =	sdelay $0x1  }
0xf1: {  	v4 =	vmax.f32 v4, v5  }
0xf2: {  	v4 =	vsub.f32 v4, v3;
	_ =	sdelay $0x1  }
0xf3: {  	v4 =	vmul.f32 $1.442695020e+00, v4;
	_ =	sdelay $0x1  }
0xf4: {  	(erf) = vpow2.f32 v4;
	_ =	sdelay $0x4  }
0xf5: {  	v4 =	vld [tilespmem:s31+$0x1880];
	_ =	sdelay $0x3  }
0xf6: {  	v5 =	vpop (erf)  }
0xf7: {  	v4 =	vmul.f32 v5, v4  }
0xf8: {  	[tilespmem:s31+$0x40C0] =	vst v5  }
0xf9: {  	[tilespmem:s31+$0x4080] =	vst v4;
	v4 =	vld [tilespmem:s31+$0x18D0]  }
0xfa: {  	v5 =	vld [tilespmem:s0+$0xFFFFFFF0];
	_ =	sdelay $0x4  }
0xfb: {  	v4 =	vadd.f32 v5, v4;
	_ =	sdelay $0x1  }
0xfc: {  	v5 =	vmul.f32 $2.000000030e-01, v4;
	_ =	sdelay $0x1  }
0xfd: {  	v4 =	vmax.f32 v4, v5  }
0xfe: {  	v4 =	vsub.f32 v4, v2;
	_ =	sdelay $0x1  }
0xff: {  	v4 =	vmul.f32 $1.442695020e+00, v4;
	_ =	sdelay $0x1  }
0x100: {  	(erf) = vpow2.f32 v4;
	_ =	sdelay $0x4  }
0x101: {  	v4 =	vld [tilespmem:s31+$0x1890];
	_ =	sdelay $0x3  }
0x102: {  	v5 =	vpop (erf)  }
0x103: {  	v4 =	vmul.f32 v5, v4  }
0x104: {  	[tilespmem:s31+$0x40D0] =	vst v5  }
0x105: {  	[tilespmem:s31+$0x4090] =	vst v4;
	v4 =	vld [tilespmem:s31+$0x18E0]  }
0x106: {  	v5 =	vld [tilespmem:s0+$0x0];
	_ =	sdelay $0x4  }
0x107: {  	v4 =	vadd.f32 v5, v4;
	_ =	sdelay $0x1  }
0x108: {  	v5 =	vmul.f32 $2.000000030e-01, v4;
	_ =	sdelay $0x1  }
0x109: {  	v4 =	vmax.f32 v4, v5  }
0x10a: {  	v4 =	vsub.f32 v4, v1;
	_ =	sdelay $0x1  }
0x10b: {  	v4 =	vmul.f32 $1.442695020e+00, v4;
	_ =	sdelay $0x1  }
0x10c: {  	(erf) = vpow2.f32 v4;
	_ =	sdelay $0x4  }
0x10d: {  	v4 =	vld [tilespmem:s31+$0x18A0];
	_ =	sdelay $0x3  }
0x10e: {  	v5 =	vpop (erf)  }
0x10f: {  	v4 =	vmul.f32 v5, v4  }
0x110: {  	[tilespmem:s31+$0x40E0] =	vst v5  }
0x111: {  	[tilespmem:s31+$0x40A0] =	vst v4;
	v4 =	vld [tilespmem:s31+$0x18F0]  }
0x112: {  	v5 =	vld [tilespmem:s0+$0x10];
	_ =	sdelay $0x4  }
0x113: {  	v4 =	vadd.f32 v5, v4;
	_ =	sdelay $0x1  }
0x114: {  	v5 =	vmul.f32 $2.000000030e-01, v4;
	_ =	sdelay $0x1  }
0x115: {  	v4 =	vmax.f32 v4, v5  }
0x116: {  	v4 =	vsub.f32 v4, v0;
	_ =	sdelay $0x1  }
0x117: {  	v4 =	vmul.f32 $1.442695020e+00, v4;
	_ =	sdelay $0x1  }
0x118: {  	(erf) = vpow2.f32 v4;
	_ =	sdelay $0x4  }
0x119: {  	v4 =	vld [tilespmem:s31+$0x18B0];
	_ =	sdelay $0x1  }
0x11a: {  	s30 =	sadd.s32 $0x1, s30  }
0x11b: {  	p1 =	sne.s32 s30, $0x138  }
.Ltmp4:
0x11c: {  	v5 =	vpop (erf);
	(pc) =	sbr.rel @p1 .LBB2_4-.Ltmp4, $4  }
0x11d: {  	v4 =	vmul.f32 v5, v4  }
0x11e: {  	[tilespmem:s31+$0x40F0] =	vst v5  }
0x11f: {  	[tilespmem:s31+$0x40B0] =	vst v4  }
0x120: {  	[spmem:s2] =	stream.indirect.scatter.add.f32 [tilespmem:s29], [sflag:$0x6], $0x80, s20, s16, $0xb8;
	[tilespmem:$0x1F140] =	vst v63  }
0x121: {  	s0 =	simm.s32 $0x5  }
0x122: {  	_ =	swait.ge [sflag:s0], $0x1000  }
0x123: {  	[sflag:s0] =	ssyncset.done $0x0  }
0x124: {  	s25 =	simm.s32 $0x6;
	[sflag:s0] =	ssyncadd.s32 $0xFFFFF000  }
0x125: {  	_ =	swait.ge [sflag:s25], $0x1000  }
0x126: {  	[sflag:s25] =	ssyncset.done $0x0  }
0x127: {  	s26 =	simm.s32 $0x0;
	s5 =	simm.s32 $0x7;
	[sflag:s25] =	ssyncadd.s32 $0xFFFFF000  }
0x128: {  	[tilespmem:s26], [sflag:$0x7] =	stream.linear.gather [hbm4b:s12+s26], $0x20, $0x38;
	[tilespmem:$0x1F140] =	vst v63  }
0x129: {  	_ =	swait.ge [sflag:s5], $0x20  }
0x12a: {  	[sflag:s5] =	ssyncset.done $0x0  }
0x12b: {  	s6 =	simm.s32 $0x20;
	[sflag:s5] =	ssyncadd.s32 $0xFFFFFFE0  }
0x12c: {  	[tilespmem:s6], [sflag:$0x7] =	stream.linear.gather [hbm4b:s10+s26], $0x20, $0x38;
	[tilespmem:$0x1F140] =	vst v63  }
0x12d: {  	_ =	swait.ge [sflag:s5], $0x20  }
0x12e: {  	[sflag:s5] =	ssyncset.done $0x0  }
0x12f: {  	s28 =	simm.s32 $0x80;
	[sflag:s5] =	ssyncadd.s32 $0xFFFFFFE0  }
0x130: {  	[tilespmem:s28], [sflag:$0x1] =	stream.indirect.gather [hbm4b:s7+s6], $0x80, s26, s6, $0xb8;
	[tilespmem:$0x1F140] =	vst v63  }
0x131: {  	s29 =	simm.s32 $0x1080;
	s30 =	simm.s32 $0x1  }
0x132: {  	[tilespmem:s29], [sflag:$0x2] =	stream.indirect.gather [hbm4b:s8+s6], $0x40, s6, s6, $0xb8;
	[tilespmem:$0x1F140] =	vst v63  }
0x133: {  	_ =	swait.ge [sflag:s30], $0x1000  }
0x134: {  	[sflag:s30] =	ssyncset.done $0x0  }
0x135: {  	s31 =	simm.s32 $0x2;
	[sflag:s30] =	ssyncadd.s32 $0xFFFFF000  }
0x136: {  	_ =	swait.ge [sflag:s31], $0x800  }
0x137: {  	[sflag:s31] =	ssyncset.done $0x0  }
0x138: {  	s7 =	simm.s32 $0x0;
	[sflag:s31] =	ssyncadd.s32 $0xFFFFF800  }
0x139: {  	s0 =	simm.s32 $0x10A0;
	s5 =	simm.s32 $0x200;
	v4 =	vld [tilespmem:s7+$0xC0]  }
.LBB2_10:
0x13a: {  	p1 =	sne.s32 s5, $0x3E00;
	v5 =	vld [tilespmem:s0+$0xFFFFFFE0];
	_ =	sdelay $0x4  }
0x13b: {  	v4 =	vadd.f32 v5, v4;
	_ =	sdelay $0x1  }
0x13c: {  	v5 =	vmul.f32 $2.000000030e-01, v4;
	_ =	sdelay $0x1  }
0x13d: {  	v4 =	vmax.f32 v4, v5  }
0x13e: {  	v4 =	vsub.f32 v4, v3;
	_ =	sdelay $0x1  }
0x13f: {  	v4 =	vmul.f32 $1.442695020e+00, v4;
	_ =	sdelay $0x1  }
0x140: {  	(erf) = vpow2.f32 v4;
	_ =	sdelay $0x4  }
0x141: {  	v4 =	vld [tilespmem:s7+$0x80];
	_ =	sdelay $0x3  }
0x142: {  	v5 =	vpop (erf)  }
0x143: {  	v4 =	vmul.f32 v5, v4;
	[tilespmem:s7+$0x30C0] =	vst v5;
	_ =	sdelay $0x1  }
0x144: {  	[tilespmem:s7+$0x3080] =	vst v4;
	v4 =	vld [tilespmem:s7+$0xD0]  }
0x145: {  	v5 =	vld [tilespmem:s0+$0xFFFFFFF0];
	_ =	sdelay $0x4  }
0x146: {  	v4 =	vadd.f32 v5, v4;
	_ =	sdelay $0x1  }
0x147: {  	v5 =	vmul.f32 $2.000000030e-01, v4;
	_ =	sdelay $0x1  }
0x148: {  	v4 =	vmax.f32 v4, v5  }
0x149: {  	v4 =	vsub.f32 v4, v2;
	_ =	sdelay $0x1  }
0x14a: {  	v4 =	vmul.f32 $1.442695020e+00, v4;
	_ =	sdelay $0x1  }
0x14b: {  	(erf) = vpow2.f32 v4;
	_ =	sdelay $0x4  }
0x14c: {  	v4 =	vld [tilespmem:s7+$0x90];
	_ =	sdelay $0x3  }
0x14d: {  	v5 =	vpop (erf)  }
0x14e: {  	v4 =	vmul.f32 v5, v4;
	[tilespmem:s7+$0x30D0] =	vst v5;
	_ =	sdelay $0x1  }
0x14f: {  	[tilespmem:s7+$0x3090] =	vst v4;
	v4 =	vld [tilespmem:s7+$0xE0]  }
0x150: {  	v5 =	vld [tilespmem:s0+$0x0];
	_ =	sdelay $0x4  }
0x151: {  	v4 =	vadd.f32 v5, v4;
	_ =	sdelay $0x1  }
0x152: {  	v5 =	vmul.f32 $2.000000030e-01, v4;
	_ =	sdelay $0x1  }
0x153: {  	v4 =	vmax.f32 v4, v5  }
0x154: {  	v4 =	vsub.f32 v4, v1;
	_ =	sdelay $0x1  }
0x155: {  	v4 =	vmul.f32 $1.442695020e+00, v4;
	_ =	sdelay $0x1  }
0x156: {  	(erf) = vpow2.f32 v4;
	_ =	sdelay $0x4  }
0x157: {  	v4 =	vld [tilespmem:s7+$0xA0];
	_ =	sdelay $0x3  }
0x158: {  	v5 =	vpop (erf)  }
0x159: {  	v4 =	vmul.f32 v5, v4;
	[tilespmem:s7+$0x30E0] =	vst v5;
	_ =	sdelay $0x1  }
0x15a: {  	[tilespmem:s7+$0x30A0] =	vst v4;
	v4 =	vld [tilespmem:s7+$0xF0]  }
0x15b: {  	v5 =	vld [tilespmem:s0+$0x10];
	_ =	sdelay $0x4  }
0x15c: {  	v4 =	vadd.f32 v5, v4;
	_ =	sdelay $0x1  }
0x15d: {  	v5 =	vmul.f32 $2.000000030e-01, v4;
	_ =	sdelay $0x1  }
0x15e: {  	v4 =	vmax.f32 v4, v5  }
0x15f: {  	v4 =	vsub.f32 v4, v0;
	_ =	sdelay $0x1  }
0x160: {  	v4 =	vmul.f32 $1.442695020e+00, v4;
	_ =	sdelay $0x1  }
0x161: {  	(erf) = vpow2.f32 v4;
	_ =	sdelay $0x4  }
0x162: {  	v4 =	vld [tilespmem:s7+$0xB0];
	_ =	sdelay $0x2  }
.Ltmp5:
0x163: {  	(pc) =	sbr.rel @p1 .LBB2_10-.Ltmp5, $4  }
0x164: {  	v5 =	vpop (erf)  }
0x165: {  	v6 =	vmul.f32 v5, v4;
	[tilespmem:s7+$0x30F0] =	vst v5  }
0x166: {  	s6 =	sshra.s32 s5, $0x2  }
0x167: {  	s5 =	sadd.s32 $0x200, s5;
	s0 =	sadd.s32 $0x40, s0;
	v4 =	vld [tilespmem:s6+$0xC0];
	[tilespmem:s7+$0x30B0] =	vst v6;
	s7 =	smov.u32 s6  }
0x168: {  	v5 =	vld [tilespmem:s0+$0xFFFFFFE0];
	_ =	sdelay $0x4  }
0x169: {  	v4 =	vadd.f32 v5, v4;
	_ =	sdelay $0x1  }
0x16a: {  	v5 =	vmul.f32 $2.000000030e-01, v4;
	_ =	sdelay $0x1  }
0x16b: {  	v4 =	vmax.f32 v4, v5  }
0x16c: {  	v3 =	vsub.f32 v4, v3;
	_ =	sdelay $0x1  }
0x16d: {  	v3 =	vmul.f32 $1.442695020e+00, v3;
	_ =	sdelay $0x1  }
0x16e: {  	(erf) = vpow2.f32 v3;
	_ =	sdelay $0x4  }
0x16f: {  	v53 =	vld [tilespmem:s7+$0x80];
	_ =	sdelay $0x3  }
0x170: {  	v54 =	vpop (erf)  }
0x171: {  	v3 =	vmul.f32 v54, v53  }
0x172: {  	[tilespmem:s7+$0x30C0] =	vst v54  }
0x173: {  	v55 =	vld [tilespmem:s7+$0xD0];
	[tilespmem:s7+$0x3080] =	vst v3  }
0x174: {  	v4 =	vld [tilespmem:s0+$0xFFFFFFF0];
	_ =	sdelay $0x4  }
0x175: {  	v3 =	vadd.f32 v4, v55;
	_ =	sdelay $0x1  }
0x176: {  	v4 =	vmul.f32 $2.000000030e-01, v3;
	_ =	sdelay $0x1  }
0x177: {  	v3 =	vmax.f32 v3, v4  }
0x178: {  	v2 =	vsub.f32 v3, v2;
	_ =	sdelay $0x1  }
0x179: {  	v2 =	vmul.f32 $1.442695020e+00, v2;
	_ =	sdelay $0x1  }
0x17a: {  	(erf) = vpow2.f32 v2;
	_ =	sdelay $0x4  }
0x17b: {  	v56 =	vld [tilespmem:s7+$0x90];
	_ =	sdelay $0x3  }
0x17c: {  	v57 =	vpop (erf)  }
0x17d: {  	v2 =	vmul.f32 v57, v56  }
0x17e: {  	[tilespmem:s7+$0x30D0] =	vst v57  }
0x17f: {  	v58 =	vld [tilespmem:s7+$0xE0];
	[tilespmem:s7+$0x3090] =	vst v2  }
0x180: {  	v3 =	vld [tilespmem:s0+$0x0];
	_ =	sdelay $0x4  }
0x181: {  	v2 =	vadd.f32 v3, v58;
	_ =	sdelay $0x1  }
0x182: {  	v3 =	vmul.f32 $2.000000030e-01, v2;
	_ =	sdelay $0x1  }
0x183: {  	v2 =	vmax.f32 v2, v3  }
0x184: {  	v1 =	vsub.f32 v2, v1;
	_ =	sdelay $0x1  }
0x185: {  	v1 =	vmul.f32 $1.442695020e+00, v1;
	_ =	sdelay $0x1  }
0x186: {  	(erf) = vpow2.f32 v1;
	_ =	sdelay $0x4  }
0x187: {  	v59 =	vld [tilespmem:s7+$0xA0];
	_ =	sdelay $0x3  }
0x188: {  	v60 =	vpop (erf)  }
0x189: {  	v1 =	vmul.f32 v60, v59  }
0x18a: {  	[tilespmem:s7+$0x30E0] =	vst v60  }
0x18b: {  	v61 =	vld [tilespmem:s7+$0xF0];
	[tilespmem:s7+$0x30A0] =	vst v1  }
0x18c: {  	v2 =	vld [tilespmem:s0+$0x10];
	_ =	sdelay $0x4  }
0x18d: {  	v1 =	vadd.f32 v2, v61;
	_ =	sdelay $0x1  }
0x18e: {  	v2 =	vmul.f32 $2.000000030e-01, v1;
	_ =	sdelay $0x1  }
0x18f: {  	v1 =	vmax.f32 v1, v2  }
0x190: {  	v0 =	vsub.f32 v1, v0;
	_ =	sdelay $0x1  }
0x191: {  	v0 =	vmul.f32 $1.442695020e+00, v0;
	_ =	sdelay $0x1  }
0x192: {  	(erf) = vpow2.f32 v0;
	_ =	sdelay $0x4  }
0x193: {  	v62 =	vld [tilespmem:s7+$0xB0];
	_ =	sdelay $0x3  }
0x194: {  	v63 =	vpop (erf)  }
0x195: {  	v0 =	vmul.f32 v63, v62  }
0x196: {  	[tilespmem:s7+$0x30F0] =	vst v63  }
0x197: {  	s25 =	simm.s32 $0x20;
	s5 =	simm.s32 $0x3080;
	s26 =	simm.s32 $0x5;
	[tilespmem:s7+$0x30B0] =	vst v0  }
0x198: {  	[spmem:s2] =	stream.indirect.scatter.add.f32 [tilespmem:s5], [sflag:$0x5], $0x80, s25, s25, $0xb8;
	[tilespmem:$0x1F140] =	vst v63  }
0x199: {  	_ =	swait.ge [sflag:s26], $0x1000  }
0x19a: {  	[sflag:s26] =	ssyncset.done $0x0  }
0x19b: {  	[sflag:s26] =	ssyncadd.s32 $0xFFFFF000  }
0x19c: {  	s28 =	sshll.u32 s1, $0x6;
	s29 =	sshrl.u32 s4, $0x3;
	[bflag:$0x0] =	sbarrier.arrive $0xFFFF  }
0x19d: {  	s31 =	simm.s32 $0x7;
	s0 =	sor.u32 $0x1C07, s28;
	s30 =	rddreg [dreg:$0x5]  }
0x19e: {  	[hbm:s30], [sflag:s0] =	dma.local [spmem:s29], $0x2700  }
0x19f: {  	_ =	swait.ge [sflag:s31], $0x2700  }
0x1a0: {  	[sflag:s31] =	ssyncset.done $0x0  }
0x1a1: {  	s2 =	sshrl.u32 @!p0 s3, $0x3;
	s3 =	rddreg [dreg:$0x4];
	[sflag:s31] =	ssyncadd.s32 $0xFFFFD900  }
0x1a2: {  	[hbm:s3], [sflag:s0] =	dma.local @!p0 [spmem:s2], $0x100  }
0x1a3: {  	s0 =	simm.s32 @!p0 $0x7  }
0x1a4: {  	_ =	swait.ge @!p0 [sflag:s0], $0x100  }
0x1a5: {  	[sflag:s0] =	ssyncset.done @!p0 $0x0  }
0x1a6: {  	[sflag:s0] =	ssyncadd.s32 @!p0 $0xFFFFFF00  }
0x1a7: {  	s3 =	rddreg [dreg:$0x3]  }
.LBB2_12:
0x1a8: {  	_ =	sfence.sel $0x180000  }
0x1a9: {  	[bflag:$0x0] =	sbarrier.arrive $0xFFFF  }
0x1aa: {  	p0 =	sne.s32 s1, $0x0;
	_ =	strace $0x90000047  }
0x1ab: {  	s0 =	sadd.s32 @!p0 $0x100000, s3;
	[bflag:$0x2] =	sbarrier.arrive $0xFFFF  }
0x1ac: {  	[sflag:s0] =	ssyncadd.tile.s32 @!p0 $0x1;
	_ =	shalt  }
.Lfunc_end2:
_tile_overlayer_lowered:
.L_overlay_start_2:
0x1ad: {  	(tag) =	ssettag $0x2  }
0x1ae: {  	s0 =	rddreg [dreg:$0x0];
	s2 =	stileid.u32  }
0x1af: {  	s1 =	rddreg [dreg:$0x1];
	p0 =	sne.s32 s2, $0x0  }
0x1b0: {  	s3 =	rddreg [dreg:$0x2];
	[bflag:$0x3] =	sbarrier.arrive $0xFFFF;
	s2 =	simm.s32 @!p0 $0x1C07  }
0x1b1: {  	[timem:s3], [sflag:s2] =	dma.local @!p0 [hbm:s0], s1  }
0x1b2: {  	s0 =	simm.s32 @!p0 $0x7  }
0x1b3: {  	_ =	swait.ge @!p0 [sflag:s0], s1  }
0x1b4: {  	s1 =	ssub.s32 @!p0 $0x0, s1;
	[sflag:s0] =	ssyncset.done @!p0 $0x0  }
0x1b5: {  	[sflag:s0] =	ssyncadd.s32 @!p0 s1  }
0x1b6: {  	[bflag:$0x3] =	sbarrier.arrive $0xFFFF  }
0x1b7: {  	_ =	shalt  }

</sc_bundles>
